<compile_context>
chip_gen: v7x
topology: tpu7x:2x2x1
jax: 0.10.2.dev20260603
libtpu: 0.0.44.dev20260713+nightly
codegen_flags: <defaults>
</compile_context>

<pallas_src>
import jax
import jax.numpy as jnp
from jax import lax
from jax.experimental import pallas as pl
from jax.experimental.pallas import tpu as pltpu
from jax.experimental.pallas import tpu_sc as plsc

N_PIX = 16 * 384 * 384
COLS = 384
ROWS = N_PIX // COLS
NC, NS, L = 2, 16, 16
NW = NC * NS
RW = ROWS // NW
CR = 32
NCHUNK = RW // CR
B = 256
BP = B + 17
HIST = L * BP


def _sc_histograms(rl_hbm, al_hbm, rp_hbm, ap_hbm, hist_out,
                   rlb, alb, rpb, apb,
                   h_cnt_r, h_sm_r, h_cnt_a, h_sm_a, sem):
    wid = lax.axis_index("s") * NC + lax.axis_index("c")
    row0 = wid * RW
    lane_bp = lax.iota(jnp.int32, L) * BP
    zeros = jnp.zeros((L,), jnp.float32)
    ones = jnp.ones((L,), jnp.float32)

    def zero_body(i, c):
        h_cnt_r[pl.ds(i * L, L)] = zeros
        h_sm_r[pl.ds(i * L, L)] = zeros
        h_cnt_a[pl.ds(i * L, L)] = zeros
        h_sm_a[pl.ds(i * L, L)] = zeros
        return c
    lax.fori_loop(0, HIST // L, zero_body, 0)

    srcs = (rl_hbm, al_hbm, rp_hbm, ap_hbm)
    bufs = (rlb, alb, rpb, apb)

    def start(c):
        d = c % 2
        return [pltpu.async_copy(s.at[pl.ds(row0 + c * CR, CR), :],
                                 b.at[d], sem)
                for s, b in zip(srcs, bufs)]

    def one_pair(label, pred, h_cnt, h_sm):
        dd = (pred - label) * float(B) ** 0.5
        q = dd * dd
        binf = jnp.minimum(q, float(B - 1))
        bin_ = binf.astype(jnp.int32)
        bin_ = jnp.where(label <= 0.1, bin_, B)
        idx = lane_bp + bin_
        plsc.addupdate_scatter(h_cnt, [idx], ones)
        plsc.addupdate_scatter(h_sm, [idx], q)

    start(0)
    start(1)

    def chunk_pair(c0, carry):
        for b in (0, 1):
            c = 2 * c0 + b
            for s, bf in zip(srcs, bufs):
                pltpu.make_async_copy(s.at[pl.ds(row0, CR), :],
                                      bf.at[b], sem).wait()

            def rows(r4, cc, b=b):
                @plsc.parallel_loop(0, COLS, L)
                def _grp(u, b=b, r4=r4):
                    sl = pl.ds(u, L)
                    for i in range(4):
                        r = 4 * r4 + i
                        one_pair(rlb[b, r, sl], rpb[b, r, sl],
                                 h_cnt_r, h_sm_r)
                        one_pair(alb[b, r, sl], apb[b, r, sl],
                                 h_cnt_a, h_sm_a)
                return cc
            lax.fori_loop(0, CR // 4, rows, 0)

            @pl.when(c + 2 < NCHUNK)
            def _prefetch(c=c, b=b):
                for s, bf in zip(srcs, bufs):
                    pltpu.async_copy(
                        s.at[pl.ds(row0 + (c + 2) * CR, CR), :],
                        bf.at[b], sem)
        return carry

    lax.fori_loop(0, NCHUNK // 2, chunk_pair, 0)

    for q, h in enumerate((h_cnt_r, h_sm_r, h_cnt_a, h_sm_a)):
        pltpu.sync_copy(h, hist_out.at[wid * 4 + q])


def _tc_finish(nmin_ref, rto_ref, hist_ref, out_ref):
    nmin = nmin_ref[0, 0]
    rto = rto_ref[0, 0]
    h4 = hist_ref[...].reshape(NW, 4, L, BP)
    h4 = jnp.sum(jnp.sum(h4, axis=0), axis=1)
    rowi = lax.broadcasted_iota(jnp.int32, (4, 1), 0)
    h4 = h4 * jnp.where(rowi % 2 == 1, 1.0 / B, 1.0)
    h = h4[:, :B]

    br = lax.broadcasted_iota(jnp.int32, (B, B), 0)
    bc = lax.broadcasted_iota(jnp.int32, (B, B), 1)
    tmat = (br >= bc).astype(jnp.float32)
    hcum = jnp.dot(h, tmat, preferred_element_type=jnp.float32)

    biota = lax.broadcasted_iota(jnp.int32, (1, B), 1).astype(jnp.float32)

    def topsum(cnt, sm, ccum, scum, k):
        ok = ccum >= k
        bstar = jnp.max(jnp.where(ok, biota, -1.0))
        sel = biota == bstar
        cnt_b = jnp.sum(jnp.where(sel, cnt, 0.0))
        sm_b = jnp.sum(jnp.where(sel, sm, 0.0))
        ccum_b = jnp.sum(jnp.where(sel, ccum, 0.0))
        scum_b = jnp.sum(jnp.where(sel, scum, 0.0))
        total_c = jnp.max(ccum)
        total_s = jnp.max(scum)
        r = k - (ccum_b - cnt_b)
        est = (scum_b - sm_b) + r * sm_b / jnp.maximum(cnt_b, 1.0)
        est = jnp.where(k >= total_c, total_s, est)
        return jnp.where(k <= 0.0, 0.0, est)

    def one_loss(q_cnt, q_sm):
        cnt = h[q_cnt:q_cnt + 1]
        sm = h[q_sm:q_sm + 1]
        ccum = hcum[q_cnt:q_cnt + 1]
        scum = hcum[q_sm:q_sm + 1]
        npn = jnp.max(ccum)
        ppn = h4[q_cnt, B]
        psum = h4[q_sm, B]
        min_neg = topsum(cnt, sm, ccum, scum, nmin) / nmin
        k2 = jnp.floor(rto * ppn)
        k_loss = jnp.where(ppn > 0.0,
                           topsum(cnt, sm, ccum, scum, k2)
                           / jnp.maximum(ppn * rto, 1.0), 0.0)
        neg = jnp.where(ppn != 0.0,
                        jnp.where(npn < rto * ppn, min_neg, k_loss),
                        min_neg)
        pos = jnp.where(ppn != 0.0, psum / jnp.maximum(ppn, 1.0), 0.0)
        return pos + neg

    loss_r = one_loss(0, 1)
    loss_a = one_loss(2, 3)
    out_ref[...] = jnp.reshape(loss_r + loss_a, (1, 1))


@jax.jit
def _maploss(rl, al, rp, ap, rto_f, nmin_f):
    as2d = lambda x: x.reshape(ROWS, COLS)
    sc_call = pl.kernel(
        _sc_histograms,
        out_type=jax.ShapeDtypeStruct((4 * NW, HIST), jnp.float32),
        mesh=plsc.VectorSubcoreMesh(
            core_axis_name="c", subcore_axis_name="s",
            num_cores=NC, num_subcores=NS),
        compiler_params=pltpu.CompilerParams(needs_layout_passes=False),
        scratch_types=(
            pltpu.VMEM((2, CR, COLS), jnp.float32),
            pltpu.VMEM((2, CR, COLS), jnp.float32),
            pltpu.VMEM((2, CR, COLS), jnp.float32),
            pltpu.VMEM((2, CR, COLS), jnp.float32),
            pltpu.VMEM((HIST,), jnp.float32),
            pltpu.VMEM((HIST,), jnp.float32),
            pltpu.VMEM((HIST,), jnp.float32),
            pltpu.VMEM((HIST,), jnp.float32),
            pltpu.SemaphoreType.DMA,
        ),
    )
    hist = sc_call(as2d(rl), as2d(al), as2d(rp), as2d(ap))

    out = pl.pallas_call(
        _tc_finish,
        out_shape=jax.ShapeDtypeStruct((1, 1), jnp.float32),
        in_specs=[
            pl.BlockSpec(memory_space=pltpu.SMEM),
            pl.BlockSpec(memory_space=pltpu.SMEM),
            pl.BlockSpec(memory_space=pltpu.VMEM),
        ],
        out_specs=pl.BlockSpec(memory_space=pltpu.VMEM),
    )(nmin_f, rto_f, hist)
    return out[0, 0]


def kernel(region_scores_label, affinity_socres_label, region_scores_pre,
           affinity_scores_pre, mask, neg_rto, n_min_neg):
    del mask
    rto_f = jnp.asarray(neg_rto, jnp.float32).reshape(1, 1)
    nmin_f = jnp.asarray(n_min_neg, jnp.float32).reshape(1, 1)
    return _maploss(region_scores_label, affinity_socres_label,
                    region_scores_pre, affinity_scores_pre,
                    rto_f, nmin_f)

# --- scband reference (transcript-rebuilt; emitter-appended) ---
"""Pipeline reference for scband-maploss-v2-5506148073603 (READ-ONLY COPY).

The authoritative reference and input builder live on the scoring server;
editing this copy changes nothing except your own understanding.
"""

import jax, jax.numpy as jnp
import numpy as np

SHAPE = (16, 384, 384)


def setup_inputs(seed: int = 0):
    key = jax.random.key(seed)
    k1, k2, k3, k4 = jax.random.split(key, 4)
    return {
        "region_scores_label": jax.random.uniform(k1, SHAPE, jnp.float32),
        "affinity_socres_label": jax.random.uniform(k2, SHAPE, jnp.float32),
        "region_scores_pre": jax.random.uniform(k3, SHAPE, jnp.float32),
        "affinity_scores_pre": jax.random.uniform(k4, SHAPE, jnp.float32),
        "mask": jnp.ones(SHAPE, jnp.float32),
        "neg_rto": 3,
        "n_min_neg": 5000,
    }


def _batch_image_loss(pred_score, label_score, neg_rto, n_min_neg):
    positive_pixel = (label_score > 0.1).astype(jnp.float32)
    ppn = jnp.sum(positive_pixel)
    negative_pixel = (label_score <= 0.1).astype(jnp.float32)
    npn = jnp.sum(negative_pixel)
    positive_loss_region = pred_score * positive_pixel
    negative_loss_region = pred_score * negative_pixel
    flat = negative_loss_region.reshape(-1)
    n = flat.shape[0]
    sorted_desc = jax.lax.top_k(flat, n)[0]
    ranks = jnp.arange(n)
    n_min = jnp.asarray(n_min_neg).astype(jnp.int32)
    min_neg_loss = jnp.sum(jnp.where(ranks < n_min, sorted_desc, 0.0)) / jnp.asarray(n_min_neg).astype(jnp.float32)
    k = jnp.floor(neg_rto * ppn).astype(jnp.int32)
    k_loss = jnp.sum(jnp.where(ranks < k, sorted_desc, 0.0)) / (ppn * neg_rto)
    negative_loss = jnp.where(
        ppn != 0.0,
        jnp.where(npn < neg_rto * ppn, min_neg_loss, k_loss),
        min_neg_loss,
    )
    positive_loss = jnp.where(ppn != 0.0, jnp.sum(positive_loss_region) / ppn, 0.0)
    return positive_loss + negative_loss


def reference(region_scores_label, affinity_socres_label, region_scores_pre, affinity_scores_pre, mask, neg_rto, n_min_neg):
    loss1 = (region_scores_pre - region_scores_label) ** 2
    loss2 = (affinity_scores_pre - affinity_socres_label) ** 2
    loss_region = loss1 * mask
    loss_affinity = loss2 * mask
    char_loss = _batch_image_loss(loss_region, region_scores_label, neg_rto, n_min_neg)
    affi_loss = _batch_image_loss(loss_affinity, affinity_socres_label, neg_rto, n_min_neg)
    return char_loss + affi_loss

if __name__ == "__main__":
    import jax
    _d = setup_inputs()
    print(jax.jit(kernel)(*tuple(_d.values())))

</pallas_src>

<mosaic_0001>
#map = affine_map<(d0, d1) -> (0, 0)>
module attributes {stable_mosaic.version = 14 : i64} {
  func.func @_sc_histograms(%arg0: i32, %arg1: i32, %arg2: memref<6144x384xf32, #tpu.memory_space<hbm>>, %arg3: memref<6144x384xf32, #tpu.memory_space<hbm>>, %arg4: memref<6144x384xf32, #tpu.memory_space<hbm>>, %arg5: memref<6144x384xf32, #tpu.memory_space<hbm>>, %arg6: memref<128x4368xf32, #tpu.memory_space<hbm>>, %arg7: memref<2x32x384xf32, #tpu.memory_space<vmem>>, %arg8: memref<2x32x384xf32, #tpu.memory_space<vmem>>, %arg9: memref<2x32x384xf32, #tpu.memory_space<vmem>>, %arg10: memref<2x32x384xf32, #tpu.memory_space<vmem>>, %arg11: memref<4368xf32, #tpu.memory_space<vmem>>, %arg12: memref<4368xf32, #tpu.memory_space<vmem>>, %arg13: memref<4368xf32, #tpu.memory_space<vmem>>, %arg14: memref<4368xf32, #tpu.memory_space<vmem>>, %arg15: memref<!tpu.dma_semaphore, #tpu.memory_space<semaphore_mem>>) attributes {dimension_semantics = [#tpu.dimension_semantics<core_parallel>, #tpu.dimension_semantics<subcore_parallel>], iteration_bounds = array<i64: 2, 16>, scalar_prefetch = 0 : i64, scratch_operands = 9 : i64, tpu.core_type = #tpu.core_type<sc_vector_subcore>, window_params = [{transform_indices = #map}, {transform_indices = #map}, {transform_indices = #map}, {transform_indices = #map}, {transform_indices = #map}]} {
    %mul3A = arith.constant 2 : i32
    %mul3A_0 = arith.muli %arg1, %mul3A : i32
    %add3A = arith.addi %mul3A_0, %arg0 : i32
    %mul3A_1 = arith.constant 192 : i32
    %mul3A_2 = arith.muli %add3A, %mul3A_1 : i32
    %iota3A = tpu.iota {dimensions = array<i32: 0>} : vector<16xi32>
    %mul3A_3 = arith.constant 273 : i32
    %mul3A_4 = vector.broadcast %mul3A_3 : i32 to vector<16xi32>
    %mul3A_5 = arith.muli %iota3A, %mul3A_4 : vector<16xi32>
    %broadcast_in_dim3A = arith.constant 0.000000e+00 : f32
    %broadcast_in_dim3A_6 = vector.broadcast %broadcast_in_dim3A : f32 to vector<16xf32>
    %broadcast_in_dim3A_7 = arith.constant 1.000000e+00 : f32
    %broadcast_in_dim3A_8 = vector.broadcast %broadcast_in_dim3A_7 : f32 to vector<16xf32>
    %scan3A = arith.constant 0 : i32
    %scan3A_9 = arith.constant 0 : i32
    %scan3A_10 = arith.constant 273 : i32
    %scan3A_11 = arith.addi %scan3A_9, %scan3A_10 : i32
    %scan3A_12 = arith.constant 1 : i32
    scf.for %scan3A_155 = %scan3A_9 to %scan3A_11 step %scan3A_12  : i32 {
      %mul3A_156 = arith.constant 16 : i32
      %mul3A_157 = arith.muli %scan3A_155, %mul3A_156 : i32
      %swap3A = arith.index_cast %mul3A_157 : i32 to index
      %swap3A_158 = tpu.vector_load %arg11[%swap3A] {strides = array<i32>} : memref<4368xf32, #tpu.memory_space<vmem>>, vector<16xf32>,
      tpu.vector_store %arg11[%swap3A], %broadcast_in_dim3A_6 {strides = array<i32>} : memref<4368xf32, #tpu.memory_space<vmem>>, vector<16xf32>,
      %mul3A_159 = arith.constant 16 : i32
      %mul3A_160 = arith.muli %scan3A_155, %mul3A_159 : i32
      %swap3A_161 = arith.index_cast %mul3A_160 : i32 to index
      %swap3A_162 = tpu.vector_load %arg12[%swap3A_161] {strides = array<i32>} : memref<4368xf32, #tpu.memory_space<vmem>>, vector<16xf32>,
      tpu.vector_store %arg12[%swap3A_161], %broadcast_in_dim3A_6 {strides = array<i32>} : memref<4368xf32, #tpu.memory_space<vmem>>, vector<16xf32>,
      %mul3A_163 = arith.constant 16 : i32
      %mul3A_164 = arith.muli %scan3A_155, %mul3A_163 : i32
      %swap3A_165 = arith.index_cast %mul3A_164 : i32 to index
      %swap3A_166 = tpu.vector_load %arg13[%swap3A_165] {strides = array<i32>} : memref<4368xf32, #tpu.memory_space<vmem>>, vector<16xf32>,
      tpu.vector_store %arg13[%swap3A_165], %broadcast_in_dim3A_6 {strides = array<i32>} : memref<4368xf32, #tpu.memory_space<vmem>>, vector<16xf32>,
      %mul3A_167 = arith.constant 16 : i32
      %mul3A_168 = arith.muli %scan3A_155, %mul3A_167 : i32
      %swap3A_169 = arith.index_cast %mul3A_168 : i32 to index
      %swap3A_170 = tpu.vector_load %arg14[%swap3A_169] {strides = array<i32>} : memref<4368xf32, #tpu.memory_space<vmem>>, vector<16xf32>,
      tpu.vector_store %arg14[%swap3A_169], %broadcast_in_dim3A_6 {strides = array<i32>} : memref<4368xf32, #tpu.memory_space<vmem>>, vector<16xf32>,
    }
    %scan3A_13 = arith.constant 273 : i32
    %add3A_14 = arith.constant 0 : i32
    %add3A_15 = arith.addi %mul3A_2, %add3A_14 : i32
    %dma_start3A = arith.constant 0 : i32
    %dma_start3A_16 = arith.constant 0 : i32
    %dma_start3A_17 = arith.constant 0 : i32
    %dma_start3A_18 = tpu.memref_slice %arg7[%dma_start3A, %dma_start3A_16, %dma_start3A_17] : memref<2x32x384xf32, #tpu.memory_space<vmem>> -> memref<1x32x384xf32, #tpu.memory_space<vmem>>
    %dma_start3A_19 = tpu.memref_squeeze %dma_start3A_18 : memref<1x32x384xf32, #tpu.memory_space<vmem>> -> memref<32x384xf32, #tpu.memory_space<vmem>>
    %dma_start3A_20 = arith.constant 0 : i32
    %dma_start3A_21 = tpu.memref_slice %arg2[%add3A_15, %dma_start3A_20] : memref<6144x384xf32, #tpu.memory_space<hbm>> -> memref<32x384xf32, #tpu.memory_space<hbm>>
    %dma_start3A_22 = arith.constant 0 : i32
    %dma_start3A_23 = arith.constant 0 : i32
    %dma_start3A_24 = tpu.memref_slice %arg7[%dma_start3A, %dma_start3A_22, %dma_start3A_23] : memref<2x32x384xf32, #tpu.memory_space<vmem>> -> memref<1x32x384xf32, #tpu.memory_space<vmem>>
    %dma_start3A_25 = tpu.memref_squeeze %dma_start3A_24 : memref<1x32x384xf32, #tpu.memory_space<vmem>> -> memref<32x384xf32, #tpu.memory_space<vmem>>
    %dma_start3A_26 = arith.constant 0 : i32
    %dma_start3A_27 = tpu.memref_slice %arg2[%add3A_15, %dma_start3A_26] : memref<6144x384xf32, #tpu.memory_space<hbm>> -> memref<32x384xf32, #tpu.memory_space<hbm>>
    tpu.enqueue_dma source(%dma_start3A_27 : memref<32x384xf32, #tpu.memory_space<hbm>>) target(%dma_start3A_25 : memref<32x384xf32, #tpu.memory_space<vmem>>) target_semaphore(%arg15 : memref<!tpu.dma_semaphore, #tpu.memory_space<semaphore_mem>>)
    %add3A_28 = arith.constant 0 : i32
    %add3A_29 = arith.addi %mul3A_2, %add3A_28 : i32
    %dma_start3A_30 = arith.constant 0 : i32
    %dma_start3A_31 = arith.constant 0 : i32
    %dma_start3A_32 = arith.constant 0 : i32
    %dma_start3A_33 = tpu.memref_slice %arg8[%dma_start3A_30, %dma_start3A_31, %dma_start3A_32] : memref<2x32x384xf32, #tpu.memory_space<vmem>> -> memref<1x32x384xf32, #tpu.memory_space<vmem>>
    %dma_start3A_34 = tpu.memref_squeeze %dma_start3A_33 : memref<1x32x384xf32, #tpu.memory_space<vmem>> -> memref<32x384xf32, #tpu.memory_space<vmem>>
    %dma_start3A_35 = arith.constant 0 : i32
    %dma_start3A_36 = tpu.memref_slice %arg3[%add3A_29, %dma_start3A_35] : memref<6144x384xf32, #tpu.memory_space<hbm>> -> memref<32x384xf32, #tpu.memory_space<hbm>>
    %dma_start3A_37 = arith.constant 0 : i32
    %dma_start3A_38 = arith.constant 0 : i32
    %dma_start3A_39 = tpu.memref_slice %arg8[%dma_start3A_30, %dma_start3A_37, %dma_start3A_38] : memref<2x32x384xf32, #tpu.memory_space<vmem>> -> memref<1x32x384xf32, #tpu.memory_space<vmem>>
    %dma_start3A_40 = tpu.memref_squeeze %dma_start3A_39 : memref<1x32x384xf32, #tpu.memory_space<vmem>> -> memref<32x384xf32, #tpu.memory_space<vmem>>
    %dma_start3A_41 = arith.constant 0 : i32
    %dma_start3A_42 = tpu.memref_slice %arg3[%add3A_29, %dma_start3A_41] : memref<6144x384xf32, #tpu.memory_space<hbm>> -> memref<32x384xf32, #tpu.memory_space<hbm>>
    tpu.enqueue_dma source(%dma_start3A_42 : memref<32x384xf32, #tpu.memory_space<hbm>>) target(%dma_start3A_40 : memref<32x384xf32, #tpu.memory_space<vmem>>) target_semaphore(%arg15 : memref<!tpu.dma_semaphore, #tpu.memory_space<semaphore_mem>>)
    %add3A_43 = arith.constant 0 : i32
    %add3A_44 = arith.addi %mul3A_2, %add3A_43 : i32
    %dma_start3A_45 = arith.constant 0 : i32
    %dma_start3A_46 = arith.constant 0 : i32
    %dma_start3A_47 = arith.constant 0 : i32
    %dma_start3A_48 = tpu.memref_slice %arg9[%dma_start3A_45, %dma_start3A_46, %dma_start3A_47] : memref<2x32x384xf32, #tpu.memory_space<vmem>> -> memref<1x32x384xf32, #tpu.memory_space<vmem>>
    %dma_start3A_49 = tpu.memref_squeeze %dma_start3A_48 : memref<1x32x384xf32, #tpu.memory_space<vmem>> -> memref<32x384xf32, #tpu.memory_space<vmem>>
    %dma_start3A_50 = arith.constant 0 : i32
    %dma_start3A_51 = tpu.memref_slice %arg4[%add3A_44, %dma_start3A_50] : memref<6144x384xf32, #tpu.memory_space<hbm>> -> memref<32x384xf32, #tpu.memory_space<hbm>>
    %dma_start3A_52 = arith.constant 0 : i32
    %dma_start3A_53 = arith.constant 0 : i32
    %dma_start3A_54 = tpu.memref_slice %arg9[%dma_start3A_45, %dma_start3A_52, %dma_start3A_53] : memref<2x32x384xf32, #tpu.memory_space<vmem>> -> memref<1x32x384xf32, #tpu.memory_space<vmem>>
    %dma_start3A_55 = tpu.memref_squeeze %dma_start3A_54 : memref<1x32x384xf32, #tpu.memory_space<vmem>> -> memref<32x384xf32, #tpu.memory_space<vmem>>
    %dma_start3A_56 = arith.constant 0 : i32
    %dma_start3A_57 = tpu.memref_slice %arg4[%add3A_44, %dma_start3A_56] : memref<6144x384xf32, #tpu.memory_space<hbm>> -> memref<32x384xf32, #tpu.memory_space<hbm>>
    tpu.enqueue_dma source(%dma_start3A_57 : memref<32x384xf32, #tpu.memory_space<hbm>>) target(%dma_start3A_55 : memref<32x384xf32, #tpu.memory_space<vmem>>) target_semaphore(%arg15 : memref<!tpu.dma_semaphore, #tpu.memory_space<semaphore_mem>>)
    %add3A_58 = arith.constant 0 : i32
    %add3A_59 = arith.addi %mul3A_2, %add3A_58 : i32
    %dma_start3A_60 = arith.constant 0 : i32
    %dma_start3A_61 = arith.constant 0 : i32
    %dma_start3A_62 = arith.constant 0 : i32
    %dma_start3A_63 = tpu.memref_slice %arg10[%dma_start3A_60, %dma_start3A_61, %dma_start3A_62] : memref<2x32x384xf32, #tpu.memory_space<vmem>> -> memref<1x32x384xf32, #tpu.memory_space<vmem>>
    %dma_start3A_64 = tpu.memref_squeeze %dma_start3A_63 : memref<1x32x384xf32, #tpu.memory_space<vmem>> -> memref<32x384xf32, #tpu.memory_space<vmem>>
    %dma_start3A_65 = arith.constant 0 : i32
    %dma_start3A_66 = tpu.memref_slice %arg5[%add3A_59, %dma_start3A_65] : memref<6144x384xf32, #tpu.memory_space<hbm>> -> memref<32x384xf32, #tpu.memory_space<hbm>>
    %dma_start3A_67 = arith.constant 0 : i32
    %dma_start3A_68 = arith.constant 0 : i32
    %dma_start3A_69 = tpu.memref_slice %arg10[%dma_start3A_60, %dma_start3A_67, %dma_start3A_68] : memref<2x32x384xf32, #tpu.memory_space<vmem>> -> memref<1x32x384xf32, #tpu.memory_space<vmem>>
    %dma_start3A_70 = tpu.memref_squeeze %dma_start3A_69 : memref<1x32x384xf32, #tpu.memory_space<vmem>> -> memref<32x384xf32, #tpu.memory_space<vmem>>
    %dma_start3A_71 = arith.constant 0 : i32
    %dma_start3A_72 = tpu.memref_slice %arg5[%add3A_59, %dma_start3A_71] : memref<6144x384xf32, #tpu.memory_space<hbm>> -> memref<32x384xf32, #tpu.memory_space<hbm>>
    tpu.enqueue_dma source(%dma_start3A_72 : memref<32x384xf32, #tpu.memory_space<hbm>>) target(%dma_start3A_70 : memref<32x384xf32, #tpu.memory_space<vmem>>) target_semaphore(%arg15 : memref<!tpu.dma_semaphore, #tpu.memory_space<semaphore_mem>>)
    %add3A_73 = arith.constant 32 : i32
    %add3A_74 = arith.addi %mul3A_2, %add3A_73 : i32
    %dma_start3A_75 = arith.constant 1 : i32
    %dma_start3A_76 = arith.constant 0 : i32
    %dma_start3A_77 = arith.constant 0 : i32
    %dma_start3A_78 = tpu.memref_slice %arg7[%dma_start3A_75, %dma_start3A_76, %dma_start3A_77] : memref<2x32x384xf32, #tpu.memory_space<vmem>> -> memref<1x32x384xf32, #tpu.memory_space<vmem>>
    %dma_start3A_79 = tpu.memref_squeeze %dma_start3A_78 : memref<1x32x384xf32, #tpu.memory_space<vmem>> -> memref<32x384xf32, #tpu.memory_space<vmem>>
    %dma_start3A_80 = arith.constant 0 : i32
    %dma_start3A_81 = tpu.memref_slice %arg2[%add3A_74, %dma_start3A_80] : memref<6144x384xf32, #tpu.memory_space<hbm>> -> memref<32x384xf32, #tpu.memory_space<hbm>>
    %dma_start3A_82 = arith.constant 0 : i32
    %dma_start3A_83 = arith.constant 0 : i32
    %dma_start3A_84 = tpu.memref_slice %arg7[%dma_start3A_75, %dma_start3A_82, %dma_start3A_83] : memref<2x32x384xf32, #tpu.memory_space<vmem>> -> memref<1x32x384xf32, #tpu.memory_space<vmem>>
    %dma_start3A_85 = tpu.memref_squeeze %dma_start3A_84 : memref<1x32x384xf32, #tpu.memory_space<vmem>> -> memref<32x384xf32, #tpu.memory_space<vmem>>
    %dma_start3A_86 = arith.constant 0 : i32
    %dma_start3A_87 = tpu.memref_slice %arg2[%add3A_74, %dma_start3A_86] : memref<6144x384xf32, #tpu.memory_space<hbm>> -> memref<32x384xf32, #tpu.memory_space<hbm>>
    tpu.enqueue_dma source(%dma_start3A_87 : memref<32x384xf32, #tpu.memory_space<hbm>>) target(%dma_start3A_85 : memref<32x384xf32, #tpu.memory_space<vmem>>) target_semaphore(%arg15 : memref<!tpu.dma_semaphore, #tpu.memory_space<semaphore_mem>>)
    %add3A_88 = arith.constant 32 : i32
    %add3A_89 = arith.addi %mul3A_2, %add3A_88 : i32
    %dma_start3A_90 = arith.constant 1 : i32
    %dma_start3A_91 = arith.constant 0 : i32
    %dma_start3A_92 = arith.constant 0 : i32
    %dma_start3A_93 = tpu.memref_slice %arg8[%dma_start3A_90, %dma_start3A_91, %dma_start3A_92] : memref<2x32x384xf32, #tpu.memory_space<vmem>> -> memref<1x32x384xf32, #tpu.memory_space<vmem>>
    %dma_start3A_94 = tpu.memref_squeeze %dma_start3A_93 : memref<1x32x384xf32, #tpu.memory_space<vmem>> -> memref<32x384xf32, #tpu.memory_space<vmem>>
    %dma_start3A_95 = arith.constant 0 : i32
    %dma_start3A_96 = tpu.memref_slice %arg3[%add3A_89, %dma_start3A_95] : memref<6144x384xf32, #tpu.memory_space<hbm>> -> memref<32x384xf32, #tpu.memory_space<hbm>>
    %dma_start3A_97 = arith.constant 0 : i32
    %dma_start3A_98 = arith.constant 0 : i32
    %dma_start3A_99 = tpu.memref_slice %arg8[%dma_start3A_90, %dma_start3A_97, %dma_start3A_98] : memref<2x32x384xf32, #tpu.memory_space<vmem>> -> memref<1x32x384xf32, #tpu.memory_space<vmem>>
    %dma_start3A_100 = tpu.memref_squeeze %dma_start3A_99 : memref<1x32x384xf32, #tpu.memory_space<vmem>> -> memref<32x384xf32, #tpu.memory_space<vmem>>
    %dma_start3A_101 = arith.constant 0 : i32
    %dma_start3A_102 = tpu.memref_slice %arg3[%add3A_89, %dma_start3A_101] : memref<6144x384xf32, #tpu.memory_space<hbm>> -> memref<32x384xf32, #tpu.memory_space<hbm>>
    tpu.enqueue_dma source(%dma_start3A_102 : memref<32x384xf32, #tpu.memory_space<hbm>>) target(%dma_start3A_100 : memref<32x384xf32, #tpu.memory_space<vmem>>) target_semaphore(%arg15 : memref<!tpu.dma_semaphore, #tpu.memory_space<semaphore_mem>>)
    %add3A_103 = arith.constant 32 : i32
    %add3A_104 = arith.addi %mul3A_2, %add3A_103 : i32
    %dma_start3A_105 = arith.constant 1 : i32
    %dma_start3A_106 = arith.constant 0 : i32
    %dma_start3A_107 = arith.constant 0 : i32
    %dma_start3A_108 = tpu.memref_slice %arg9[%dma_start3A_105, %dma_start3A_106, %dma_start3A_107] : memref<2x32x384xf32, #tpu.memory_space<vmem>> -> memref<1x32x384xf32, #tpu.memory_space<vmem>>
    %dma_start3A_109 = tpu.memref_squeeze %dma_start3A_108 : memref<1x32x384xf32, #tpu.memory_space<vmem>> -> memref<32x384xf32, #tpu.memory_space<vmem>>
    %dma_start3A_110 = arith.constant 0 : i32
    %dma_start3A_111 = tpu.memref_slice %arg4[%add3A_104, %dma_start3A_110] : memref<6144x384xf32, #tpu.memory_space<hbm>> -> memref<32x384xf32, #tpu.memory_space<hbm>>
    %dma_start3A_112 = arith.constant 0 : i32
    %dma_start3A_113 = arith.constant 0 : i32
    %dma_start3A_114 = tpu.memref_slice %arg9[%dma_start3A_105, %dma_start3A_112, %dma_start3A_113] : memref<2x32x384xf32, #tpu.memory_space<vmem>> -> memref<1x32x384xf32, #tpu.memory_space<vmem>>
    %dma_start3A_115 = tpu.memref_squeeze %dma_start3A_114 : memref<1x32x384xf32, #tpu.memory_space<vmem>> -> memref<32x384xf32, #tpu.memory_space<vmem>>
    %dma_start3A_116 = arith.constant 0 : i32
    %dma_start3A_117 = tpu.memref_slice %arg4[%add3A_104, %dma_start3A_116] : memref<6144x384xf32, #tpu.memory_space<hbm>> -> memref<32x384xf32, #tpu.memory_space<hbm>>
    tpu.enqueue_dma source(%dma_start3A_117 : memref<32x384xf32, #tpu.memory_space<hbm>>) target(%dma_start3A_115 : memref<32x384xf32, #tpu.memory_space<vmem>>) target_semaphore(%arg15 : memref<!tpu.dma_semaphore, #tpu.memory_space<semaphore_mem>>)
    %add3A_118 = arith.constant 32 : i32
    %add3A_119 = arith.addi %mul3A_2, %add3A_118 : i32
    %dma_start3A_120 = arith.constant 1 : i32
    %dma_start3A_121 = arith.constant 0 : i32
    %dma_start3A_122 = arith.constant 0 : i32
    %dma_start3A_123 = tpu.memref_slice %arg10[%dma_start3A_120, %dma_start3A_121, %dma_start3A_122] : memref<2x32x384xf32, #tpu.memory_space<vmem>> -> memref<1x32x384xf32, #tpu.memory_space<vmem>>
    %dma_start3A_124 = tpu.memref_squeeze %dma_start3A_123 : memref<1x32x384xf32, #tpu.memory_space<vmem>> -> memref<32x384xf32, #tpu.memory_space<vmem>>
    %dma_start3A_125 = arith.constant 0 : i32
    %dma_start3A_126 = tpu.memref_slice %arg5[%add3A_119, %dma_start3A_125] : memref<6144x384xf32, #tpu.memory_space<hbm>> -> memref<32x384xf32, #tpu.memory_space<hbm>>
    %dma_start3A_127 = arith.constant 0 : i32
    %dma_start3A_128 = arith.constant 0 : i32
    %dma_start3A_129 = tpu.memref_slice %arg10[%dma_start3A_120, %dma_start3A_127, %dma_start3A_128] : memref<2x32x384xf32, #tpu.memory_space<vmem>> -> memref<1x32x384xf32, #tpu.memory_space<vmem>>
    %dma_start3A_130 = tpu.memref_squeeze %dma_start3A_129 : memref<1x32x384xf32, #tpu.memory_space<vmem>> -> memref<32x384xf32, #tpu.memory_space<vmem>>
    %dma_start3A_131 = arith.constant 0 : i32
    %dma_start3A_132 = tpu.memref_slice %arg5[%add3A_119, %dma_start3A_131] : memref<6144x384xf32, #tpu.memory_space<hbm>> -> memref<32x384xf32, #tpu.memory_space<hbm>>
    tpu.enqueue_dma source(%dma_start3A_132 : memref<32x384xf32, #tpu.memory_space<hbm>>) target(%dma_start3A_130 : memref<32x384xf32, #tpu.memory_space<vmem>>) target_semaphore(%arg15 : memref<!tpu.dma_semaphore, #tpu.memory_space<semaphore_mem>>)
    %scan3A_133 = arith.constant 0 : i32
    %scan3A_134 = arith.constant 0 : i32
    %scan3A_135 = arith.constant 3 : i32
    %scan3A_136 = arith.addi %scan3A_134, %scan3A_135 : i32
    %scan3A_137 = arith.constant 1 : i32
    scf.for %scan3A_155 = %scan3A_134 to %scan3A_136 step %scan3A_137  : i32 {
      %mul3A_156 = arith.constant 2 : i32
      %mul3A_157 = arith.muli %mul3A_156, %scan3A_155 : i32
      %add3A_158 = arith.constant 0 : i32
      %add3A_159 = arith.addi %mul3A_157, %add3A_158 : i32
      %dma_wait3A = arith.constant 0 : i32
      %dma_wait3A_160 = arith.constant 0 : i32
      %dma_wait3A_161 = arith.constant 0 : i32
      %dma_wait3A_162 = tpu.memref_slice %arg7[%dma_wait3A, %dma_wait3A_160, %dma_wait3A_161] : memref<2x32x384xf32, #tpu.memory_space<vmem>> -> memref<1x32x384xf32, #tpu.memory_space<vmem>>
      %dma_wait3A_163 = tpu.memref_squeeze %dma_wait3A_162 : memref<1x32x384xf32, #tpu.memory_space<vmem>> -> memref<32x384xf32, #tpu.memory_space<vmem>>
      %dma_wait3A_164 = arith.constant 0 : i32
      %dma_wait3A_165 = tpu.memref_slice %arg2[%mul3A_2, %dma_wait3A_164] : memref<6144x384xf32, #tpu.memory_space<hbm>> -> memref<32x384xf32, #tpu.memory_space<hbm>>
      %dma_wait3A_166 = arith.constant 0 : i32
      %dma_wait3A_167 = arith.constant 0 : i32
      %dma_wait3A_168 = tpu.memref_slice %arg7[%dma_wait3A, %dma_wait3A_166, %dma_wait3A_167] : memref<2x32x384xf32, #tpu.memory_space<vmem>> -> memref<1x32x384xf32, #tpu.memory_space<vmem>>
      %dma_wait3A_169 = tpu.memref_squeeze %dma_wait3A_168 : memref<1x32x384xf32, #tpu.memory_space<vmem>> -> memref<32x384xf32, #tpu.memory_space<vmem>>
      %dma_wait3A_170 = arith.constant 0 : i32
      %dma_wait3A_171 = tpu.memref_slice %arg2[%mul3A_2, %dma_wait3A_170] : memref<6144x384xf32, #tpu.memory_space<hbm>> -> memref<32x384xf32, #tpu.memory_space<hbm>>
      tpu.wait_dma2 semaphore(%arg15 : memref<!tpu.dma_semaphore, #tpu.memory_space<semaphore_mem>>) src(%dma_wait3A_171 : memref<32x384xf32, #tpu.memory_space<hbm>>) dst(%dma_wait3A_169 : memref<32x384xf32, #tpu.memory_space<vmem>>)
      %dma_wait3A_172 = arith.constant 0 : i32
      %dma_wait3A_173 = arith.constant 0 : i32
      %dma_wait3A_174 = arith.constant 0 : i32
      %dma_wait3A_175 = tpu.memref_slice %arg8[%dma_wait3A_172, %dma_wait3A_173, %dma_wait3A_174] : memref<2x32x384xf32, #tpu.memory_space<vmem>> -> memref<1x32x384xf32, #tpu.memory_space<vmem>>
      %dma_wait3A_176 = tpu.memref_squeeze %dma_wait3A_175 : memref<1x32x384xf32, #tpu.memory_space<vmem>> -> memref<32x384xf32, #tpu.memory_space<vmem>>
      %dma_wait3A_177 = arith.constant 0 : i32
      %dma_wait3A_178 = tpu.memref_slice %arg3[%mul3A_2, %dma_wait3A_177] : memref<6144x384xf32, #tpu.memory_space<hbm>> -> memref<32x384xf32, #tpu.memory_space<hbm>>
      %dma_wait3A_179 = arith.constant 0 : i32
      %dma_wait3A_180 = arith.constant 0 : i32
      %dma_wait3A_181 = tpu.memref_slice %arg8[%dma_wait3A_172, %dma_wait3A_179, %dma_wait3A_180] : memref<2x32x384xf32, #tpu.memory_space<vmem>> -> memref<1x32x384xf32, #tpu.memory_space<vmem>>
      %dma_wait3A_182 = tpu.memref_squeeze %dma_wait3A_181 : memref<1x32x384xf32, #tpu.memory_space<vmem>> -> memref<32x384xf32, #tpu.memory_space<vmem>>
      %dma_wait3A_183 = arith.constant 0 : i32
      %dma_wait3A_184 = tpu.memref_slice %arg3[%mul3A_2, %dma_wait3A_183] : memref<6144x384xf32, #tpu.memory_space<hbm>> -> memref<32x384xf32, #tpu.memory_space<hbm>>
      tpu.wait_dma2 semaphore(%arg15 : memref<!tpu.dma_semaphore, #tpu.memory_space<semaphore_mem>>) src(%dma_wait3A_184 : memref<32x384xf32, #tpu.memory_space<hbm>>) dst(%dma_wait3A_182 : memref<32x384xf32, #tpu.memory_space<vmem>>)
      %dma_wait3A_185 = arith.constant 0 : i32
      %dma_wait3A_186 = arith.constant 0 : i32
      %dma_wait3A_187 = arith.constant 0 : i32
      %dma_wait3A_188 = tpu.memref_slice %arg9[%dma_wait3A_185, %dma_wait3A_186, %dma_wait3A_187] : memref<2x32x384xf32, #tpu.memory_space<vmem>> -> memref<1x32x384xf32, #tpu.memory_space<vmem>>
      %dma_wait3A_189 = tpu.memref_squeeze %dma_wait3A_188 : memref<1x32x384xf32, #tpu.memory_space<vmem>> -> memref<32x384xf32, #tpu.memory_space<vmem>>
      %dma_wait3A_190 = arith.constant 0 : i32
      %dma_wait3A_191 = tpu.memref_slice %arg4[%mul3A_2, %dma_wait3A_190] : memref<6144x384xf32, #tpu.memory_space<hbm>> -> memref<32x384xf32, #tpu.memory_space<hbm>>
      %dma_wait3A_192 = arith.constant 0 : i32
      %dma_wait3A_193 = arith.constant 0 : i32
      %dma_wait3A_194 = tpu.memref_slice %arg9[%dma_wait3A_185, %dma_wait3A_192, %dma_wait3A_193] : memref<2x32x384xf32, #tpu.memory_space<vmem>> -> memref<1x32x384xf32, #tpu.memory_space<vmem>>
      %dma_wait3A_195 = tpu.memref_squeeze %dma_wait3A_194 : memref<1x32x384xf32, #tpu.memory_space<vmem>> -> memref<32x384xf32, #tpu.memory_space<vmem>>
      %dma_wait3A_196 = arith.constant 0 : i32
      %dma_wait3A_197 = tpu.memref_slice %arg4[%mul3A_2, %dma_wait3A_196] : memref<6144x384xf32, #tpu.memory_space<hbm>> -> memref<32x384xf32, #tpu.memory_space<hbm>>
      tpu.wait_dma2 semaphore(%arg15 : memref<!tpu.dma_semaphore, #tpu.memory_space<semaphore_mem>>) src(%dma_wait3A_197 : memref<32x384xf32, #tpu.memory_space<hbm>>) dst(%dma_wait3A_195 : memref<32x384xf32, #tpu.memory_space<vmem>>)
      %dma_wait3A_198 = arith.constant 0 : i32
      %dma_wait3A_199 = arith.constant 0 : i32
      %dma_wait3A_200 = arith.constant 0 : i32
      %dma_wait3A_201 = tpu.memref_slice %arg10[%dma_wait3A_198, %dma_wait3A_199, %dma_wait3A_200] : memref<2x32x384xf32, #tpu.memory_space<vmem>> -> memref<1x32x384xf32, #tpu.memory_space<vmem>>
      %dma_wait3A_202 = tpu.memref_squeeze %dma_wait3A_201 : memref<1x32x384xf32, #tpu.memory_space<vmem>> -> memref<32x384xf32, #tpu.memory_space<vmem>>
      %dma_wait3A_203 = arith.constant 0 : i32
      %dma_wait3A_204 = tpu.memref_slice %arg5[%mul3A_2, %dma_wait3A_203] : memref<6144x384xf32, #tpu.memory_space<hbm>> -> memref<32x384xf32, #tpu.memory_space<hbm>>
      %dma_wait3A_205 = arith.constant 0 : i32
      %dma_wait3A_206 = arith.constant 0 : i32
      %dma_wait3A_207 = tpu.memref_slice %arg10[%dma_wait3A_198, %dma_wait3A_205, %dma_wait3A_206] : memref<2x32x384xf32, #tpu.memory_space<vmem>> -> memref<1x32x384xf32, #tpu.memory_space<vmem>>
      %dma_wait3A_208 = tpu.memref_squeeze %dma_wait3A_207 : memref<1x32x384xf32, #tpu.memory_space<vmem>> -> memref<32x384xf32, #tpu.memory_space<vmem>>
      %dma_wait3A_209 = arith.constant 0 : i32
      %dma_wait3A_210 = tpu.memref_slice %arg5[%mul3A_2, %dma_wait3A_209] : memref<6144x384xf32, #tpu.memory_space<hbm>> -> memref<32x384xf32, #tpu.memory_space<hbm>>
      tpu.wait_dma2 semaphore(%arg15 : memref<!tpu.dma_semaphore, #tpu.memory_space<semaphore_mem>>) src(%dma_wait3A_210 : memref<32x384xf32, #tpu.memory_space<hbm>>) dst(%dma_wait3A_208 : memref<32x384xf32, #tpu.memory_space<vmem>>)
      %scan3A_211 = arith.constant 0 : i32
      %scan3A_212 = arith.constant 0 : i32
      %scan3A_213 = arith.constant 8 : i32
      %scan3A_214 = arith.addi %scan3A_212, %scan3A_213 : i32
      %scan3A_215 = arith.constant 1 : i32
      scf.for %scan3A_290 = %scan3A_212 to %scan3A_214 step %scan3A_215  : i32 {
        %parallel_loop3A = arith.constant 0 : i32
        %parallel_loop3A_291 = arith.constant 384 : i32
        %parallel_loop3A_292 = arith.constant 16 : i32
        scf.for %parallel_loop3A_293 = %parallel_loop3A to %parallel_loop3A_291 step %parallel_loop3A_292  : i32 {
          %parallel_loop3A_294 = arith.constant 4 : i32
          %parallel_loop3A_295 = arith.muli %parallel_loop3A_294, %scan3A_290 : i32
          %parallel_loop3A_296 = arith.constant 0 : i32
          %parallel_loop3A_297 = arith.addi %parallel_loop3A_295, %parallel_loop3A_296 : i32
          %parallel_loop3A_298 = arith.constant 0 : i32
          %parallel_loop3A_299 = arith.index_cast %parallel_loop3A_298 : i32 to index
          %parallel_loop3A_300 = arith.index_cast %parallel_loop3A_297 : i32 to index
          %parallel_loop3A_301 = arith.index_cast %parallel_loop3A_293 : i32 to index
          %parallel_loop3A_302 = tpu.vector_load %arg7[%parallel_loop3A_299, %parallel_loop3A_300, %parallel_loop3A_301] {strides = array<i32>} : memref<2x32x384xf32, #tpu.memory_space<vmem>>, vector<16xf32>,
          %parallel_loop3A_303 = arith.constant 0 : i32
          %parallel_loop3A_304 = arith.index_cast %parallel_loop3A_303 : i32 to index
          %parallel_loop3A_305 = arith.index_cast %parallel_loop3A_297 : i32 to index
          %parallel_loop3A_306 = arith.index_cast %parallel_loop3A_293 : i32 to index
          %parallel_loop3A_307 = tpu.vector_load %arg9[%parallel_loop3A_304, %parallel_loop3A_305, %parallel_loop3A_306] {strides = array<i32>} : memref<2x32x384xf32, #tpu.memory_space<vmem>>, vector<16xf32>,
          %parallel_loop3A_308 = arith.subf %parallel_loop3A_307, %parallel_loop3A_302 : vector<16xf32>
          %parallel_loop3A_309 = arith.constant 1.600000e+01 : f32
          %parallel_loop3A_310 = vector.broadcast %parallel_loop3A_309 : f32 to vector<16xf32>
          %parallel_loop3A_311 = arith.mulf %parallel_loop3A_308, %parallel_loop3A_310 : vector<16xf32>
          %parallel_loop3A_312 = arith.mulf %parallel_loop3A_311, %parallel_loop3A_311 : vector<16xf32>
          %parallel_loop3A_313 = arith.constant 2.550000e+02 : f32
          %parallel_loop3A_314 = vector.broadcast %parallel_loop3A_313 : f32 to vector<16xf32>
          %parallel_loop3A_315 = arith.minimumf %parallel_loop3A_312, %parallel_loop3A_314 : vector<16xf32>
          %parallel_loop3A_316 = arith.fptosi %parallel_loop3A_315 : vector<16xf32> to vector<16xi32>
          %parallel_loop3A_317 = arith.constant 1.000000e-01 : f32
          %parallel_loop3A_318 = vector.broadcast %parallel_loop3A_317 : f32 to vector<16xf32>
          %parallel_loop3A_319 = arith.cmpf ole, %parallel_loop3A_302, %parallel_loop3A_318 : vector<16xf32>
          %parallel_loop3A_320 = arith.constant 256 : i32
          %parallel_loop3A_321 = vector.broadcast %parallel_loop3A_320 : i32 to vector<16xi32>
          %parallel_loop3A_322 = arith.select %parallel_loop3A_319, %parallel_loop3A_316, %parallel_loop3A_321 : vector<16xi1>, vector<16xi32>
          %parallel_loop3A_323 = arith.addi %mul3A_5, %parallel_loop3A_322 : vector<16xi32>
          tpu.vector_store_idx %arg11[%parallel_loop3A_323], %broadcast_in_dim3A_8 {add = true} : memref<4368xf32, #tpu.memory_space<vmem>>[vector<16xi32>], vector<16xf32>,
          tpu.vector_store_idx %arg12[%parallel_loop3A_323], %parallel_loop3A_312 {add = true} : memref<4368xf32, #tpu.memory_space<vmem>>[vector<16xi32>], vector<16xf32>,
          %parallel_loop3A_324 = arith.constant 0 : i32
          %parallel_loop3A_325 = arith.index_cast %parallel_loop3A_324 : i32 to index
          %parallel_loop3A_326 = arith.index_cast %parallel_loop3A_297 : i32 to index
          %parallel_loop3A_327 = arith.index_cast %parallel_loop3A_293 : i32 to index
          %parallel_loop3A_328 = tpu.vector_load %arg8[%parallel_loop3A_325, %parallel_loop3A_326, %parallel_loop3A_327] {strides = array<i32>} : memref<2x32x384xf32, #tpu.memory_space<vmem>>, vector<16xf32>,
          %parallel_loop3A_329 = arith.constant 0 : i32
          %parallel_loop3A_330 = arith.index_cast %parallel_loop3A_329 : i32 to index
          %parallel_loop3A_331 = arith.index_cast %parallel_loop3A_297 : i32 to index
          %parallel_loop3A_332 = arith.index_cast %parallel_loop3A_293 : i32 to index
          %parallel_loop3A_333 = tpu.vector_load %arg10[%parallel_loop3A_330, %parallel_loop3A_331, %parallel_loop3A_332] {strides = array<i32>} : memref<2x32x384xf32, #tpu.memory_space<vmem>>, vector<16xf32>,
          %parallel_loop3A_334 = arith.subf %parallel_loop3A_333, %parallel_loop3A_328 : vector<16xf32>
          %parallel_loop3A_335 = arith.constant 1.600000e+01 : f32
          %parallel_loop3A_336 = vector.broadcast %parallel_loop3A_335 : f32 to vector<16xf32>
          %parallel_loop3A_337 = arith.mulf %parallel_loop3A_334, %parallel_loop3A_336 : vector<16xf32>
          %parallel_loop3A_338 = arith.mulf %parallel_loop3A_337, %parallel_loop3A_337 : vector<16xf32>
          %parallel_loop3A_339 = arith.constant 2.550000e+02 : f32
          %parallel_loop3A_340 = vector.broadcast %parallel_loop3A_339 : f32 to vector<16xf32>
          %parallel_loop3A_341 = arith.minimumf %parallel_loop3A_338, %parallel_loop3A_340 : vector<16xf32>
          %parallel_loop3A_342 = arith.fptosi %parallel_loop3A_341 : vector<16xf32> to vector<16xi32>
          %parallel_loop3A_343 = arith.constant 1.000000e-01 : f32
          %parallel_loop3A_344 = vector.broadcast %parallel_loop3A_343 : f32 to vector<16xf32>
          %parallel_loop3A_345 = arith.cmpf ole, %parallel_loop3A_328, %parallel_loop3A_344 : vector<16xf32>
          %parallel_loop3A_346 = arith.constant 256 : i32
          %parallel_loop3A_347 = vector.broadcast %parallel_loop3A_346 : i32 to vector<16xi32>
          %parallel_loop3A_348 = arith.select %parallel_loop3A_345, %parallel_loop3A_342, %parallel_loop3A_347 : vector<16xi1>, vector<16xi32>
          %parallel_loop3A_349 = arith.addi %mul3A_5, %parallel_loop3A_348 : vector<16xi32>
          tpu.vector_store_idx %arg13[%parallel_loop3A_349], %broadcast_in_dim3A_8 {add = true} : memref<4368xf32, #tpu.memory_space<vmem>>[vector<16xi32>], vector<16xf32>,
          tpu.vector_store_idx %arg14[%parallel_loop3A_349], %parallel_loop3A_338 {add = true} : memref<4368xf32, #tpu.memory_space<vmem>>[vector<16xi32>], vector<16xf32>,
          %parallel_loop3A_350 = arith.constant 4 : i32
          %parallel_loop3A_351 = arith.muli %parallel_loop3A_350, %scan3A_290 : i32
          %parallel_loop3A_352 = arith.constant 1 : i32
          %parallel_loop3A_353 = arith.addi %parallel_loop3A_351, %parallel_loop3A_352 : i32
          %parallel_loop3A_354 = arith.constant 0 : i32
          %parallel_loop3A_355 = arith.index_cast %parallel_loop3A_354 : i32 to index
          %parallel_loop3A_356 = arith.index_cast %parallel_loop3A_353 : i32 to index
          %parallel_loop3A_357 = arith.index_cast %parallel_loop3A_293 : i32 to index
          %parallel_loop3A_358 = tpu.vector_load %arg7[%parallel_loop3A_355, %parallel_loop3A_356, %parallel_loop3A_357] {strides = array<i32>} : memref<2x32x384xf32, #tpu.memory_space<vmem>>, vector<16xf32>,
          %parallel_loop3A_359 = arith.constant 0 : i32
          %parallel_loop3A_360 = arith.index_cast %parallel_loop3A_359 : i32 to index
          %parallel_loop3A_361 = arith.index_cast %parallel_loop3A_353 : i32 to index
          %parallel_loop3A_362 = arith.index_cast %parallel_loop3A_293 : i32 to index
          %parallel_loop3A_363 = tpu.vector_load %arg9[%parallel_loop3A_360, %parallel_loop3A_361, %parallel_loop3A_362] {strides = array<i32>} : memref<2x32x384xf32, #tpu.memory_space<vmem>>, vector<16xf32>,
          %parallel_loop3A_364 = arith.subf %parallel_loop3A_363, %parallel_loop3A_358 : vector<16xf32>
          %parallel_loop3A_365 = arith.constant 1.600000e+01 : f32
          %parallel_loop3A_366 = vector.broadcast %parallel_loop3A_365 : f32 to vector<16xf32>
          %parallel_loop3A_367 = arith.mulf %parallel_loop3A_364, %parallel_loop3A_366 : vector<16xf32>
          %parallel_loop3A_368 = arith.mulf %parallel_loop3A_367, %parallel_loop3A_367 : vector<16xf32>
          %parallel_loop3A_369 = arith.constant 2.550000e+02 : f32
          %parallel_loop3A_370 = vector.broadcast %parallel_loop3A_369 : f32 to vector<16xf32>
          %parallel_loop3A_371 = arith.minimumf %parallel_loop3A_368, %parallel_loop3A_370 : vector<16xf32>
          %parallel_loop3A_372 = arith.fptosi %parallel_loop3A_371 : vector<16xf32> to vector<16xi32>
          %parallel_loop3A_373 = arith.constant 1.000000e-01 : f32
          %parallel_loop3A_374 = vector.broadcast %parallel_loop3A_373 : f32 to vector<16xf32>
          %parallel_loop3A_375 = arith.cmpf ole, %parallel_loop3A_358, %parallel_loop3A_374 : vector<16xf32>
          %parallel_loop3A_376 = arith.constant 256 : i32
          %parallel_loop3A_377 = vector.broadcast %parallel_loop3A_376 : i32 to vector<16xi32>
          %parallel_loop3A_378 = arith.select %parallel_loop3A_375, %parallel_loop3A_372, %parallel_loop3A_377 : vector<16xi1>, vector<16xi32>
          %parallel_loop3A_379 = arith.addi %mul3A_5, %parallel_loop3A_378 : vector<16xi32>
          tpu.vector_store_idx %arg11[%parallel_loop3A_379], %broadcast_in_dim3A_8 {add = true} : memref<4368xf32, #tpu.memory_space<vmem>>[vector<16xi32>], vector<16xf32>,
          tpu.vector_store_idx %arg12[%parallel_loop3A_379], %parallel_loop3A_368 {add = true} : memref<4368xf32, #tpu.memory_space<vmem>>[vector<16xi32>], vector<16xf32>,
          %parallel_loop3A_380 = arith.constant 0 : i32
          %parallel_loop3A_381 = arith.index_cast %parallel_loop3A_380 : i32 to index
          %parallel_loop3A_382 = arith.index_cast %parallel_loop3A_353 : i32 to index
          %parallel_loop3A_383 = arith.index_cast %parallel_loop3A_293 : i32 to index
          %parallel_loop3A_384 = tpu.vector_load %arg8[%parallel_loop3A_381, %parallel_loop3A_382, %parallel_loop3A_383] {strides = array<i32>} : memref<2x32x384xf32, #tpu.memory_space<vmem>>, vector<16xf32>,
          %parallel_loop3A_385 = arith.constant 0 : i32
          %parallel_loop3A_386 = arith.index_cast %parallel_loop3A_385 : i32 to index
          %parallel_loop3A_387 = arith.index_cast %parallel_loop3A_353 : i32 to index
          %parallel_loop3A_388 = arith.index_cast %parallel_loop3A_293 : i32 to index
          %parallel_loop3A_389 = tpu.vector_load %arg10[%parallel_loop3A_386, %parallel_loop3A_387, %parallel_loop3A_388] {strides = array<i32>} : memref<2x32x384xf32, #tpu.memory_space<vmem>>, vector<16xf32>,
          %parallel_loop3A_390 = arith.subf %parallel_loop3A_389, %parallel_loop3A_384 : vector<16xf32>
          %parallel_loop3A_391 = arith.constant 1.600000e+01 : f32
          %parallel_loop3A_392 = vector.broadcast %parallel_loop3A_391 : f32 to vector<16xf32>
          %parallel_loop3A_393 = arith.mulf %parallel_loop3A_390, %parallel_loop3A_392 : vector<16xf32>
          %parallel_loop3A_394 = arith.mulf %parallel_loop3A_393, %parallel_loop3A_393 : vector<16xf32>
          %parallel_loop3A_395 = arith.constant 2.550000e+02 : f32
          %parallel_loop3A_396 = vector.broadcast %parallel_loop3A_395 : f32 to vector<16xf32>
          %parallel_loop3A_397 = arith.minimumf %parallel_loop3A_394, %parallel_loop3A_396 : vector<16xf32>
          %parallel_loop3A_398 = arith.fptosi %parallel_loop3A_397 : vector<16xf32> to vector<16xi32>
          %parallel_loop3A_399 = arith.constant 1.000000e-01 : f32
          %parallel_loop3A_400 = vector.broadcast %parallel_loop3A_399 : f32 to vector<16xf32>
          %parallel_loop3A_401 = arith.cmpf ole, %parallel_loop3A_384, %parallel_loop3A_400 : vector<16xf32>
          %parallel_loop3A_402 = arith.constant 256 : i32
          %parallel_loop3A_403 = vector.broadcast %parallel_loop3A_402 : i32 to vector<16xi32>
          %parallel_loop3A_404 = arith.select %parallel_loop3A_401, %parallel_loop3A_398, %parallel_loop3A_403 : vector<16xi1>, vector<16xi32>
          %parallel_loop3A_405 = arith.addi %mul3A_5, %parallel_loop3A_404 : vector<16xi32>
          tpu.vector_store_idx %arg13[%parallel_loop3A_405], %broadcast_in_dim3A_8 {add = true} : memref<4368xf32, #tpu.memory_space<vmem>>[vector<16xi32>], vector<16xf32>,
          tpu.vector_store_idx %arg14[%parallel_loop3A_405], %parallel_loop3A_394 {add = true} : memref<4368xf32, #tpu.memory_space<vmem>>[vector<16xi32>], vector<16xf32>,
          %parallel_loop3A_406 = arith.constant 4 : i32
          %parallel_loop3A_407 = arith.muli %parallel_loop3A_406, %scan3A_290 : i32
          %parallel_loop3A_408 = arith.constant 2 : i32
          %parallel_loop3A_409 = arith.addi %parallel_loop3A_407, %parallel_loop3A_408 : i32
          %parallel_loop3A_410 = arith.constant 0 : i32
          %parallel_loop3A_411 = arith.index_cast %parallel_loop3A_410 : i32 to index
          %parallel_loop3A_412 = arith.index_cast %parallel_loop3A_409 : i32 to index
          %parallel_loop3A_413 = arith.index_cast %parallel_loop3A_293 : i32 to index
          %parallel_loop3A_414 = tpu.vector_load %arg7[%parallel_loop3A_411, %parallel_loop3A_412, %parallel_loop3A_413] {strides = array<i32>} : memref<2x32x384xf32, #tpu.memory_space<vmem>>, vector<16xf32>,
          %parallel_loop3A_415 = arith.constant 0 : i32
          %parallel_loop3A_416 = arith.index_cast %parallel_loop3A_415 : i32 to index
          %parallel_loop3A_417 = arith.index_cast %parallel_loop3A_409 : i32 to index
          %parallel_loop3A_418 = arith.index_cast %parallel_loop3A_293 : i32 to index
          %parallel_loop3A_419 = tpu.vector_load %arg9[%parallel_loop3A_416, %parallel_loop3A_417, %parallel_loop3A_418] {strides = array<i32>} : memref<2x32x384xf32, #tpu.memory_space<vmem>>, vector<16xf32>,
          %parallel_loop3A_420 = arith.subf %parallel_loop3A_419, %parallel_loop3A_414 : vector<16xf32>
          %parallel_loop3A_421 = arith.constant 1.600000e+01 : f32
          %parallel_loop3A_422 = vector.broadcast %parallel_loop3A_421 : f32 to vector<16xf32>
          %parallel_loop3A_423 = arith.mulf %parallel_loop3A_420, %parallel_loop3A_422 : vector<16xf32>
          %parallel_loop3A_424 = arith.mulf %parallel_loop3A_423, %parallel_loop3A_423 : vector<16xf32>
          %parallel_loop3A_425 = arith.constant 2.550000e+02 : f32
          %parallel_loop3A_426 = vector.broadcast %parallel_loop3A_425 : f32 to vector<16xf32>
          %parallel_loop3A_427 = arith.minimumf %parallel_loop3A_424, %parallel_loop3A_426 : vector<16xf32>
          %parallel_loop3A_428 = arith.fptosi %parallel_loop3A_427 : vector<16xf32> to vector<16xi32>
          %parallel_loop3A_429 = arith.constant 1.000000e-01 : f32
          %parallel_loop3A_430 = vector.broadcast %parallel_loop3A_429 : f32 to vector<16xf32>
          %parallel_loop3A_431 = arith.cmpf ole, %parallel_loop3A_414, %parallel_loop3A_430 : vector<16xf32>
          %parallel_loop3A_432 = arith.constant 256 : i32
          %parallel_loop3A_433 = vector.broadcast %parallel_loop3A_432 : i32 to vector<16xi32>
          %parallel_loop3A_434 = arith.select %parallel_loop3A_431, %parallel_loop3A_428, %parallel_loop3A_433 : vector<16xi1>, vector<16xi32>
          %parallel_loop3A_435 = arith.addi %mul3A_5, %parallel_loop3A_434 : vector<16xi32>
          tpu.vector_store_idx %arg11[%parallel_loop3A_435], %broadcast_in_dim3A_8 {add = true} : memref<4368xf32, #tpu.memory_space<vmem>>[vector<16xi32>], vector<16xf32>,
          tpu.vector_store_idx %arg12[%parallel_loop3A_435], %parallel_loop3A_424 {add = true} : memref<4368xf32, #tpu.memory_space<vmem>>[vector<16xi32>], vector<16xf32>,
          %parallel_loop3A_436 = arith.constant 0 : i32
          %parallel_loop3A_437 = arith.index_cast %parallel_loop3A_436 : i32 to index
          %parallel_loop3A_438 = arith.index_cast %parallel_loop3A_409 : i32 to index
          %parallel_loop3A_439 = arith.index_cast %parallel_loop3A_293 : i32 to index
          %parallel_loop3A_440 = tpu.vector_load %arg8[%parallel_loop3A_437, %parallel_loop3A_438, %parallel_loop3A_439] {strides = array<i32>} : memref<2x32x384xf32, #tpu.memory_space<vmem>>, vector<16xf32>,
          %parallel_loop3A_441 = arith.constant 0 : i32
          %parallel_loop3A_442 = arith.index_cast %parallel_loop3A_441 : i32 to index
          %parallel_loop3A_443 = arith.index_cast %parallel_loop3A_409 : i32 to index
          %parallel_loop3A_444 = arith.index_cast %parallel_loop3A_293 : i32 to index
          %parallel_loop3A_445 = tpu.vector_load %arg10[%parallel_loop3A_442, %parallel_loop3A_443, %parallel_loop3A_444] {strides = array<i32>} : memref<2x32x384xf32, #tpu.memory_space<vmem>>, vector<16xf32>,
          %parallel_loop3A_446 = arith.subf %parallel_loop3A_445, %parallel_loop3A_440 : vector<16xf32>
          %parallel_loop3A_447 = arith.constant 1.600000e+01 : f32
          %parallel_loop3A_448 = vector.broadcast %parallel_loop3A_447 : f32 to vector<16xf32>
          %parallel_loop3A_449 = arith.mulf %parallel_loop3A_446, %parallel_loop3A_448 : vector<16xf32>
          %parallel_loop3A_450 = arith.mulf %parallel_loop3A_449, %parallel_loop3A_449 : vector<16xf32>
          %parallel_loop3A_451 = arith.constant 2.550000e+02 : f32
          %parallel_loop3A_452 = vector.broadcast %parallel_loop3A_451 : f32 to vector<16xf32>
          %parallel_loop3A_453 = arith.minimumf %parallel_loop3A_450, %parallel_loop3A_452 : vector<16xf32>
          %parallel_loop3A_454 = arith.fptosi %parallel_loop3A_453 : vector<16xf32> to vector<16xi32>
          %parallel_loop3A_455 = arith.constant 1.000000e-01 : f32
          %parallel_loop3A_456 = vector.broadcast %parallel_loop3A_455 : f32 to vector<16xf32>
          %parallel_loop3A_457 = arith.cmpf ole, %parallel_loop3A_440, %parallel_loop3A_456 : vector<16xf32>
          %parallel_loop3A_458 = arith.constant 256 : i32
          %parallel_loop3A_459 = vector.broadcast %parallel_loop3A_458 : i32 to vector<16xi32>
          %parallel_loop3A_460 = arith.select %parallel_loop3A_457, %parallel_loop3A_454, %parallel_loop3A_459 : vector<16xi1>, vector<16xi32>
          %parallel_loop3A_461 = arith.addi %mul3A_5, %parallel_loop3A_460 : vector<16xi32>
          tpu.vector_store_idx %arg13[%parallel_loop3A_461], %broadcast_in_dim3A_8 {add = true} : memref<4368xf32, #tpu.memory_space<vmem>>[vector<16xi32>], vector<16xf32>,
          tpu.vector_store_idx %arg14[%parallel_loop3A_461], %parallel_loop3A_450 {add = true} : memref<4368xf32, #tpu.memory_space<vmem>>[vector<16xi32>], vector<16xf32>,
          %parallel_loop3A_462 = arith.constant 4 : i32
          %parallel_loop3A_463 = arith.muli %parallel_loop3A_462, %scan3A_290 : i32
          %parallel_loop3A_464 = arith.constant 3 : i32
          %parallel_loop3A_465 = arith.addi %parallel_loop3A_463, %parallel_loop3A_464 : i32
          %parallel_loop3A_466 = arith.constant 0 : i32
          %parallel_loop3A_467 = arith.index_cast %parallel_loop3A_466 : i32 to index
          %parallel_loop3A_468 = arith.index_cast %parallel_loop3A_465 : i32 to index
          %parallel_loop3A_469 = arith.index_cast %parallel_loop3A_293 : i32 to index
          %parallel_loop3A_470 = tpu.vector_load %arg7[%parallel_loop3A_467, %parallel_loop3A_468, %parallel_loop3A_469] {strides = array<i32>} : memref<2x32x384xf32, #tpu.memory_space<vmem>>, vector<16xf32>,
          %parallel_loop3A_471 = arith.constant 0 : i32
          %parallel_loop3A_472 = arith.index_cast %parallel_loop3A_471 : i32 to index
          %parallel_loop3A_473 = arith.index_cast %parallel_loop3A_465 : i32 to index
          %parallel_loop3A_474 = arith.index_cast %parallel_loop3A_293 : i32 to index
          %parallel_loop3A_475 = tpu.vector_load %arg9[%parallel_loop3A_472, %parallel_loop3A_473, %parallel_loop3A_474] {strides = array<i32>} : memref<2x32x384xf32, #tpu.memory_space<vmem>>, vector<16xf32>,
          %parallel_loop3A_476 = arith.subf %parallel_loop3A_475, %parallel_loop3A_470 : vector<16xf32>
          %parallel_loop3A_477 = arith.constant 1.600000e+01 : f32
          %parallel_loop3A_478 = vector.broadcast %parallel_loop3A_477 : f32 to vector<16xf32>
          %parallel_loop3A_479 = arith.mulf %parallel_loop3A_476, %parallel_loop3A_478 : vector<16xf32>
          %parallel_loop3A_480 = arith.mulf %parallel_loop3A_479, %parallel_loop3A_479 : vector<16xf32>
          %parallel_loop3A_481 = arith.constant 2.550000e+02 : f32
          %parallel_loop3A_482 = vector.broadcast %parallel_loop3A_481 : f32 to vector<16xf32>
          %parallel_loop3A_483 = arith.minimumf %parallel_loop3A_480, %parallel_loop3A_482 : vector<16xf32>
          %parallel_loop3A_484 = arith.fptosi %parallel_loop3A_483 : vector<16xf32> to vector<16xi32>
          %parallel_loop3A_485 = arith.constant 1.000000e-01 : f32
          %parallel_loop3A_486 = vector.broadcast %parallel_loop3A_485 : f32 to vector<16xf32>
          %parallel_loop3A_487 = arith.cmpf ole, %parallel_loop3A_470, %parallel_loop3A_486 : vector<16xf32>
          %parallel_loop3A_488 = arith.constant 256 : i32
          %parallel_loop3A_489 = vector.broadcast %parallel_loop3A_488 : i32 to vector<16xi32>
          %parallel_loop3A_490 = arith.select %parallel_loop3A_487, %parallel_loop3A_484, %parallel_loop3A_489 : vector<16xi1>, vector<16xi32>
          %parallel_loop3A_491 = arith.addi %mul3A_5, %parallel_loop3A_490 : vector<16xi32>
          tpu.vector_store_idx %arg11[%parallel_loop3A_491], %broadcast_in_dim3A_8 {add = true} : memref<4368xf32, #tpu.memory_space<vmem>>[vector<16xi32>], vector<16xf32>,
          tpu.vector_store_idx %arg12[%parallel_loop3A_491], %parallel_loop3A_480 {add = true} : memref<4368xf32, #tpu.memory_space<vmem>>[vector<16xi32>], vector<16xf32>,
          %parallel_loop3A_492 = arith.constant 0 : i32
          %parallel_loop3A_493 = arith.index_cast %parallel_loop3A_492 : i32 to index
          %parallel_loop3A_494 = arith.index_cast %parallel_loop3A_465 : i32 to index
          %parallel_loop3A_495 = arith.index_cast %parallel_loop3A_293 : i32 to index
          %parallel_loop3A_496 = tpu.vector_load %arg8[%parallel_loop3A_493, %parallel_loop3A_494, %parallel_loop3A_495] {strides = array<i32>} : memref<2x32x384xf32, #tpu.memory_space<vmem>>, vector<16xf32>,
          %parallel_loop3A_497 = arith.constant 0 : i32
          %parallel_loop3A_498 = arith.index_cast %parallel_loop3A_497 : i32 to index
          %parallel_loop3A_499 = arith.index_cast %parallel_loop3A_465 : i32 to index
          %parallel_loop3A_500 = arith.index_cast %parallel_loop3A_293 : i32 to index
          %parallel_loop3A_501 = tpu.vector_load %arg10[%parallel_loop3A_498, %parallel_loop3A_499, %parallel_loop3A_500] {strides = array<i32>} : memref<2x32x384xf32, #tpu.memory_space<vmem>>, vector<16xf32>,
          %parallel_loop3A_502 = arith.subf %parallel_loop3A_501, %parallel_loop3A_496 : vector<16xf32>
          %parallel_loop3A_503 = arith.constant 1.600000e+01 : f32
          %parallel_loop3A_504 = vector.broadcast %parallel_loop3A_503 : f32 to vector<16xf32>
          %parallel_loop3A_505 = arith.mulf %parallel_loop3A_502, %parallel_loop3A_504 : vector<16xf32>
          %parallel_loop3A_506 = arith.mulf %parallel_loop3A_505, %parallel_loop3A_505 : vector<16xf32>
          %parallel_loop3A_507 = arith.constant 2.550000e+02 : f32
          %parallel_loop3A_508 = vector.broadcast %parallel_loop3A_507 : f32 to vector<16xf32>
          %parallel_loop3A_509 = arith.minimumf %parallel_loop3A_506, %parallel_loop3A_508 : vector<16xf32>
          %parallel_loop3A_510 = arith.fptosi %parallel_loop3A_509 : vector<16xf32> to vector<16xi32>
          %parallel_loop3A_511 = arith.constant 1.000000e-01 : f32
          %parallel_loop3A_512 = vector.broadcast %parallel_loop3A_511 : f32 to vector<16xf32>
          %parallel_loop3A_513 = arith.cmpf ole, %parallel_loop3A_496, %parallel_loop3A_512 : vector<16xf32>
          %parallel_loop3A_514 = arith.constant 256 : i32
          %parallel_loop3A_515 = vector.broadcast %parallel_loop3A_514 : i32 to vector<16xi32>
          %parallel_loop3A_516 = arith.select %parallel_loop3A_513, %parallel_loop3A_510, %parallel_loop3A_515 : vector<16xi1>, vector<16xi32>
          %parallel_loop3A_517 = arith.addi %mul3A_5, %parallel_loop3A_516 : vector<16xi32>
          tpu.vector_store_idx %arg13[%parallel_loop3A_517], %broadcast_in_dim3A_8 {add = true} : memref<4368xf32, #tpu.memory_space<vmem>>[vector<16xi32>], vector<16xf32>,
          tpu.vector_store_idx %arg14[%parallel_loop3A_517], %parallel_loop3A_506 {add = true} : memref<4368xf32, #tpu.memory_space<vmem>>[vector<16xi32>], vector<16xf32>,
        } {sc.loop_unroll_factor = 1 : i64, sc.parallel_access}
      }
      %scan3A_216 = arith.constant 8 : i32
      %add3A_217 = arith.constant 2 : i32
      %add3A_218 = arith.addi %add3A_159, %add3A_217 : i32
      %lt3A = arith.constant 6 : i32
      %lt3A_219 = arith.cmpi slt, %add3A_218, %lt3A : i32
      %convert_element_type3A = arith.extui %lt3A_219 : i1 to i32
      %cond3A = arith.constant 0 : i32
      %cond3A_220 = arith.cmpi ne, %convert_element_type3A, %cond3A : i32
      scf.if %cond3A_220 {
        %add3A_290 = arith.constant 2 : i32
        %add3A_291 = arith.addi %add3A_159, %add3A_290 : i32
        %mul3A_292 = arith.constant 32 : i32
        %mul3A_293 = arith.muli %add3A_291, %mul3A_292 : i32
        %add3A_294 = arith.addi %mul3A_2, %mul3A_293 : i32
        %dma_start3A_295 = arith.constant 0 : i32
        %dma_start3A_296 = arith.constant 0 : i32
        %dma_start3A_297 = arith.constant 0 : i32
        %dma_start3A_298 = tpu.memref_slice %arg7[%dma_start3A_295, %dma_start3A_296, %dma_start3A_297] : memref<2x32x384xf32, #tpu.memory_space<vmem>> -> memref<1x32x384xf32, #tpu.memory_space<vmem>>
        %dma_start3A_299 = tpu.memref_squeeze %dma_start3A_298 : memref<1x32x384xf32, #tpu.memory_space<vmem>> -> memref<32x384xf32, #tpu.memory_space<vmem>>
        %dma_start3A_300 = arith.constant 0 : i32
        %dma_start3A_301 = tpu.memref_slice %arg2[%add3A_294, %dma_start3A_300] : memref<6144x384xf32, #tpu.memory_space<hbm>> -> memref<32x384xf32, #tpu.memory_space<hbm>>
        %dma_start3A_302 = arith.constant 0 : i32
        %dma_start3A_303 = arith.constant 0 : i32
        %dma_start3A_304 = tpu.memref_slice %arg7[%dma_start3A_295, %dma_start3A_302, %dma_start3A_303] : memref<2x32x384xf32, #tpu.memory_space<vmem>> -> memref<1x32x384xf32, #tpu.memory_space<vmem>>
        %dma_start3A_305 = tpu.memref_squeeze %dma_start3A_304 : memref<1x32x384xf32, #tpu.memory_space<vmem>> -> memref<32x384xf32, #tpu.memory_space<vmem>>
        %dma_start3A_306 = arith.constant 0 : i32
        %dma_start3A_307 = tpu.memref_slice %arg2[%add3A_294, %dma_start3A_306] : memref<6144x384xf32, #tpu.memory_space<hbm>> -> memref<32x384xf32, #tpu.memory_space<hbm>>
        tpu.enqueue_dma source(%dma_start3A_307 : memref<32x384xf32, #tpu.memory_space<hbm>>) target(%dma_start3A_305 : memref<32x384xf32, #tpu.memory_space<vmem>>) target_semaphore(%arg15 : memref<!tpu.dma_semaphore, #tpu.memory_space<semaphore_mem>>)
        %add3A_308 = arith.constant 2 : i32
        %add3A_309 = arith.addi %add3A_159, %add3A_308 : i32
        %mul3A_310 = arith.constant 32 : i32
        %mul3A_311 = arith.muli %add3A_309, %mul3A_310 : i32
        %add3A_312 = arith.addi %mul3A_2, %mul3A_311 : i32
        %dma_start3A_313 = arith.constant 0 : i32
        %dma_start3A_314 = arith.constant 0 : i32
        %dma_start3A_315 = arith.constant 0 : i32
        %dma_start3A_316 = tpu.memref_slice %arg8[%dma_start3A_313, %dma_start3A_314, %dma_start3A_315] : memref<2x32x384xf32, #tpu.memory_space<vmem>> -> memref<1x32x384xf32, #tpu.memory_space<vmem>>
        %dma_start3A_317 = tpu.memref_squeeze %dma_start3A_316 : memref<1x32x384xf32, #tpu.memory_space<vmem>> -> memref<32x384xf32, #tpu.memory_space<vmem>>
        %dma_start3A_318 = arith.constant 0 : i32
        %dma_start3A_319 = tpu.memref_slice %arg3[%add3A_312, %dma_start3A_318] : memref<6144x384xf32, #tpu.memory_space<hbm>> -> memref<32x384xf32, #tpu.memory_space<hbm>>
        %dma_start3A_320 = arith.constant 0 : i32
        %dma_start3A_321 = arith.constant 0 : i32
        %dma_start3A_322 = tpu.memref_slice %arg8[%dma_start3A_313, %dma_start3A_320, %dma_start3A_321] : memref<2x32x384xf32, #tpu.memory_space<vmem>> -> memref<1x32x384xf32, #tpu.memory_space<vmem>>
        %dma_start3A_323 = tpu.memref_squeeze %dma_start3A_322 : memref<1x32x384xf32, #tpu.memory_space<vmem>> -> memref<32x384xf32, #tpu.memory_space<vmem>>
        %dma_start3A_324 = arith.constant 0 : i32
        %dma_start3A_325 = tpu.memref_slice %arg3[%add3A_312, %dma_start3A_324] : memref<6144x384xf32, #tpu.memory_space<hbm>> -> memref<32x384xf32, #tpu.memory_space<hbm>>
        tpu.enqueue_dma source(%dma_start3A_325 : memref<32x384xf32, #tpu.memory_space<hbm>>) target(%dma_start3A_323 : memref<32x384xf32, #tpu.memory_space<vmem>>) target_semaphore(%arg15 : memref<!tpu.dma_semaphore, #tpu.memory_space<semaphore_mem>>)
        %add3A_326 = arith.constant 2 : i32
        %add3A_327 = arith.addi %add3A_159, %add3A_326 : i32
        %mul3A_328 = arith.constant 32 : i32
        %mul3A_329 = arith.muli %add3A_327, %mul3A_328 : i32
        %add3A_330 = arith.addi %mul3A_2, %mul3A_329 : i32
        %dma_start3A_331 = arith.constant 0 : i32
        %dma_start3A_332 = arith.constant 0 : i32
        %dma_start3A_333 = arith.constant 0 : i32
        %dma_start3A_334 = tpu.memref_slice %arg9[%dma_start3A_331, %dma_start3A_332, %dma_start3A_333] : memref<2x32x384xf32, #tpu.memory_space<vmem>> -> memref<1x32x384xf32, #tpu.memory_space<vmem>>
        %dma_start3A_335 = tpu.memref_squeeze %dma_start3A_334 : memref<1x32x384xf32, #tpu.memory_space<vmem>> -> memref<32x384xf32, #tpu.memory_space<vmem>>
        %dma_start3A_336 = arith.constant 0 : i32
        %dma_start3A_337 = tpu.memref_slice %arg4[%add3A_330, %dma_start3A_336] : memref<6144x384xf32, #tpu.memory_space<hbm>> -> memref<32x384xf32, #tpu.memory_space<hbm>>
        %dma_start3A_338 = arith.constant 0 : i32
        %dma_start3A_339 = arith.constant 0 : i32
        %dma_start3A_340 = tpu.memref_slice %arg9[%dma_start3A_331, %dma_start3A_338, %dma_start3A_339] : memref<2x32x384xf32, #tpu.memory_space<vmem>> -> memref<1x32x384xf32, #tpu.memory_space<vmem>>
        %dma_start3A_341 = tpu.memref_squeeze %dma_start3A_340 : memref<1x32x384xf32, #tpu.memory_space<vmem>> -> memref<32x384xf32, #tpu.memory_space<vmem>>
        %dma_start3A_342 = arith.constant 0 : i32
        %dma_start3A_343 = tpu.memref_slice %arg4[%add3A_330, %dma_start3A_342] : memref<6144x384xf32, #tpu.memory_space<hbm>> -> memref<32x384xf32, #tpu.memory_space<hbm>>
        tpu.enqueue_dma source(%dma_start3A_343 : memref<32x384xf32, #tpu.memory_space<hbm>>) target(%dma_start3A_341 : memref<32x384xf32, #tpu.memory_space<vmem>>) target_semaphore(%arg15 : memref<!tpu.dma_semaphore, #tpu.memory_space<semaphore_mem>>)
        %add3A_344 = arith.constant 2 : i32
        %add3A_345 = arith.addi %add3A_159, %add3A_344 : i32
        %mul3A_346 = arith.constant 32 : i32
        %mul3A_347 = arith.muli %add3A_345, %mul3A_346 : i32
        %add3A_348 = arith.addi %mul3A_2, %mul3A_347 : i32
        %dma_start3A_349 = arith.constant 0 : i32
        %dma_start3A_350 = arith.constant 0 : i32
        %dma_start3A_351 = arith.constant 0 : i32
        %dma_start3A_352 = tpu.memref_slice %arg10[%dma_start3A_349, %dma_start3A_350, %dma_start3A_351] : memref<2x32x384xf32, #tpu.memory_space<vmem>> -> memref<1x32x384xf32, #tpu.memory_space<vmem>>
        %dma_start3A_353 = tpu.memref_squeeze %dma_start3A_352 : memref<1x32x384xf32, #tpu.memory_space<vmem>> -> memref<32x384xf32, #tpu.memory_space<vmem>>
        %dma_start3A_354 = arith.constant 0 : i32
        %dma_start3A_355 = tpu.memref_slice %arg5[%add3A_348, %dma_start3A_354] : memref<6144x384xf32, #tpu.memory_space<hbm>> -> memref<32x384xf32, #tpu.memory_space<hbm>>
        %dma_start3A_356 = arith.constant 0 : i32
        %dma_start3A_357 = arith.constant 0 : i32
        %dma_start3A_358 = tpu.memref_slice %arg10[%dma_start3A_349, %dma_start3A_356, %dma_start3A_357] : memref<2x32x384xf32, #tpu.memory_space<vmem>> -> memref<1x32x384xf32, #tpu.memory_space<vmem>>
        %dma_start3A_359 = tpu.memref_squeeze %dma_start3A_358 : memref<1x32x384xf32, #tpu.memory_space<vmem>> -> memref<32x384xf32, #tpu.memory_space<vmem>>
        %dma_start3A_360 = arith.constant 0 : i32
        %dma_start3A_361 = tpu.memref_slice %arg5[%add3A_348, %dma_start3A_360] : memref<6144x384xf32, #tpu.memory_space<hbm>> -> memref<32x384xf32, #tpu.memory_space<hbm>>
        tpu.enqueue_dma source(%dma_start3A_361 : memref<32x384xf32, #tpu.memory_space<hbm>>) target(%dma_start3A_359 : memref<32x384xf32, #tpu.memory_space<vmem>>) target_semaphore(%arg15 : memref<!tpu.dma_semaphore, #tpu.memory_space<semaphore_mem>>)
      } else {
      }
      %mul3A_221 = arith.constant 2 : i32
      %mul3A_222 = arith.muli %mul3A_221, %scan3A_155 : i32
      %add3A_223 = arith.constant 1 : i32
      %add3A_224 = arith.addi %mul3A_222, %add3A_223 : i32
      %dma_wait3A_225 = arith.constant 1 : i32
      %dma_wait3A_226 = arith.constant 0 : i32
      %dma_wait3A_227 = arith.constant 0 : i32
      %dma_wait3A_228 = tpu.memref_slice %arg7[%dma_wait3A_225, %dma_wait3A_226, %dma_wait3A_227] : memref<2x32x384xf32, #tpu.memory_space<vmem>> -> memref<1x32x384xf32, #tpu.memory_space<vmem>>
      %dma_wait3A_229 = tpu.memref_squeeze %dma_wait3A_228 : memref<1x32x384xf32, #tpu.memory_space<vmem>> -> memref<32x384xf32, #tpu.memory_space<vmem>>
      %dma_wait3A_230 = arith.constant 0 : i32
      %dma_wait3A_231 = tpu.memref_slice %arg2[%mul3A_2, %dma_wait3A_230] : memref<6144x384xf32, #tpu.memory_space<hbm>> -> memref<32x384xf32, #tpu.memory_space<hbm>>
      %dma_wait3A_232 = arith.constant 0 : i32
      %dma_wait3A_233 = arith.constant 0 : i32
      %dma_wait3A_234 = tpu.memref_slice %arg7[%dma_wait3A_225, %dma_wait3A_232, %dma_wait3A_233] : memref<2x32x384xf32, #tpu.memory_space<vmem>> -> memref<1x32x384xf32, #tpu.memory_space<vmem>>
      %dma_wait3A_235 = tpu.memref_squeeze %dma_wait3A_234 : memref<1x32x384xf32, #tpu.memory_space<vmem>> -> memref<32x384xf32, #tpu.memory_space<vmem>>
      %dma_wait3A_236 = arith.constant 0 : i32
      %dma_wait3A_237 = tpu.memref_slice %arg2[%mul3A_2, %dma_wait3A_236] : memref<6144x384xf32, #tpu.memory_space<hbm>> -> memref<32x384xf32, #tpu.memory_space<hbm>>
      tpu.wait_dma2 semaphore(%arg15 : memref<!tpu.dma_semaphore, #tpu.memory_space<semaphore_mem>>) src(%dma_wait3A_237 : memref<32x384xf32, #tpu.memory_space<hbm>>) dst(%dma_wait3A_235 : memref<32x384xf32, #tpu.memory_space<vmem>>)
      %dma_wait3A_238 = arith.constant 1 : i32
      %dma_wait3A_239 = arith.constant 0 : i32
      %dma_wait3A_240 = arith.constant 0 : i32
      %dma_wait3A_241 = tpu.memref_slice %arg8[%dma_wait3A_238, %dma_wait3A_239, %dma_wait3A_240] : memref<2x32x384xf32, #tpu.memory_space<vmem>> -> memref<1x32x384xf32, #tpu.memory_space<vmem>>
      %dma_wait3A_242 = tpu.memref_squeeze %dma_wait3A_241 : memref<1x32x384xf32, #tpu.memory_space<vmem>> -> memref<32x384xf32, #tpu.memory_space<vmem>>
      %dma_wait3A_243 = arith.constant 0 : i32
      %dma_wait3A_244 = tpu.memref_slice %arg3[%mul3A_2, %dma_wait3A_243] : memref<6144x384xf32, #tpu.memory_space<hbm>> -> memref<32x384xf32, #tpu.memory_space<hbm>>
      %dma_wait3A_245 = arith.constant 0 : i32
      %dma_wait3A_246 = arith.constant 0 : i32
      %dma_wait3A_247 = tpu.memref_slice %arg8[%dma_wait3A_238, %dma_wait3A_245, %dma_wait3A_246] : memref<2x32x384xf32, #tpu.memory_space<vmem>> -> memref<1x32x384xf32, #tpu.memory_space<vmem>>
      %dma_wait3A_248 = tpu.memref_squeeze %dma_wait3A_247 : memref<1x32x384xf32, #tpu.memory_space<vmem>> -> memref<32x384xf32, #tpu.memory_space<vmem>>
      %dma_wait3A_249 = arith.constant 0 : i32
      %dma_wait3A_250 = tpu.memref_slice %arg3[%mul3A_2, %dma_wait3A_249] : memref<6144x384xf32, #tpu.memory_space<hbm>> -> memref<32x384xf32, #tpu.memory_space<hbm>>
      tpu.wait_dma2 semaphore(%arg15 : memref<!tpu.dma_semaphore, #tpu.memory_space<semaphore_mem>>) src(%dma_wait3A_250 : memref<32x384xf32, #tpu.memory_space<hbm>>) dst(%dma_wait3A_248 : memref<32x384xf32, #tpu.memory_space<vmem>>)
      %dma_wait3A_251 = arith.constant 1 : i32
      %dma_wait3A_252 = arith.constant 0 : i32
      %dma_wait3A_253 = arith.constant 0 : i32
      %dma_wait3A_254 = tpu.memref_slice %arg9[%dma_wait3A_251, %dma_wait3A_252, %dma_wait3A_253] : memref<2x32x384xf32, #tpu.memory_space<vmem>> -> memref<1x32x384xf32, #tpu.memory_space<vmem>>
      %dma_wait3A_255 = tpu.memref_squeeze %dma_wait3A_254 : memref<1x32x384xf32, #tpu.memory_space<vmem>> -> memref<32x384xf32, #tpu.memory_space<vmem>>
      %dma_wait3A_256 = arith.constant 0 : i32
      %dma_wait3A_257 = tpu.memref_slice %arg4[%mul3A_2, %dma_wait3A_256] : memref<6144x384xf32, #tpu.memory_space<hbm>> -> memref<32x384xf32, #tpu.memory_space<hbm>>
      %dma_wait3A_258 = arith.constant 0 : i32
      %dma_wait3A_259 = arith.constant 0 : i32
      %dma_wait3A_260 = tpu.memref_slice %arg9[%dma_wait3A_251, %dma_wait3A_258, %dma_wait3A_259] : memref<2x32x384xf32, #tpu.memory_space<vmem>> -> memref<1x32x384xf32, #tpu.memory_space<vmem>>
      %dma_wait3A_261 = tpu.memref_squeeze %dma_wait3A_260 : memref<1x32x384xf32, #tpu.memory_space<vmem>> -> memref<32x384xf32, #tpu.memory_space<vmem>>
      %dma_wait3A_262 = arith.constant 0 : i32
      %dma_wait3A_263 = tpu.memref_slice %arg4[%mul3A_2, %dma_wait3A_262] : memref<6144x384xf32, #tpu.memory_space<hbm>> -> memref<32x384xf32, #tpu.memory_space<hbm>>
      tpu.wait_dma2 semaphore(%arg15 : memref<!tpu.dma_semaphore, #tpu.memory_space<semaphore_mem>>) src(%dma_wait3A_263 : memref<32x384xf32, #tpu.memory_space<hbm>>) dst(%dma_wait3A_261 : memref<32x384xf32, #tpu.memory_space<vmem>>)
      %dma_wait3A_264 = arith.constant 1 : i32
      %dma_wait3A_265 = arith.constant 0 : i32
      %dma_wait3A_266 = arith.constant 0 : i32
      %dma_wait3A_267 = tpu.memref_slice %arg10[%dma_wait3A_264, %dma_wait3A_265, %dma_wait3A_266] : memref<2x32x384xf32, #tpu.memory_space<vmem>> -> memref<1x32x384xf32, #tpu.memory_space<vmem>>
      %dma_wait3A_268 = tpu.memref_squeeze %dma_wait3A_267 : memref<1x32x384xf32, #tpu.memory_space<vmem>> -> memref<32x384xf32, #tpu.memory_space<vmem>>
      %dma_wait3A_269 = arith.constant 0 : i32
      %dma_wait3A_270 = tpu.memref_slice %arg5[%mul3A_2, %dma_wait3A_269] : memref<6144x384xf32, #tpu.memory_space<hbm>> -> memref<32x384xf32, #tpu.memory_space<hbm>>
      %dma_wait3A_271 = arith.constant 0 : i32
      %dma_wait3A_272 = arith.constant 0 : i32
      %dma_wait3A_273 = tpu.memref_slice %arg10[%dma_wait3A_264, %dma_wait3A_271, %dma_wait3A_272] : memref<2x32x384xf32, #tpu.memory_space<vmem>> -> memref<1x32x384xf32, #tpu.memory_space<vmem>>
      %dma_wait3A_274 = tpu.memref_squeeze %dma_wait3A_273 : memref<1x32x384xf32, #tpu.memory_space<vmem>> -> memref<32x384xf32, #tpu.memory_space<vmem>>
      %dma_wait3A_275 = arith.constant 0 : i32
      %dma_wait3A_276 = tpu.memref_slice %arg5[%mul3A_2, %dma_wait3A_275] : memref<6144x384xf32, #tpu.memory_space<hbm>> -> memref<32x384xf32, #tpu.memory_space<hbm>>
      tpu.wait_dma2 semaphore(%arg15 : memref<!tpu.dma_semaphore, #tpu.memory_space<semaphore_mem>>) src(%dma_wait3A_276 : memref<32x384xf32, #tpu.memory_space<hbm>>) dst(%dma_wait3A_274 : memref<32x384xf32, #tpu.memory_space<vmem>>)
      %scan3A_277 = arith.constant 0 : i32
      %scan3A_278 = arith.constant 0 : i32
      %scan3A_279 = arith.constant 8 : i32
      %scan3A_280 = arith.addi %scan3A_278, %scan3A_279 : i32
      %scan3A_281 = arith.constant 1 : i32
      scf.for %scan3A_290 = %scan3A_278 to %scan3A_280 step %scan3A_281  : i32 {
        %parallel_loop3A = arith.constant 0 : i32
        %parallel_loop3A_291 = arith.constant 384 : i32
        %parallel_loop3A_292 = arith.constant 16 : i32
        scf.for %parallel_loop3A_293 = %parallel_loop3A to %parallel_loop3A_291 step %parallel_loop3A_292  : i32 {
          %parallel_loop3A_294 = arith.constant 4 : i32
          %parallel_loop3A_295 = arith.muli %parallel_loop3A_294, %scan3A_290 : i32
          %parallel_loop3A_296 = arith.constant 0 : i32
          %parallel_loop3A_297 = arith.addi %parallel_loop3A_295, %parallel_loop3A_296 : i32
          %parallel_loop3A_298 = arith.constant 1 : i32
          %parallel_loop3A_299 = arith.index_cast %parallel_loop3A_298 : i32 to index
          %parallel_loop3A_300 = arith.index_cast %parallel_loop3A_297 : i32 to index
          %parallel_loop3A_301 = arith.index_cast %parallel_loop3A_293 : i32 to index
          %parallel_loop3A_302 = tpu.vector_load %arg7[%parallel_loop3A_299, %parallel_loop3A_300, %parallel_loop3A_301] {strides = array<i32>} : memref<2x32x384xf32, #tpu.memory_space<vmem>>, vector<16xf32>,
          %parallel_loop3A_303 = arith.constant 1 : i32
          %parallel_loop3A_304 = arith.index_cast %parallel_loop3A_303 : i32 to index
          %parallel_loop3A_305 = arith.index_cast %parallel_loop3A_297 : i32 to index
          %parallel_loop3A_306 = arith.index_cast %parallel_loop3A_293 : i32 to index
          %parallel_loop3A_307 = tpu.vector_load %arg9[%parallel_loop3A_304, %parallel_loop3A_305, %parallel_loop3A_306] {strides = array<i32>} : memref<2x32x384xf32, #tpu.memory_space<vmem>>, vector<16xf32>,
          %parallel_loop3A_308 = arith.subf %parallel_loop3A_307, %parallel_loop3A_302 : vector<16xf32>
          %parallel_loop3A_309 = arith.constant 1.600000e+01 : f32
          %parallel_loop3A_310 = vector.broadcast %parallel_loop3A_309 : f32 to vector<16xf32>
          %parallel_loop3A_311 = arith.mulf %parallel_loop3A_308, %parallel_loop3A_310 : vector<16xf32>
          %parallel_loop3A_312 = arith.mulf %parallel_loop3A_311, %parallel_loop3A_311 : vector<16xf32>
          %parallel_loop3A_313 = arith.constant 2.550000e+02 : f32
          %parallel_loop3A_314 = vector.broadcast %parallel_loop3A_313 : f32 to vector<16xf32>
          %parallel_loop3A_315 = arith.minimumf %parallel_loop3A_312, %parallel_loop3A_314 : vector<16xf32>
          %parallel_loop3A_316 = arith.fptosi %parallel_loop3A_315 : vector<16xf32> to vector<16xi32>
          %parallel_loop3A_317 = arith.constant 1.000000e-01 : f32
          %parallel_loop3A_318 = vector.broadcast %parallel_loop3A_317 : f32 to vector<16xf32>
          %parallel_loop3A_319 = arith.cmpf ole, %parallel_loop3A_302, %parallel_loop3A_318 : vector<16xf32>
          %parallel_loop3A_320 = arith.constant 256 : i32
          %parallel_loop3A_321 = vector.broadcast %parallel_loop3A_320 : i32 to vector<16xi32>
          %parallel_loop3A_322 = arith.select %parallel_loop3A_319, %parallel_loop3A_316, %parallel_loop3A_321 : vector<16xi1>, vector<16xi32>
          %parallel_loop3A_323 = arith.addi %mul3A_5, %parallel_loop3A_322 : vector<16xi32>
          tpu.vector_store_idx %arg11[%parallel_loop3A_323], %broadcast_in_dim3A_8 {add = true} : memref<4368xf32, #tpu.memory_space<vmem>>[vector<16xi32>], vector<16xf32>,
          tpu.vector_store_idx %arg12[%parallel_loop3A_323], %parallel_loop3A_312 {add = true} : memref<4368xf32, #tpu.memory_space<vmem>>[vector<16xi32>], vector<16xf32>,
          %parallel_loop3A_324 = arith.constant 1 : i32
          %parallel_loop3A_325 = arith.index_cast %parallel_loop3A_324 : i32 to index
          %parallel_loop3A_326 = arith.index_cast %parallel_loop3A_297 : i32 to index
          %parallel_loop3A_327 = arith.index_cast %parallel_loop3A_293 : i32 to index
          %parallel_loop3A_328 = tpu.vector_load %arg8[%parallel_loop3A_325, %parallel_loop3A_326, %parallel_loop3A_327] {strides = array<i32>} : memref<2x32x384xf32, #tpu.memory_space<vmem>>, vector<16xf32>,
          %parallel_loop3A_329 = arith.constant 1 : i32
          %parallel_loop3A_330 = arith.index_cast %parallel_loop3A_329 : i32 to index
          %parallel_loop3A_331 = arith.index_cast %parallel_loop3A_297 : i32 to index
          %parallel_loop3A_332 = arith.index_cast %parallel_loop3A_293 : i32 to index
          %parallel_loop3A_333 = tpu.vector_load %arg10[%parallel_loop3A_330, %parallel_loop3A_331, %parallel_loop3A_332] {strides = array<i32>} : memref<2x32x384xf32, #tpu.memory_space<vmem>>, vector<16xf32>,
          %parallel_loop3A_334 = arith.subf %parallel_loop3A_333, %parallel_loop3A_328 : vector<16xf32>
          %parallel_loop3A_335 = arith.constant 1.600000e+01 : f32
          %parallel_loop3A_336 = vector.broadcast %parallel_loop3A_335 : f32 to vector<16xf32>
          %parallel_loop3A_337 = arith.mulf %parallel_loop3A_334, %parallel_loop3A_336 : vector<16xf32>
          %parallel_loop3A_338 = arith.mulf %parallel_loop3A_337, %parallel_loop3A_337 : vector<16xf32>
          %parallel_loop3A_339 = arith.constant 2.550000e+02 : f32
          %parallel_loop3A_340 = vector.broadcast %parallel_loop3A_339 : f32 to vector<16xf32>
          %parallel_loop3A_341 = arith.minimumf %parallel_loop3A_338, %parallel_loop3A_340 : vector<16xf32>
          %parallel_loop3A_342 = arith.fptosi %parallel_loop3A_341 : vector<16xf32> to vector<16xi32>
          %parallel_loop3A_343 = arith.constant 1.000000e-01 : f32
          %parallel_loop3A_344 = vector.broadcast %parallel_loop3A_343 : f32 to vector<16xf32>
          %parallel_loop3A_345 = arith.cmpf ole, %parallel_loop3A_328, %parallel_loop3A_344 : vector<16xf32>
          %parallel_loop3A_346 = arith.constant 256 : i32
          %parallel_loop3A_347 = vector.broadcast %parallel_loop3A_346 : i32 to vector<16xi32>
          %parallel_loop3A_348 = arith.select %parallel_loop3A_345, %parallel_loop3A_342, %parallel_loop3A_347 : vector<16xi1>, vector<16xi32>
          %parallel_loop3A_349 = arith.addi %mul3A_5, %parallel_loop3A_348 : vector<16xi32>
          tpu.vector_store_idx %arg13[%parallel_loop3A_349], %broadcast_in_dim3A_8 {add = true} : memref<4368xf32, #tpu.memory_space<vmem>>[vector<16xi32>], vector<16xf32>,
          tpu.vector_store_idx %arg14[%parallel_loop3A_349], %parallel_loop3A_338 {add = true} : memref<4368xf32, #tpu.memory_space<vmem>>[vector<16xi32>], vector<16xf32>,
          %parallel_loop3A_350 = arith.constant 4 : i32
          %parallel_loop3A_351 = arith.muli %parallel_loop3A_350, %scan3A_290 : i32
          %parallel_loop3A_352 = arith.constant 1 : i32
          %parallel_loop3A_353 = arith.addi %parallel_loop3A_351, %parallel_loop3A_352 : i32
          %parallel_loop3A_354 = arith.constant 1 : i32
          %parallel_loop3A_355 = arith.index_cast %parallel_loop3A_354 : i32 to index
          %parallel_loop3A_356 = arith.index_cast %parallel_loop3A_353 : i32 to index
          %parallel_loop3A_357 = arith.index_cast %parallel_loop3A_293 : i32 to index
          %parallel_loop3A_358 = tpu.vector_load %arg7[%parallel_loop3A_355, %parallel_loop3A_356, %parallel_loop3A_357] {strides = array<i32>} : memref<2x32x384xf32, #tpu.memory_space<vmem>>, vector<16xf32>,
          %parallel_loop3A_359 = arith.constant 1 : i32
          %parallel_loop3A_360 = arith.index_cast %parallel_loop3A_359 : i32 to index
          %parallel_loop3A_361 = arith.index_cast %parallel_loop3A_353 : i32 to index
          %parallel_loop3A_362 = arith.index_cast %parallel_loop3A_293 : i32 to index
          %parallel_loop3A_363 = tpu.vector_load %arg9[%parallel_loop3A_360, %parallel_loop3A_361, %parallel_loop3A_362] {strides = array<i32>} : memref<2x32x384xf32, #tpu.memory_space<vmem>>, vector<16xf32>,
          %parallel_loop3A_364 = arith.subf %parallel_loop3A_363, %parallel_loop3A_358 : vector<16xf32>
          %parallel_loop3A_365 = arith.constant 1.600000e+01 : f32
          %parallel_loop3A_366 = vector.broadcast %parallel_loop3A_365 : f32 to vector<16xf32>
          %parallel_loop3A_367 = arith.mulf %parallel_loop3A_364, %parallel_loop3A_366 : vector<16xf32>
          %parallel_loop3A_368 = arith.mulf %parallel_loop3A_367, %parallel_loop3A_367 : vector<16xf32>
          %parallel_loop3A_369 = arith.constant 2.550000e+02 : f32
          %parallel_loop3A_370 = vector.broadcast %parallel_loop3A_369 : f32 to vector<16xf32>
          %parallel_loop3A_371 = arith.minimumf %parallel_loop3A_368, %parallel_loop3A_370 : vector<16xf32>
          %parallel_loop3A_372 = arith.fptosi %parallel_loop3A_371 : vector<16xf32> to vector<16xi32>
          %parallel_loop3A_373 = arith.constant 1.000000e-01 : f32
          %parallel_loop3A_374 = vector.broadcast %parallel_loop3A_373 : f32 to vector<16xf32>
          %parallel_loop3A_375 = arith.cmpf ole, %parallel_loop3A_358, %parallel_loop3A_374 : vector<16xf32>
          %parallel_loop3A_376 = arith.constant 256 : i32
          %parallel_loop3A_377 = vector.broadcast %parallel_loop3A_376 : i32 to vector<16xi32>
          %parallel_loop3A_378 = arith.select %parallel_loop3A_375, %parallel_loop3A_372, %parallel_loop3A_377 : vector<16xi1>, vector<16xi32>
          %parallel_loop3A_379 = arith.addi %mul3A_5, %parallel_loop3A_378 : vector<16xi32>
          tpu.vector_store_idx %arg11[%parallel_loop3A_379], %broadcast_in_dim3A_8 {add = true} : memref<4368xf32, #tpu.memory_space<vmem>>[vector<16xi32>], vector<16xf32>,
          tpu.vector_store_idx %arg12[%parallel_loop3A_379], %parallel_loop3A_368 {add = true} : memref<4368xf32, #tpu.memory_space<vmem>>[vector<16xi32>], vector<16xf32>,
          %parallel_loop3A_380 = arith.constant 1 : i32
          %parallel_loop3A_381 = arith.index_cast %parallel_loop3A_380 : i32 to index
          %parallel_loop3A_382 = arith.index_cast %parallel_loop3A_353 : i32 to index
          %parallel_loop3A_383 = arith.index_cast %parallel_loop3A_293 : i32 to index
          %parallel_loop3A_384 = tpu.vector_load %arg8[%parallel_loop3A_381, %parallel_loop3A_382, %parallel_loop3A_383] {strides = array<i32>} : memref<2x32x384xf32, #tpu.memory_space<vmem>>, vector<16xf32>,
          %parallel_loop3A_385 = arith.constant 1 : i32
          %parallel_loop3A_386 = arith.index_cast %parallel_loop3A_385 : i32 to index
          %parallel_loop3A_387 = arith.index_cast %parallel_loop3A_353 : i32 to index
          %parallel_loop3A_388 = arith.index_cast %parallel_loop3A_293 : i32 to index
          %parallel_loop3A_389 = tpu.vector_load %arg10[%parallel_loop3A_386, %parallel_loop3A_387, %parallel_loop3A_388] {strides = array<i32>} : memref<2x32x384xf32, #tpu.memory_space<vmem>>, vector<16xf32>,
          %parallel_loop3A_390 = arith.subf %parallel_loop3A_389, %parallel_loop3A_384 : vector<16xf32>
          %parallel_loop3A_391 = arith.constant 1.600000e+01 : f32
          %parallel_loop3A_392 = vector.broadcast %parallel_loop3A_391 : f32 to vector<16xf32>
          %parallel_loop3A_393 = arith.mulf %parallel_loop3A_390, %parallel_loop3A_392 : vector<16xf32>
          %parallel_loop3A_394 = arith.mulf %parallel_loop3A_393, %parallel_loop3A_393 : vector<16xf32>
          %parallel_loop3A_395 = arith.constant 2.550000e+02 : f32
          %parallel_loop3A_396 = vector.broadcast %parallel_loop3A_395 : f32 to vector<16xf32>
          %parallel_loop3A_397 = arith.minimumf %parallel_loop3A_394, %parallel_loop3A_396 : vector<16xf32>
          %parallel_loop3A_398 = arith.fptosi %parallel_loop3A_397 : vector<16xf32> to vector<16xi32>
          %parallel_loop3A_399 = arith.constant 1.000000e-01 : f32
          %parallel_loop3A_400 = vector.broadcast %parallel_loop3A_399 : f32 to vector<16xf32>
          %parallel_loop3A_401 = arith.cmpf ole, %parallel_loop3A_384, %parallel_loop3A_400 : vector<16xf32>
          %parallel_loop3A_402 = arith.constant 256 : i32
          %parallel_loop3A_403 = vector.broadcast %parallel_loop3A_402 : i32 to vector<16xi32>
          %parallel_loop3A_404 = arith.select %parallel_loop3A_401, %parallel_loop3A_398, %parallel_loop3A_403 : vector<16xi1>, vector<16xi32>
          %parallel_loop3A_405 = arith.addi %mul3A_5, %parallel_loop3A_404 : vector<16xi32>
          tpu.vector_store_idx %arg13[%parallel_loop3A_405], %broadcast_in_dim3A_8 {add = true} : memref<4368xf32, #tpu.memory_space<vmem>>[vector<16xi32>], vector<16xf32>,
          tpu.vector_store_idx %arg14[%parallel_loop3A_405], %parallel_loop3A_394 {add = true} : memref<4368xf32, #tpu.memory_space<vmem>>[vector<16xi32>], vector<16xf32>,
          %parallel_loop3A_406 = arith.constant 4 : i32
          %parallel_loop3A_407 = arith.muli %parallel_loop3A_406, %scan3A_290 : i32
          %parallel_loop3A_408 = arith.constant 2 : i32
          %parallel_loop3A_409 = arith.addi %parallel_loop3A_407, %parallel_loop3A_408 : i32
          %parallel_loop3A_410 = arith.constant 1 : i32
          %parallel_loop3A_411 = arith.index_cast %parallel_loop3A_410 : i32 to index
          %parallel_loop3A_412 = arith.index_cast %parallel_loop3A_409 : i32 to index
          %parallel_loop3A_413 = arith.index_cast %parallel_loop3A_293 : i32 to index
          %parallel_loop3A_414 = tpu.vector_load %arg7[%parallel_loop3A_411, %parallel_loop3A_412, %parallel_loop3A_413] {strides = array<i32>} : memref<2x32x384xf32, #tpu.memory_space<vmem>>, vector<16xf32>,
          %parallel_loop3A_415 = arith.constant 1 : i32
          %parallel_loop3A_416 = arith.index_cast %parallel_loop3A_415 : i32 to index
          %parallel_loop3A_417 = arith.index_cast %parallel_loop3A_409 : i32 to index
          %parallel_loop3A_418 = arith.index_cast %parallel_loop3A_293 : i32 to index
          %parallel_loop3A_419 = tpu.vector_load %arg9[%parallel_loop3A_416, %parallel_loop3A_417, %parallel_loop3A_418] {strides = array<i32>} : memref<2x32x384xf32, #tpu.memory_space<vmem>>, vector<16xf32>,
          %parallel_loop3A_420 = arith.subf %parallel_loop3A_419, %parallel_loop3A_414 : vector<16xf32>
          %parallel_loop3A_421 = arith.constant 1.600000e+01 : f32
          %parallel_loop3A_422 = vector.broadcast %parallel_loop3A_421 : f32 to vector<16xf32>
          %parallel_loop3A_423 = arith.mulf %parallel_loop3A_420, %parallel_loop3A_422 : vector<16xf32>
          %parallel_loop3A_424 = arith.mulf %parallel_loop3A_423, %parallel_loop3A_423 : vector<16xf32>
          %parallel_loop3A_425 = arith.constant 2.550000e+02 : f32
          %parallel_loop3A_426 = vector.broadcast %parallel_loop3A_425 : f32 to vector<16xf32>
          %parallel_loop3A_427 = arith.minimumf %parallel_loop3A_424, %parallel_loop3A_426 : vector<16xf32>
          %parallel_loop3A_428 = arith.fptosi %parallel_loop3A_427 : vector<16xf32> to vector<16xi32>
          %parallel_loop3A_429 = arith.constant 1.000000e-01 : f32
          %parallel_loop3A_430 = vector.broadcast %parallel_loop3A_429 : f32 to vector<16xf32>
          %parallel_loop3A_431 = arith.cmpf ole, %parallel_loop3A_414, %parallel_loop3A_430 : vector<16xf32>
          %parallel_loop3A_432 = arith.constant 256 : i32
          %parallel_loop3A_433 = vector.broadcast %parallel_loop3A_432 : i32 to vector<16xi32>
          %parallel_loop3A_434 = arith.select %parallel_loop3A_431, %parallel_loop3A_428, %parallel_loop3A_433 : vector<16xi1>, vector<16xi32>
          %parallel_loop3A_435 = arith.addi %mul3A_5, %parallel_loop3A_434 : vector<16xi32>
          tpu.vector_store_idx %arg11[%parallel_loop3A_435], %broadcast_in_dim3A_8 {add = true} : memref<4368xf32, #tpu.memory_space<vmem>>[vector<16xi32>], vector<16xf32>,
          tpu.vector_store_idx %arg12[%parallel_loop3A_435], %parallel_loop3A_424 {add = true} : memref<4368xf32, #tpu.memory_space<vmem>>[vector<16xi32>], vector<16xf32>,
          %parallel_loop3A_436 = arith.constant 1 : i32
          %parallel_loop3A_437 = arith.index_cast %parallel_loop3A_436 : i32 to index
          %parallel_loop3A_438 = arith.index_cast %parallel_loop3A_409 : i32 to index
          %parallel_loop3A_439 = arith.index_cast %parallel_loop3A_293 : i32 to index
          %parallel_loop3A_440 = tpu.vector_load %arg8[%parallel_loop3A_437, %parallel_loop3A_438, %parallel_loop3A_439] {strides = array<i32>} : memref<2x32x384xf32, #tpu.memory_space<vmem>>, vector<16xf32>,
          %parallel_loop3A_441 = arith.constant 1 : i32
          %parallel_loop3A_442 = arith.index_cast %parallel_loop3A_441 : i32 to index
          %parallel_loop3A_443 = arith.index_cast %parallel_loop3A_409 : i32 to index
          %parallel_loop3A_444 = arith.index_cast %parallel_loop3A_293 : i32 to index
          %parallel_loop3A_445 = tpu.vector_load %arg10[%parallel_loop3A_442, %parallel_loop3A_443, %parallel_loop3A_444] {strides = array<i32>} : memref<2x32x384xf32, #tpu.memory_space<vmem>>, vector<16xf32>,
          %parallel_loop3A_446 = arith.subf %parallel_loop3A_445, %parallel_loop3A_440 : vector<16xf32>
          %parallel_loop3A_447 = arith.constant 1.600000e+01 : f32
          %parallel_loop3A_448 = vector.broadcast %parallel_loop3A_447 : f32 to vector<16xf32>
          %parallel_loop3A_449 = arith.mulf %parallel_loop3A_446, %parallel_loop3A_448 : vector<16xf32>
          %parallel_loop3A_450 = arith.mulf %parallel_loop3A_449, %parallel_loop3A_449 : vector<16xf32>
          %parallel_loop3A_451 = arith.constant 2.550000e+02 : f32
          %parallel_loop3A_452 = vector.broadcast %parallel_loop3A_451 : f32 to vector<16xf32>
          %parallel_loop3A_453 = arith.minimumf %parallel_loop3A_450, %parallel_loop3A_452 : vector<16xf32>
          %parallel_loop3A_454 = arith.fptosi %parallel_loop3A_453 : vector<16xf32> to vector<16xi32>
          %parallel_loop3A_455 = arith.constant 1.000000e-01 : f32
          %parallel_loop3A_456 = vector.broadcast %parallel_loop3A_455 : f32 to vector<16xf32>
          %parallel_loop3A_457 = arith.cmpf ole, %parallel_loop3A_440, %parallel_loop3A_456 : vector<16xf32>
          %parallel_loop3A_458 = arith.constant 256 : i32
          %parallel_loop3A_459 = vector.broadcast %parallel_loop3A_458 : i32 to vector<16xi32>
          %parallel_loop3A_460 = arith.select %parallel_loop3A_457, %parallel_loop3A_454, %parallel_loop3A_459 : vector<16xi1>, vector<16xi32>
          %parallel_loop3A_461 = arith.addi %mul3A_5, %parallel_loop3A_460 : vector<16xi32>
          tpu.vector_store_idx %arg13[%parallel_loop3A_461], %broadcast_in_dim3A_8 {add = true} : memref<4368xf32, #tpu.memory_space<vmem>>[vector<16xi32>], vector<16xf32>,
          tpu.vector_store_idx %arg14[%parallel_loop3A_461], %parallel_loop3A_450 {add = true} : memref<4368xf32, #tpu.memory_space<vmem>>[vector<16xi32>], vector<16xf32>,
          %parallel_loop3A_462 = arith.constant 4 : i32
          %parallel_loop3A_463 = arith.muli %parallel_loop3A_462, %scan3A_290 : i32
          %parallel_loop3A_464 = arith.constant 3 : i32
          %parallel_loop3A_465 = arith.addi %parallel_loop3A_463, %parallel_loop3A_464 : i32
          %parallel_loop3A_466 = arith.constant 1 : i32
          %parallel_loop3A_467 = arith.index_cast %parallel_loop3A_466 : i32 to index
          %parallel_loop3A_468 = arith.index_cast %parallel_loop3A_465 : i32 to index
          %parallel_loop3A_469 = arith.index_cast %parallel_loop3A_293 : i32 to index
          %parallel_loop3A_470 = tpu.vector_load %arg7[%parallel_loop3A_467, %parallel_loop3A_468, %parallel_loop3A_469] {strides = array<i32>} : memref<2x32x384xf32, #tpu.memory_space<vmem>>, vector<16xf32>,
          %parallel_loop3A_471 = arith.constant 1 : i32
          %parallel_loop3A_472 = arith.index_cast %parallel_loop3A_471 : i32 to index
          %parallel_loop3A_473 = arith.index_cast %parallel_loop3A_465 : i32 to index
          %parallel_loop3A_474 = arith.index_cast %parallel_loop3A_293 : i32 to index
          %parallel_loop3A_475 = tpu.vector_load %arg9[%parallel_loop3A_472, %parallel_loop3A_473, %parallel_loop3A_474] {strides = array<i32>} : memref<2x32x384xf32, #tpu.memory_space<vmem>>, vector<16xf32>,
          %parallel_loop3A_476 = arith.subf %parallel_loop3A_475, %parallel_loop3A_470 : vector<16xf32>
          %parallel_loop3A_477 = arith.constant 1.600000e+01 : f32
          %parallel_loop3A_478 = vector.broadcast %parallel_loop3A_477 : f32 to vector<16xf32>
          %parallel_loop3A_479 = arith.mulf %parallel_loop3A_476, %parallel_loop3A_478 : vector<16xf32>
          %parallel_loop3A_480 = arith.mulf %parallel_loop3A_479, %parallel_loop3A_479 : vector<16xf32>
          %parallel_loop3A_481 = arith.constant 2.550000e+02 : f32
          %parallel_loop3A_482 = vector.broadcast %parallel_loop3A_481 : f32 to vector<16xf32>
          %parallel_loop3A_483 = arith.minimumf %parallel_loop3A_480, %parallel_loop3A_482 : vector<16xf32>
          %parallel_loop3A_484 = arith.fptosi %parallel_loop3A_483 : vector<16xf32> to vector<16xi32>
          %parallel_loop3A_485 = arith.constant 1.000000e-01 : f32
          %parallel_loop3A_486 = vector.broadcast %parallel_loop3A_485 : f32 to vector<16xf32>
          %parallel_loop3A_487 = arith.cmpf ole, %parallel_loop3A_470, %parallel_loop3A_486 : vector<16xf32>
          %parallel_loop3A_488 = arith.constant 256 : i32
          %parallel_loop3A_489 = vector.broadcast %parallel_loop3A_488 : i32 to vector<16xi32>
          %parallel_loop3A_490 = arith.select %parallel_loop3A_487, %parallel_loop3A_484, %parallel_loop3A_489 : vector<16xi1>, vector<16xi32>
          %parallel_loop3A_491 = arith.addi %mul3A_5, %parallel_loop3A_490 : vector<16xi32>
          tpu.vector_store_idx %arg11[%parallel_loop3A_491], %broadcast_in_dim3A_8 {add = true} : memref<4368xf32, #tpu.memory_space<vmem>>[vector<16xi32>], vector<16xf32>,
          tpu.vector_store_idx %arg12[%parallel_loop3A_491], %parallel_loop3A_480 {add = true} : memref<4368xf32, #tpu.memory_space<vmem>>[vector<16xi32>], vector<16xf32>,
          %parallel_loop3A_492 = arith.constant 1 : i32
          %parallel_loop3A_493 = arith.index_cast %parallel_loop3A_492 : i32 to index
          %parallel_loop3A_494 = arith.index_cast %parallel_loop3A_465 : i32 to index
          %parallel_loop3A_495 = arith.index_cast %parallel_loop3A_293 : i32 to index
          %parallel_loop3A_496 = tpu.vector_load %arg8[%parallel_loop3A_493, %parallel_loop3A_494, %parallel_loop3A_495] {strides = array<i32>} : memref<2x32x384xf32, #tpu.memory_space<vmem>>, vector<16xf32>,
          %parallel_loop3A_497 = arith.constant 1 : i32
          %parallel_loop3A_498 = arith.index_cast %parallel_loop3A_497 : i32 to index
          %parallel_loop3A_499 = arith.index_cast %parallel_loop3A_465 : i32 to index
          %parallel_loop3A_500 = arith.index_cast %parallel_loop3A_293 : i32 to index
          %parallel_loop3A_501 = tpu.vector_load %arg10[%parallel_loop3A_498, %parallel_loop3A_499, %parallel_loop3A_500] {strides = array<i32>} : memref<2x32x384xf32, #tpu.memory_space<vmem>>, vector<16xf32>,
          %parallel_loop3A_502 = arith.subf %parallel_loop3A_501, %parallel_loop3A_496 : vector<16xf32>
          %parallel_loop3A_503 = arith.constant 1.600000e+01 : f32
          %parallel_loop3A_504 = vector.broadcast %parallel_loop3A_503 : f32 to vector<16xf32>
          %parallel_loop3A_505 = arith.mulf %parallel_loop3A_502, %parallel_loop3A_504 : vector<16xf32>
          %parallel_loop3A_506 = arith.mulf %parallel_loop3A_505, %parallel_loop3A_505 : vector<16xf32>
          %parallel_loop3A_507 = arith.constant 2.550000e+02 : f32
          %parallel_loop3A_508 = vector.broadcast %parallel_loop3A_507 : f32 to vector<16xf32>
          %parallel_loop3A_509 = arith.minimumf %parallel_loop3A_506, %parallel_loop3A_508 : vector<16xf32>
          %parallel_loop3A_510 = arith.fptosi %parallel_loop3A_509 : vector<16xf32> to vector<16xi32>
          %parallel_loop3A_511 = arith.constant 1.000000e-01 : f32
          %parallel_loop3A_512 = vector.broadcast %parallel_loop3A_511 : f32 to vector<16xf32>
          %parallel_loop3A_513 = arith.cmpf ole, %parallel_loop3A_496, %parallel_loop3A_512 : vector<16xf32>
          %parallel_loop3A_514 = arith.constant 256 : i32
          %parallel_loop3A_515 = vector.broadcast %parallel_loop3A_514 : i32 to vector<16xi32>
          %parallel_loop3A_516 = arith.select %parallel_loop3A_513, %parallel_loop3A_510, %parallel_loop3A_515 : vector<16xi1>, vector<16xi32>
          %parallel_loop3A_517 = arith.addi %mul3A_5, %parallel_loop3A_516 : vector<16xi32>
          tpu.vector_store_idx %arg13[%parallel_loop3A_517], %broadcast_in_dim3A_8 {add = true} : memref<4368xf32, #tpu.memory_space<vmem>>[vector<16xi32>], vector<16xf32>,
          tpu.vector_store_idx %arg14[%parallel_loop3A_517], %parallel_loop3A_506 {add = true} : memref<4368xf32, #tpu.memory_space<vmem>>[vector<16xi32>], vector<16xf32>,
        } {sc.loop_unroll_factor = 1 : i64, sc.parallel_access}
      }
      %scan3A_282 = arith.constant 8 : i32
      %add3A_283 = arith.constant 2 : i32
      %add3A_284 = arith.addi %add3A_224, %add3A_283 : i32
      %lt3A_285 = arith.constant 6 : i32
      %lt3A_286 = arith.cmpi slt, %add3A_284, %lt3A_285 : i32
      %convert_element_type3A_287 = arith.extui %lt3A_286 : i1 to i32
      %cond3A_288 = arith.constant 0 : i32
      %cond3A_289 = arith.cmpi ne, %convert_element_type3A_287, %cond3A_288 : i32
      scf.if %cond3A_289 {
        %add3A_290 = arith.constant 2 : i32
        %add3A_291 = arith.addi %add3A_224, %add3A_290 : i32
        %mul3A_292 = arith.constant 32 : i32
        %mul3A_293 = arith.muli %add3A_291, %mul3A_292 : i32
        %add3A_294 = arith.addi %mul3A_2, %mul3A_293 : i32
        %dma_start3A_295 = arith.constant 1 : i32
        %dma_start3A_296 = arith.constant 0 : i32
        %dma_start3A_297 = arith.constant 0 : i32
        %dma_start3A_298 = tpu.memref_slice %arg7[%dma_start3A_295, %dma_start3A_296, %dma_start3A_297] : memref<2x32x384xf32, #tpu.memory_space<vmem>> -> memref<1x32x384xf32, #tpu.memory_space<vmem>>
        %dma_start3A_299 = tpu.memref_squeeze %dma_start3A_298 : memref<1x32x384xf32, #tpu.memory_space<vmem>> -> memref<32x384xf32, #tpu.memory_space<vmem>>
        %dma_start3A_300 = arith.constant 0 : i32
        %dma_start3A_301 = tpu.memref_slice %arg2[%add3A_294, %dma_start3A_300] : memref<6144x384xf32, #tpu.memory_space<hbm>> -> memref<32x384xf32, #tpu.memory_space<hbm>>
        %dma_start3A_302 = arith.constant 0 : i32
        %dma_start3A_303 = arith.constant 0 : i32
        %dma_start3A_304 = tpu.memref_slice %arg7[%dma_start3A_295, %dma_start3A_302, %dma_start3A_303] : memref<2x32x384xf32, #tpu.memory_space<vmem>> -> memref<1x32x384xf32, #tpu.memory_space<vmem>>
        %dma_start3A_305 = tpu.memref_squeeze %dma_start3A_304 : memref<1x32x384xf32, #tpu.memory_space<vmem>> -> memref<32x384xf32, #tpu.memory_space<vmem>>
        %dma_start3A_306 = arith.constant 0 : i32
        %dma_start3A_307 = tpu.memref_slice %arg2[%add3A_294, %dma_start3A_306] : memref<6144x384xf32, #tpu.memory_space<hbm>> -> memref<32x384xf32, #tpu.memory_space<hbm>>
        tpu.enqueue_dma source(%dma_start3A_307 : memref<32x384xf32, #tpu.memory_space<hbm>>) target(%dma_start3A_305 : memref<32x384xf32, #tpu.memory_space<vmem>>) target_semaphore(%arg15 : memref<!tpu.dma_semaphore, #tpu.memory_space<semaphore_mem>>)
        %add3A_308 = arith.constant 2 : i32
        %add3A_309 = arith.addi %add3A_224, %add3A_308 : i32
        %mul3A_310 = arith.constant 32 : i32
        %mul3A_311 = arith.muli %add3A_309, %mul3A_310 : i32
        %add3A_312 = arith.addi %mul3A_2, %mul3A_311 : i32
        %dma_start3A_313 = arith.constant 1 : i32
        %dma_start3A_314 = arith.constant 0 : i32
        %dma_start3A_315 = arith.constant 0 : i32
        %dma_start3A_316 = tpu.memref_slice %arg8[%dma_start3A_313, %dma_start3A_314, %dma_start3A_315] : memref<2x32x384xf32, #tpu.memory_space<vmem>> -> memref<1x32x384xf32, #tpu.memory_space<vmem>>
        %dma_start3A_317 = tpu.memref_squeeze %dma_start3A_316 : memref<1x32x384xf32, #tpu.memory_space<vmem>> -> memref<32x384xf32, #tpu.memory_space<vmem>>
        %dma_start3A_318 = arith.constant 0 : i32
        %dma_start3A_319 = tpu.memref_slice %arg3[%add3A_312, %dma_start3A_318] : memref<6144x384xf32, #tpu.memory_space<hbm>> -> memref<32x384xf32, #tpu.memory_space<hbm>>
        %dma_start3A_320 = arith.constant 0 : i32
        %dma_start3A_321 = arith.constant 0 : i32
        %dma_start3A_322 = tpu.memref_slice %arg8[%dma_start3A_313, %dma_start3A_320, %dma_start3A_321] : memref<2x32x384xf32, #tpu.memory_space<vmem>> -> memref<1x32x384xf32, #tpu.memory_space<vmem>>
        %dma_start3A_323 = tpu.memref_squeeze %dma_start3A_322 : memref<1x32x384xf32, #tpu.memory_space<vmem>> -> memref<32x384xf32, #tpu.memory_space<vmem>>
        %dma_start3A_324 = arith.constant 0 : i32
        %dma_start3A_325 = tpu.memref_slice %arg3[%add3A_312, %dma_start3A_324] : memref<6144x384xf32, #tpu.memory_space<hbm>> -> memref<32x384xf32, #tpu.memory_space<hbm>>
        tpu.enqueue_dma source(%dma_start3A_325 : memref<32x384xf32, #tpu.memory_space<hbm>>) target(%dma_start3A_323 : memref<32x384xf32, #tpu.memory_space<vmem>>) target_semaphore(%arg15 : memref<!tpu.dma_semaphore, #tpu.memory_space<semaphore_mem>>)
        %add3A_326 = arith.constant 2 : i32
        %add3A_327 = arith.addi %add3A_224, %add3A_326 : i32
        %mul3A_328 = arith.constant 32 : i32
        %mul3A_329 = arith.muli %add3A_327, %mul3A_328 : i32
        %add3A_330 = arith.addi %mul3A_2, %mul3A_329 : i32
        %dma_start3A_331 = arith.constant 1 : i32
        %dma_start3A_332 = arith.constant 0 : i32
        %dma_start3A_333 = arith.constant 0 : i32
        %dma_start3A_334 = tpu.memref_slice %arg9[%dma_start3A_331, %dma_start3A_332, %dma_start3A_333] : memref<2x32x384xf32, #tpu.memory_space<vmem>> -> memref<1x32x384xf32, #tpu.memory_space<vmem>>
        %dma_start3A_335 = tpu.memref_squeeze %dma_start3A_334 : memref<1x32x384xf32, #tpu.memory_space<vmem>> -> memref<32x384xf32, #tpu.memory_space<vmem>>
        %dma_start3A_336 = arith.constant 0 : i32
        %dma_start3A_337 = tpu.memref_slice %arg4[%add3A_330, %dma_start3A_336] : memref<6144x384xf32, #tpu.memory_space<hbm>> -> memref<32x384xf32, #tpu.memory_space<hbm>>
        %dma_start3A_338 = arith.constant 0 : i32
        %dma_start3A_339 = arith.constant 0 : i32
        %dma_start3A_340 = tpu.memref_slice %arg9[%dma_start3A_331, %dma_start3A_338, %dma_start3A_339] : memref<2x32x384xf32, #tpu.memory_space<vmem>> -> memref<1x32x384xf32, #tpu.memory_space<vmem>>
        %dma_start3A_341 = tpu.memref_squeeze %dma_start3A_340 : memref<1x32x384xf32, #tpu.memory_space<vmem>> -> memref<32x384xf32, #tpu.memory_space<vmem>>
        %dma_start3A_342 = arith.constant 0 : i32
        %dma_start3A_343 = tpu.memref_slice %arg4[%add3A_330, %dma_start3A_342] : memref<6144x384xf32, #tpu.memory_space<hbm>> -> memref<32x384xf32, #tpu.memory_space<hbm>>
        tpu.enqueue_dma source(%dma_start3A_343 : memref<32x384xf32, #tpu.memory_space<hbm>>) target(%dma_start3A_341 : memref<32x384xf32, #tpu.memory_space<vmem>>) target_semaphore(%arg15 : memref<!tpu.dma_semaphore, #tpu.memory_space<semaphore_mem>>)
        %add3A_344 = arith.constant 2 : i32
        %add3A_345 = arith.addi %add3A_224, %add3A_344 : i32
        %mul3A_346 = arith.constant 32 : i32
        %mul3A_347 = arith.muli %add3A_345, %mul3A_346 : i32
        %add3A_348 = arith.addi %mul3A_2, %mul3A_347 : i32
        %dma_start3A_349 = arith.constant 1 : i32
        %dma_start3A_350 = arith.constant 0 : i32
        %dma_start3A_351 = arith.constant 0 : i32
        %dma_start3A_352 = tpu.memref_slice %arg10[%dma_start3A_349, %dma_start3A_350, %dma_start3A_351] : memref<2x32x384xf32, #tpu.memory_space<vmem>> -> memref<1x32x384xf32, #tpu.memory_space<vmem>>
        %dma_start3A_353 = tpu.memref_squeeze %dma_start3A_352 : memref<1x32x384xf32, #tpu.memory_space<vmem>> -> memref<32x384xf32, #tpu.memory_space<vmem>>
        %dma_start3A_354 = arith.constant 0 : i32
        %dma_start3A_355 = tpu.memref_slice %arg5[%add3A_348, %dma_start3A_354] : memref<6144x384xf32, #tpu.memory_space<hbm>> -> memref<32x384xf32, #tpu.memory_space<hbm>>
        %dma_start3A_356 = arith.constant 0 : i32
        %dma_start3A_357 = arith.constant 0 : i32
        %dma_start3A_358 = tpu.memref_slice %arg10[%dma_start3A_349, %dma_start3A_356, %dma_start3A_357] : memref<2x32x384xf32, #tpu.memory_space<vmem>> -> memref<1x32x384xf32, #tpu.memory_space<vmem>>
        %dma_start3A_359 = tpu.memref_squeeze %dma_start3A_358 : memref<1x32x384xf32, #tpu.memory_space<vmem>> -> memref<32x384xf32, #tpu.memory_space<vmem>>
        %dma_start3A_360 = arith.constant 0 : i32
        %dma_start3A_361 = tpu.memref_slice %arg5[%add3A_348, %dma_start3A_360] : memref<6144x384xf32, #tpu.memory_space<hbm>> -> memref<32x384xf32, #tpu.memory_space<hbm>>
        tpu.enqueue_dma source(%dma_start3A_361 : memref<32x384xf32, #tpu.memory_space<hbm>>) target(%dma_start3A_359 : memref<32x384xf32, #tpu.memory_space<vmem>>) target_semaphore(%arg15 : memref<!tpu.dma_semaphore, #tpu.memory_space<semaphore_mem>>)
      } else {
      }
    }
    %scan3A_138 = arith.constant 3 : i32
    %mul3A_139 = arith.constant 4 : i32
    %mul3A_140 = arith.muli %add3A, %mul3A_139 : i32
    %add3A_141 = arith.constant 0 : i32
    %add3A_142 = arith.addi %mul3A_140, %add3A_141 : i32
    "tpu.region"() ({
      %run_scoped3A = tpu.sem_alloc : memref<!tpu.dma_semaphore, #tpu.memory_space<semaphore_mem>>
      %dma_start3A_155 = arith.constant 0 : i32
      %dma_start3A_156 = tpu.memref_slice %arg6[%add3A_142, %dma_start3A_155] : memref<128x4368xf32, #tpu.memory_space<hbm>> -> memref<1x4368xf32, #tpu.memory_space<hbm>>
      %dma_start3A_157 = tpu.memref_squeeze %dma_start3A_156 : memref<1x4368xf32, #tpu.memory_space<hbm>> -> memref<4368xf32, #tpu.memory_space<hbm>>
      %dma_start3A_158 = arith.constant 0 : i32
      %dma_start3A_159 = tpu.memref_slice %arg6[%add3A_142, %dma_start3A_158] : memref<128x4368xf32, #tpu.memory_space<hbm>> -> memref<1x4368xf32, #tpu.memory_space<hbm>>
      %dma_start3A_160 = tpu.memref_squeeze %dma_start3A_159 : memref<1x4368xf32, #tpu.memory_space<hbm>> -> memref<4368xf32, #tpu.memory_space<hbm>>
      tpu.enqueue_dma source(%arg11 : memref<4368xf32, #tpu.memory_space<vmem>>) target(%dma_start3A_160 : memref<4368xf32, #tpu.memory_space<hbm>>) target_semaphore(%run_scoped3A : memref<!tpu.dma_semaphore, #tpu.memory_space<semaphore_mem>>)
      %dma_wait3A = arith.constant 0 : i32
      %dma_wait3A_161 = tpu.memref_slice %arg6[%add3A_142, %dma_wait3A] : memref<128x4368xf32, #tpu.memory_space<hbm>> -> memref<1x4368xf32, #tpu.memory_space<hbm>>
      %dma_wait3A_162 = tpu.memref_squeeze %dma_wait3A_161 : memref<1x4368xf32, #tpu.memory_space<hbm>> -> memref<4368xf32, #tpu.memory_space<hbm>>
      %dma_wait3A_163 = arith.constant 0 : i32
      %dma_wait3A_164 = tpu.memref_slice %arg6[%add3A_142, %dma_wait3A_163] : memref<128x4368xf32, #tpu.memory_space<hbm>> -> memref<1x4368xf32, #tpu.memory_space<hbm>>
      %dma_wait3A_165 = tpu.memref_squeeze %dma_wait3A_164 : memref<1x4368xf32, #tpu.memory_space<hbm>> -> memref<4368xf32, #tpu.memory_space<hbm>>
      tpu.wait_dma2 semaphore(%run_scoped3A : memref<!tpu.dma_semaphore, #tpu.memory_space<semaphore_mem>>) src(%arg11 : memref<4368xf32, #tpu.memory_space<vmem>>) dst(%dma_wait3A_165 : memref<4368xf32, #tpu.memory_space<hbm>>)
      tpu.yield
    }) : () -> ()
    %mul3A_143 = arith.constant 4 : i32
    %mul3A_144 = arith.muli %add3A, %mul3A_143 : i32
    %add3A_145 = arith.constant 1 : i32
    %add3A_146 = arith.addi %mul3A_144, %add3A_145 : i32
    "tpu.region"() ({
      %run_scoped3A = tpu.sem_alloc : memref<!tpu.dma_semaphore, #tpu.memory_space<semaphore_mem>>
      %dma_start3A_155 = arith.constant 0 : i32
      %dma_start3A_156 = tpu.memref_slice %arg6[%add3A_146, %dma_start3A_155] : memref<128x4368xf32, #tpu.memory_space<hbm>> -> memref<1x4368xf32, #tpu.memory_space<hbm>>
      %dma_start3A_157 = tpu.memref_squeeze %dma_start3A_156 : memref<1x4368xf32, #tpu.memory_space<hbm>> -> memref<4368xf32, #tpu.memory_space<hbm>>
      %dma_start3A_158 = arith.constant 0 : i32
      %dma_start3A_159 = tpu.memref_slice %arg6[%add3A_146, %dma_start3A_158] : memref<128x4368xf32, #tpu.memory_space<hbm>> -> memref<1x4368xf32, #tpu.memory_space<hbm>>
      %dma_start3A_160 = tpu.memref_squeeze %dma_start3A_159 : memref<1x4368xf32, #tpu.memory_space<hbm>> -> memref<4368xf32, #tpu.memory_space<hbm>>
      tpu.enqueue_dma source(%arg12 : memref<4368xf32, #tpu.memory_space<vmem>>) target(%dma_start3A_160 : memref<4368xf32, #tpu.memory_space<hbm>>) target_semaphore(%run_scoped3A : memref<!tpu.dma_semaphore, #tpu.memory_space<semaphore_mem>>)
      %dma_wait3A = arith.constant 0 : i32
      %dma_wait3A_161 = tpu.memref_slice %arg6[%add3A_146, %dma_wait3A] : memref<128x4368xf32, #tpu.memory_space<hbm>> -> memref<1x4368xf32, #tpu.memory_space<hbm>>
      %dma_wait3A_162 = tpu.memref_squeeze %dma_wait3A_161 : memref<1x4368xf32, #tpu.memory_space<hbm>> -> memref<4368xf32, #tpu.memory_space<hbm>>
      %dma_wait3A_163 = arith.constant 0 : i32
      %dma_wait3A_164 = tpu.memref_slice %arg6[%add3A_146, %dma_wait3A_163] : memref<128x4368xf32, #tpu.memory_space<hbm>> -> memref<1x4368xf32, #tpu.memory_space<hbm>>
      %dma_wait3A_165 = tpu.memref_squeeze %dma_wait3A_164 : memref<1x4368xf32, #tpu.memory_space<hbm>> -> memref<4368xf32, #tpu.memory_space<hbm>>
      tpu.wait_dma2 semaphore(%run_scoped3A : memref<!tpu.dma_semaphore, #tpu.memory_space<semaphore_mem>>) src(%arg12 : memref<4368xf32, #tpu.memory_space<vmem>>) dst(%dma_wait3A_165 : memref<4368xf32, #tpu.memory_space<hbm>>)
      tpu.yield
    }) : () -> ()
    %mul3A_147 = arith.constant 4 : i32
    %mul3A_148 = arith.muli %add3A, %mul3A_147 : i32
    %add3A_149 = arith.constant 2 : i32
    %add3A_150 = arith.addi %mul3A_148, %add3A_149 : i32
    "tpu.region"() ({
      %run_scoped3A = tpu.sem_alloc : memref<!tpu.dma_semaphore, #tpu.memory_space<semaphore_mem>>
      %dma_start3A_155 = arith.constant 0 : i32
      %dma_start3A_156 = tpu.memref_slice %arg6[%add3A_150, %dma_start3A_155] : memref<128x4368xf32, #tpu.memory_space<hbm>> -> memref<1x4368xf32, #tpu.memory_space<hbm>>
      %dma_start3A_157 = tpu.memref_squeeze %dma_start3A_156 : memref<1x4368xf32, #tpu.memory_space<hbm>> -> memref<4368xf32, #tpu.memory_space<hbm>>
      %dma_start3A_158 = arith.constant 0 : i32
      %dma_start3A_159 = tpu.memref_slice %arg6[%add3A_150, %dma_start3A_158] : memref<128x4368xf32, #tpu.memory_space<hbm>> -> memref<1x4368xf32, #tpu.memory_space<hbm>>
      %dma_start3A_160 = tpu.memref_squeeze %dma_start3A_159 : memref<1x4368xf32, #tpu.memory_space<hbm>> -> memref<4368xf32, #tpu.memory_space<hbm>>
      tpu.enqueue_dma source(%arg13 : memref<4368xf32, #tpu.memory_space<vmem>>) target(%dma_start3A_160 : memref<4368xf32, #tpu.memory_space<hbm>>) target_semaphore(%run_scoped3A : memref<!tpu.dma_semaphore, #tpu.memory_space<semaphore_mem>>)
      %dma_wait3A = arith.constant 0 : i32
      %dma_wait3A_161 = tpu.memref_slice %arg6[%add3A_150, %dma_wait3A] : memref<128x4368xf32, #tpu.memory_space<hbm>> -> memref<1x4368xf32, #tpu.memory_space<hbm>>
      %dma_wait3A_162 = tpu.memref_squeeze %dma_wait3A_161 : memref<1x4368xf32, #tpu.memory_space<hbm>> -> memref<4368xf32, #tpu.memory_space<hbm>>
      %dma_wait3A_163 = arith.constant 0 : i32
      %dma_wait3A_164 = tpu.memref_slice %arg6[%add3A_150, %dma_wait3A_163] : memref<128x4368xf32, #tpu.memory_space<hbm>> -> memref<1x4368xf32, #tpu.memory_space<hbm>>
      %dma_wait3A_165 = tpu.memref_squeeze %dma_wait3A_164 : memref<1x4368xf32, #tpu.memory_space<hbm>> -> memref<4368xf32, #tpu.memory_space<hbm>>
      tpu.wait_dma2 semaphore(%run_scoped3A : memref<!tpu.dma_semaphore, #tpu.memory_space<semaphore_mem>>) src(%arg13 : memref<4368xf32, #tpu.memory_space<vmem>>) dst(%dma_wait3A_165 : memref<4368xf32, #tpu.memory_space<hbm>>)
      tpu.yield
    }) : () -> ()
    %mul3A_151 = arith.constant 4 : i32
    %mul3A_152 = arith.muli %add3A, %mul3A_151 : i32
    %add3A_153 = arith.constant 3 : i32
    %add3A_154 = arith.addi %mul3A_152, %add3A_153 : i32
    "tpu.region"() ({
      %run_scoped3A = tpu.sem_alloc : memref<!tpu.dma_semaphore, #tpu.memory_space<semaphore_mem>>
      %dma_start3A_155 = arith.constant 0 : i32
      %dma_start3A_156 = tpu.memref_slice %arg6[%add3A_154, %dma_start3A_155] : memref<128x4368xf32, #tpu.memory_space<hbm>> -> memref<1x4368xf32, #tpu.memory_space<hbm>>
      %dma_start3A_157 = tpu.memref_squeeze %dma_start3A_156 : memref<1x4368xf32, #tpu.memory_space<hbm>> -> memref<4368xf32, #tpu.memory_space<hbm>>
      %dma_start3A_158 = arith.constant 0 : i32
      %dma_start3A_159 = tpu.memref_slice %arg6[%add3A_154, %dma_start3A_158] : memref<128x4368xf32, #tpu.memory_space<hbm>> -> memref<1x4368xf32, #tpu.memory_space<hbm>>
      %dma_start3A_160 = tpu.memref_squeeze %dma_start3A_159 : memref<1x4368xf32, #tpu.memory_space<hbm>> -> memref<4368xf32, #tpu.memory_space<hbm>>
      tpu.enqueue_dma source(%arg14 : memref<4368xf32, #tpu.memory_space<vmem>>) target(%dma_start3A_160 : memref<4368xf32, #tpu.memory_space<hbm>>) target_semaphore(%run_scoped3A : memref<!tpu.dma_semaphore, #tpu.memory_space<semaphore_mem>>)
      %dma_wait3A = arith.constant 0 : i32
      %dma_wait3A_161 = tpu.memref_slice %arg6[%add3A_154, %dma_wait3A] : memref<128x4368xf32, #tpu.memory_space<hbm>> -> memref<1x4368xf32, #tpu.memory_space<hbm>>
      %dma_wait3A_162 = tpu.memref_squeeze %dma_wait3A_161 : memref<1x4368xf32, #tpu.memory_space<hbm>> -> memref<4368xf32, #tpu.memory_space<hbm>>
      %dma_wait3A_163 = arith.constant 0 : i32
      %dma_wait3A_164 = tpu.memref_slice %arg6[%add3A_154, %dma_wait3A_163] : memref<128x4368xf32, #tpu.memory_space<hbm>> -> memref<1x4368xf32, #tpu.memory_space<hbm>>
      %dma_wait3A_165 = tpu.memref_squeeze %dma_wait3A_164 : memref<1x4368xf32, #tpu.memory_space<hbm>> -> memref<4368xf32, #tpu.memory_space<hbm>>
      tpu.wait_dma2 semaphore(%run_scoped3A : memref<!tpu.dma_semaphore, #tpu.memory_space<semaphore_mem>>) src(%arg14 : memref<4368xf32, #tpu.memory_space<vmem>>) dst(%dma_wait3A_165 : memref<4368xf32, #tpu.memory_space<hbm>>)
      tpu.yield
    }) : () -> ()
    return
  }
}

module attributes {stable_mosaic.version = 14 : i64} {
  func.func @_tc_finish(%arg0: memref<1x1xf32, #tpu.memory_space<smem>>, %arg1: memref<1x1xf32, #tpu.memory_space<smem>>, %arg2: memref<128x4368xf32, #tpu.memory_space<vmem>>, %arg3: memref<1x1xf32, #tpu.memory_space<vmem>>) attributes {dimension_semantics = [], scalar_prefetch = 0 : i64, scratch_operands = 0 : i64, tpu.core_type = #tpu.core_type<tc>} {
    %get3A = arith.constant 0 : index
    %get3A_0 = arith.constant 0 : index
    %get3A_1 = memref.load %arg0[%get3A, %get3A_0] : memref<1x1xf32, #tpu.memory_space<smem>>
    %get3A_2 = arith.constant 0 : index
    %get3A_3 = arith.constant 0 : index
    %get3A_4 = memref.load %arg1[%get3A_2, %get3A_3] : memref<1x1xf32, #tpu.memory_space<smem>>
    %get3A_5 = arith.constant 0 : index
    %get3A_6 = arith.constant 0 : index
    %get3A_7 = vector.load %arg2[%get3A_5, %get3A_6] : memref<128x4368xf32, #tpu.memory_space<vmem>>, vector<128x4368xf32>
    %reshape3A = vector.shape_cast %get3A_7 : vector<128x4368xf32> to vector<32x4x16x273xf32>
    %reduce_sum3A = arith.constant dense<0.000000e+00> : vector<4x16x273xf32>
    %reduce_sum3A_8 = vector.multi_reduction <add>, %reshape3A, %reduce_sum3A [0] : vector<32x4x16x273xf32> to vector<4x16x273xf32>
    %reduce_sum3A_9 = arith.constant dense<0.000000e+00> : vector<4x273xf32>
    %reduce_sum3A_10 = vector.multi_reduction <add>, %reduce_sum3A_8, %reduce_sum3A_9 [1] : vector<4x16x273xf32> to vector<4x273xf32>
    %iota3A = tpu.iota {dimensions = array<i32: 0>} : vector<4x1xi32>
    %jit3A = arith.constant 2 : i32
    %eq3A = arith.constant 0 : i32
    %eq3A_11 = arith.cmpi eq, %jit3A, %eq3A : i32
    %jit3A_12 = arith.constant 1 : i32
    %select_n3A = arith.select %eq3A_11, %jit3A_12, %jit3A : i32
    %rem3A = vector.broadcast %select_n3A : i32 to vector<4x1xi32>
    %rem3A_13 = arith.remsi %iota3A, %rem3A : vector<4x1xi32>
    %ne3A = arith.constant 0 : i32
    %ne3A_14 = vector.broadcast %ne3A : i32 to vector<4x1xi32>
    %ne3A_15 = arith.cmpi ne, %rem3A_13, %ne3A_14 : vector<4x1xi32>
    %lt3A = arith.constant 0 : i32
    %lt3A_16 = vector.broadcast %lt3A : i32 to vector<4x1xi32>
    %lt3A_17 = arith.cmpi slt, %rem3A_13, %lt3A_16 : vector<4x1xi32>
    %lt3A_18 = arith.constant 0 : i32
    %lt3A_19 = arith.cmpi slt, %select_n3A, %lt3A_18 : i32
    %ne3A_20 = vector.broadcast %lt3A_19 : i1 to vector<4x1xi1>
    %ne3A_21 = vector.broadcast %ne3A_20 : vector<4x1xi1> to vector<4x1xi1>
    %ne3A_22 = arith.xori %lt3A_17, %ne3A_21 : vector<4x1xi1>
    %and3A = arith.andi %ne3A_22, %ne3A_15 : vector<4x1xi1>
    %add3A = vector.broadcast %select_n3A : i32 to vector<4x1xi32>
    %add3A_23 = arith.addi %rem3A_13, %add3A : vector<4x1xi32>
    %select_n3A_24 = arith.select %and3A, %add3A_23, %rem3A_13 : vector<4x1xi1>, vector<4x1xi32>
    %eq3A_25 = arith.constant 1 : i32
    %eq3A_26 = vector.broadcast %eq3A_25 : i32 to vector<4x1xi32>
    %eq3A_27 = arith.cmpi eq, %select_n3A_24, %eq3A_26 : vector<4x1xi32>
    %jit3A_28 = arith.constant 3.906250e-03 : f32
    %jit3A_29 = arith.constant 1.000000e+00 : f32
    %broadcast_in_dim3A = vector.broadcast %jit3A_28 : f32 to vector<4x1xf32>
    %broadcast_in_dim3A_30 = vector.broadcast %jit3A_29 : f32 to vector<4x1xf32>
    %select_n3A_31 = arith.select %eq3A_27, %broadcast_in_dim3A, %broadcast_in_dim3A_30 : vector<4x1xi1>, vector<4x1xf32>
    %mul3A = vector.broadcast %select_n3A_31 : vector<4x1xf32> to vector<4x273xf32>
    %mul3A_32 = arith.mulf %reduce_sum3A_10, %mul3A : vector<4x273xf32>
    %slice3A = vector.extract_strided_slice %mul3A_32 {offsets = [0, 0], sizes = [4, 256], strides = [1, 1]} : vector<4x273xf32> to vector<4x256xf32>
    %iota3A_33 = tpu.iota {dimensions = array<i32: 0>} : vector<256x256xi32>
    %iota3A_34 = tpu.iota {dimensions = array<i32: 1>} : vector<256x256xi32>
    %ge3A = arith.cmpi sge, %iota3A_33, %iota3A_34 : vector<256x256xi32>
    %convert_element_type3A = arith.extui %ge3A : vector<256x256xi1> to vector<256x256xi32>
    %convert_element_type3A_35 = arith.sitofp %convert_element_type3A : vector<256x256xi32> to vector<256x256xf32>
    %dot_general3A = arith.constant dense<0.000000e+00> : vector<4x256xf32>
    %dot_general3A_36 = tpu.matmul %slice3A, %convert_element_type3A_35, %dot_general3A {dimension_numbers = #tpu.dot_dimension_numbers<[1], [0], [0], [1], [0, 0, 1, 1], [], []>, transpose_lhs_hint = false} : vector<4x256xf32>, vector<256x256xf32>, vector<4x256xf32> -> vector<4x256xf32>
    %iota3A_37 = tpu.iota {dimensions = array<i32: 1>} : vector<1x256xi32>
    %convert_element_type3A_38 = arith.sitofp %iota3A_37 : vector<1x256xi32> to vector<1x256xf32>
    %slice3A_39 = vector.extract_strided_slice %slice3A {offsets = [0, 0], sizes = [1, 256], strides = [1, 1]} : vector<4x256xf32> to vector<1x256xf32>
    %slice3A_40 = vector.extract_strided_slice %slice3A {offsets = [1, 0], sizes = [1, 256], strides = [1, 1]} : vector<4x256xf32> to vector<1x256xf32>
    %slice3A_41 = vector.extract_strided_slice %dot_general3A_36 {offsets = [0, 0], sizes = [1, 256], strides = [1, 1]} : vector<4x256xf32> to vector<1x256xf32>
    %slice3A_42 = vector.extract_strided_slice %dot_general3A_36 {offsets = [1, 0], sizes = [1, 256], strides = [1, 1]} : vector<4x256xf32> to vector<1x256xf32>
    %reduce_max3A = vector.shape_cast %slice3A_41 : vector<1x256xf32> to vector<1x1x256xf32>
    %reduce_max3A_43 = arith.constant dense<0xFF800000> : vector<1xf32>
    %reduce_max3A_44 = vector.multi_reduction <maximumf>, %reduce_max3A, %reduce_max3A_43 [1, 2] : vector<1x1x256xf32> to vector<1xf32>
    %reduce_max3A_45 = vector.shape_cast %reduce_max3A_44 : vector<1xf32> to vector<1x1x1xf32>
    %reduce_max3A_46 = vector.extract %reduce_max3A_45[0, 0, 0] : f32 from vector<1x1x1xf32>
    %slice3A_47 = vector.extract_strided_slice %mul3A_32 {offsets = [0, 256], sizes = [1, 1], strides = [1, 1]} : vector<4x273xf32> to vector<1x1xf32>
    %squeeze3A = vector.extract %slice3A_47[0, 0] : f32 from vector<1x1xf32>
    %slice3A_48 = vector.extract_strided_slice %mul3A_32 {offsets = [1, 256], sizes = [1, 1], strides = [1, 1]} : vector<4x273xf32> to vector<1x1xf32>
    %squeeze3A_49 = vector.extract %slice3A_48[0, 0] : f32 from vector<1x1xf32>
    %ge3A_50 = vector.broadcast %get3A_1 : f32 to vector<1x256xf32>
    %ge3A_51 = arith.cmpf oge, %slice3A_41, %ge3A_50 : vector<1x256xf32>
    %jit3A_52 = arith.constant -1.000000e+00 : f32
    %broadcast_in_dim3A_53 = vector.broadcast %jit3A_52 : f32 to vector<1x256xf32>
    %select_n3A_54 = arith.select %ge3A_51, %convert_element_type3A_38, %broadcast_in_dim3A_53 : vector<1x256xi1>, vector<1x256xf32>
    %reduce_max3A_55 = vector.shape_cast %select_n3A_54 : vector<1x256xf32> to vector<1x1x256xf32>
    %reduce_max3A_56 = arith.constant dense<0xFF800000> : vector<1xf32>
    %reduce_max3A_57 = vector.multi_reduction <maximumf>, %reduce_max3A_55, %reduce_max3A_56 [1, 2] : vector<1x1x256xf32> to vector<1xf32>
    %reduce_max3A_58 = vector.shape_cast %reduce_max3A_57 : vector<1xf32> to vector<1x1x1xf32>
    %reduce_max3A_59 = vector.extract %reduce_max3A_58[0, 0, 0] : f32 from vector<1x1x1xf32>
    %eq3A_60 = vector.broadcast %reduce_max3A_59 : f32 to vector<1x256xf32>
    %eq3A_61 = arith.cmpf oeq, %convert_element_type3A_38, %eq3A_60 : vector<1x256xf32>
    %jit3A_62 = arith.constant 0.000000e+00 : f32
    %broadcast_in_dim3A_63 = vector.broadcast %jit3A_62 : f32 to vector<1x256xf32>
    %select_n3A_64 = arith.select %eq3A_61, %slice3A_39, %broadcast_in_dim3A_63 : vector<1x256xi1>, vector<1x256xf32>
    %reduce_sum3A_65 = vector.shape_cast %select_n3A_64 : vector<1x256xf32> to vector<1x1x256xf32>
    %reduce_sum3A_66 = arith.constant dense<0.000000e+00> : vector<1xf32>
    %reduce_sum3A_67 = vector.multi_reduction <add>, %reduce_sum3A_65, %reduce_sum3A_66 [1, 2] : vector<1x1x256xf32> to vector<1xf32>
    %reduce_sum3A_68 = vector.shape_cast %reduce_sum3A_67 : vector<1xf32> to vector<1x1x1xf32>
    %reduce_sum3A_69 = vector.extract %reduce_sum3A_68[0, 0, 0] : f32 from vector<1x1x1xf32>
    %jit3A_70 = arith.constant 0.000000e+00 : f32
    %broadcast_in_dim3A_71 = vector.broadcast %jit3A_70 : f32 to vector<1x256xf32>
    %select_n3A_72 = arith.select %eq3A_61, %slice3A_40, %broadcast_in_dim3A_71 : vector<1x256xi1>, vector<1x256xf32>
    %reduce_sum3A_73 = vector.shape_cast %select_n3A_72 : vector<1x256xf32> to vector<1x1x256xf32>
    %reduce_sum3A_74 = arith.constant dense<0.000000e+00> : vector<1xf32>
    %reduce_sum3A_75 = vector.multi_reduction <add>, %reduce_sum3A_73, %reduce_sum3A_74 [1, 2] : vector<1x1x256xf32> to vector<1xf32>
    %reduce_sum3A_76 = vector.shape_cast %reduce_sum3A_75 : vector<1xf32> to vector<1x1x1xf32>
    %reduce_sum3A_77 = vector.extract %reduce_sum3A_76[0, 0, 0] : f32 from vector<1x1x1xf32>
    %jit3A_78 = arith.constant 0.000000e+00 : f32
    %broadcast_in_dim3A_79 = vector.broadcast %jit3A_78 : f32 to vector<1x256xf32>
    %select_n3A_80 = arith.select %eq3A_61, %slice3A_41, %broadcast_in_dim3A_79 : vector<1x256xi1>, vector<1x256xf32>
    %reduce_sum3A_81 = vector.shape_cast %select_n3A_80 : vector<1x256xf32> to vector<1x1x256xf32>
    %reduce_sum3A_82 = arith.constant dense<0.000000e+00> : vector<1xf32>
    %reduce_sum3A_83 = vector.multi_reduction <add>, %reduce_sum3A_81, %reduce_sum3A_82 [1, 2] : vector<1x1x256xf32> to vector<1xf32>
    %reduce_sum3A_84 = vector.shape_cast %reduce_sum3A_83 : vector<1xf32> to vector<1x1x1xf32>
    %reduce_sum3A_85 = vector.extract %reduce_sum3A_84[0, 0, 0] : f32 from vector<1x1x1xf32>
    %jit3A_86 = arith.constant 0.000000e+00 : f32
    %broadcast_in_dim3A_87 = vector.broadcast %jit3A_86 : f32 to vector<1x256xf32>
    %select_n3A_88 = arith.select %eq3A_61, %slice3A_42, %broadcast_in_dim3A_87 : vector<1x256xi1>, vector<1x256xf32>
    %reduce_sum3A_89 = vector.shape_cast %select_n3A_88 : vector<1x256xf32> to vector<1x1x256xf32>
    %reduce_sum3A_90 = arith.constant dense<0.000000e+00> : vector<1xf32>
    %reduce_sum3A_91 = vector.multi_reduction <add>, %reduce_sum3A_89, %reduce_sum3A_90 [1, 2] : vector<1x1x256xf32> to vector<1xf32>
    %reduce_sum3A_92 = vector.shape_cast %reduce_sum3A_91 : vector<1xf32> to vector<1x1x1xf32>
    %reduce_sum3A_93 = vector.extract %reduce_sum3A_92[0, 0, 0] : f32 from vector<1x1x1xf32>
    %reduce_max3A_94 = vector.shape_cast %slice3A_41 : vector<1x256xf32> to vector<1x1x256xf32>
    %reduce_max3A_95 = arith.constant dense<0xFF800000> : vector<1xf32>
    %reduce_max3A_96 = vector.multi_reduction <maximumf>, %reduce_max3A_94, %reduce_max3A_95 [1, 2] : vector<1x1x256xf32> to vector<1xf32>
    %reduce_max3A_97 = vector.shape_cast %reduce_max3A_96 : vector<1xf32> to vector<1x1x1xf32>
    %reduce_max3A_98 = vector.extract %reduce_max3A_97[0, 0, 0] : f32 from vector<1x1x1xf32>
    %reduce_max3A_99 = vector.shape_cast %slice3A_42 : vector<1x256xf32> to vector<1x1x256xf32>
    %reduce_max3A_100 = arith.constant dense<0xFF800000> : vector<1xf32>
    %reduce_max3A_101 = vector.multi_reduction <maximumf>, %reduce_max3A_99, %reduce_max3A_100 [1, 2] : vector<1x1x256xf32> to vector<1xf32>
    %reduce_max3A_102 = vector.shape_cast %reduce_max3A_101 : vector<1xf32> to vector<1x1x1xf32>
    %reduce_max3A_103 = vector.extract %reduce_max3A_102[0, 0, 0] : f32 from vector<1x1x1xf32>
    %sub3A = arith.subf %reduce_sum3A_85, %reduce_sum3A_69 : f32
    %sub3A_104 = arith.subf %get3A_1, %sub3A : f32
    %sub3A_105 = arith.subf %reduce_sum3A_93, %reduce_sum3A_77 : f32
    %mul3A_106 = arith.mulf %sub3A_104, %reduce_sum3A_77 : f32
    %max3A = arith.constant 1.000000e+00 : f32
    %max3A_107 = arith.maximumf %reduce_sum3A_69, %max3A : f32
    %div3A = arith.divf %mul3A_106, %max3A_107 : f32
    %add3A_108 = arith.addf %sub3A_105, %div3A : f32
    %ge3A_109 = arith.cmpf oge, %get3A_1, %reduce_max3A_98 : f32
    %select_n3A_110 = arith.select %ge3A_109, %reduce_max3A_103, %add3A_108 : f32
    %le3A = arith.constant 0.000000e+00 : f32
    %le3A_111 = arith.cmpf ole, %get3A_1, %le3A : f32
    %jit3A_112 = arith.constant 0.000000e+00 : f32
    %select_n3A_113 = arith.select %le3A_111, %jit3A_112, %select_n3A_110 : f32
    %div3A_114 = arith.divf %select_n3A_113, %get3A_1 : f32
    %mul3A_115 = arith.mulf %get3A_4, %squeeze3A : f32
    %floor3A = math.floor %mul3A_115 : f32
    %gt3A = arith.constant 0.000000e+00 : f32
    %gt3A_116 = arith.cmpf ogt, %squeeze3A, %gt3A : f32
    %ge3A_117 = vector.broadcast %floor3A : f32 to vector<1x256xf32>
    %ge3A_118 = arith.cmpf oge, %slice3A_41, %ge3A_117 : vector<1x256xf32>
    %jit3A_119 = arith.constant -1.000000e+00 : f32
    %broadcast_in_dim3A_120 = vector.broadcast %jit3A_119 : f32 to vector<1x256xf32>
    %select_n3A_121 = arith.select %ge3A_118, %convert_element_type3A_38, %broadcast_in_dim3A_120 : vector<1x256xi1>, vector<1x256xf32>
    %reduce_max3A_122 = vector.shape_cast %select_n3A_121 : vector<1x256xf32> to vector<1x1x256xf32>
    %reduce_max3A_123 = arith.constant dense<0xFF800000> : vector<1xf32>
    %reduce_max3A_124 = vector.multi_reduction <maximumf>, %reduce_max3A_122, %reduce_max3A_123 [1, 2] : vector<1x1x256xf32> to vector<1xf32>
    %reduce_max3A_125 = vector.shape_cast %reduce_max3A_124 : vector<1xf32> to vector<1x1x1xf32>
    %reduce_max3A_126 = vector.extract %reduce_max3A_125[0, 0, 0] : f32 from vector<1x1x1xf32>
    %eq3A_127 = vector.broadcast %reduce_max3A_126 : f32 to vector<1x256xf32>
    %eq3A_128 = arith.cmpf oeq, %convert_element_type3A_38, %eq3A_127 : vector<1x256xf32>
    %jit3A_129 = arith.constant 0.000000e+00 : f32
    %broadcast_in_dim3A_130 = vector.broadcast %jit3A_129 : f32 to vector<1x256xf32>
    %select_n3A_131 = arith.select %eq3A_128, %slice3A_39, %broadcast_in_dim3A_130 : vector<1x256xi1>, vector<1x256xf32>
    %reduce_sum3A_132 = vector.shape_cast %select_n3A_131 : vector<1x256xf32> to vector<1x1x256xf32>
    %reduce_sum3A_133 = arith.constant dense<0.000000e+00> : vector<1xf32>
    %reduce_sum3A_134 = vector.multi_reduction <add>, %reduce_sum3A_132, %reduce_sum3A_133 [1, 2] : vector<1x1x256xf32> to vector<1xf32>
    %reduce_sum3A_135 = vector.shape_cast %reduce_sum3A_134 : vector<1xf32> to vector<1x1x1xf32>
    %reduce_sum3A_136 = vector.extract %reduce_sum3A_135[0, 0, 0] : f32 from vector<1x1x1xf32>
    %jit3A_137 = arith.constant 0.000000e+00 : f32
    %broadcast_in_dim3A_138 = vector.broadcast %jit3A_137 : f32 to vector<1x256xf32>
    %select_n3A_139 = arith.select %eq3A_128, %slice3A_40, %broadcast_in_dim3A_138 : vector<1x256xi1>, vector<1x256xf32>
    %reduce_sum3A_140 = vector.shape_cast %select_n3A_139 : vector<1x256xf32> to vector<1x1x256xf32>
    %reduce_sum3A_141 = arith.constant dense<0.000000e+00> : vector<1xf32>
    %reduce_sum3A_142 = vector.multi_reduction <add>, %reduce_sum3A_140, %reduce_sum3A_141 [1, 2] : vector<1x1x256xf32> to vector<1xf32>
    %reduce_sum3A_143 = vector.shape_cast %reduce_sum3A_142 : vector<1xf32> to vector<1x1x1xf32>
    %reduce_sum3A_144 = vector.extract %reduce_sum3A_143[0, 0, 0] : f32 from vector<1x1x1xf32>
    %jit3A_145 = arith.constant 0.000000e+00 : f32
    %broadcast_in_dim3A_146 = vector.broadcast %jit3A_145 : f32 to vector<1x256xf32>
    %select_n3A_147 = arith.select %eq3A_128, %slice3A_41, %broadcast_in_dim3A_146 : vector<1x256xi1>, vector<1x256xf32>
    %reduce_sum3A_148 = vector.shape_cast %select_n3A_147 : vector<1x256xf32> to vector<1x1x256xf32>
    %reduce_sum3A_149 = arith.constant dense<0.000000e+00> : vector<1xf32>
    %reduce_sum3A_150 = vector.multi_reduction <add>, %reduce_sum3A_148, %reduce_sum3A_149 [1, 2] : vector<1x1x256xf32> to vector<1xf32>
    %reduce_sum3A_151 = vector.shape_cast %reduce_sum3A_150 : vector<1xf32> to vector<1x1x1xf32>
    %reduce_sum3A_152 = vector.extract %reduce_sum3A_151[0, 0, 0] : f32 from vector<1x1x1xf32>
    %jit3A_153 = arith.constant 0.000000e+00 : f32
    %broadcast_in_dim3A_154 = vector.broadcast %jit3A_153 : f32 to vector<1x256xf32>
    %select_n3A_155 = arith.select %eq3A_128, %slice3A_42, %broadcast_in_dim3A_154 : vector<1x256xi1>, vector<1x256xf32>
    %reduce_sum3A_156 = vector.shape_cast %select_n3A_155 : vector<1x256xf32> to vector<1x1x256xf32>
    %reduce_sum3A_157 = arith.constant dense<0.000000e+00> : vector<1xf32>
    %reduce_sum3A_158 = vector.multi_reduction <add>, %reduce_sum3A_156, %reduce_sum3A_157 [1, 2] : vector<1x1x256xf32> to vector<1xf32>
    %reduce_sum3A_159 = vector.shape_cast %reduce_sum3A_158 : vector<1xf32> to vector<1x1x1xf32>
    %reduce_sum3A_160 = vector.extract %reduce_sum3A_159[0, 0, 0] : f32 from vector<1x1x1xf32>
    %reduce_max3A_161 = vector.shape_cast %slice3A_41 : vector<1x256xf32> to vector<1x1x256xf32>
    %reduce_max3A_162 = arith.constant dense<0xFF800000> : vector<1xf32>
    %reduce_max3A_163 = vector.multi_reduction <maximumf>, %reduce_max3A_161, %reduce_max3A_162 [1, 2] : vector<1x1x256xf32> to vector<1xf32>
    %reduce_max3A_164 = vector.shape_cast %reduce_max3A_163 : vector<1xf32> to vector<1x1x1xf32>
    %reduce_max3A_165 = vector.extract %reduce_max3A_164[0, 0, 0] : f32 from vector<1x1x1xf32>
    %reduce_max3A_166 = vector.shape_cast %slice3A_42 : vector<1x256xf32> to vector<1x1x256xf32>
    %reduce_max3A_167 = arith.constant dense<0xFF800000> : vector<1xf32>
    %reduce_max3A_168 = vector.multi_reduction <maximumf>, %reduce_max3A_166, %reduce_max3A_167 [1, 2] : vector<1x1x256xf32> to vector<1xf32>
    %reduce_max3A_169 = vector.shape_cast %reduce_max3A_168 : vector<1xf32> to vector<1x1x1xf32>
    %reduce_max3A_170 = vector.extract %reduce_max3A_169[0, 0, 0] : f32 from vector<1x1x1xf32>
    %sub3A_171 = arith.subf %reduce_sum3A_152, %reduce_sum3A_136 : f32
    %sub3A_172 = arith.subf %floor3A, %sub3A_171 : f32
    %sub3A_173 = arith.subf %reduce_sum3A_160, %reduce_sum3A_144 : f32
    %mul3A_174 = arith.mulf %sub3A_172, %reduce_sum3A_144 : f32
    %max3A_175 = arith.constant 1.000000e+00 : f32
    %max3A_176 = arith.maximumf %reduce_sum3A_136, %max3A_175 : f32
    %div3A_177 = arith.divf %mul3A_174, %max3A_176 : f32
    %add3A_178 = arith.addf %sub3A_173, %div3A_177 : f32
    %ge3A_179 = arith.cmpf oge, %floor3A, %reduce_max3A_165 : f32
    %select_n3A_180 = arith.select %ge3A_179, %reduce_max3A_170, %add3A_178 : f32
    %le3A_181 = arith.constant 0.000000e+00 : f32
    %le3A_182 = arith.cmpf ole, %floor3A, %le3A_181 : f32
    %jit3A_183 = arith.constant 0.000000e+00 : f32
    %select_n3A_184 = arith.select %le3A_182, %jit3A_183, %select_n3A_180 : f32
    %mul3A_185 = arith.mulf %squeeze3A, %get3A_4 : f32
    %max3A_186 = arith.constant 1.000000e+00 : f32
    %max3A_187 = arith.maximumf %mul3A_185, %max3A_186 : f32
    %div3A_188 = arith.divf %select_n3A_184, %max3A_187 : f32
    %jit3A_189 = arith.constant 0.000000e+00 : f32
    %select_n3A_190 = arith.select %gt3A_116, %div3A_188, %jit3A_189 : f32
    %ne3A_191 = arith.constant 0.000000e+00 : f32
    %ne3A_192 = arith.cmpf one, %squeeze3A, %ne3A_191 : f32
    %mul3A_193 = arith.mulf %get3A_4, %squeeze3A : f32
    %lt3A_194 = arith.cmpf olt, %reduce_max3A_46, %mul3A_193 : f32
    %select_n3A_195 = arith.select %lt3A_194, %div3A_114, %select_n3A_190 : f32
    %select_n3A_196 = arith.select %ne3A_192, %select_n3A_195, %div3A_114 : f32
    %ne3A_197 = arith.constant 0.000000e+00 : f32
    %ne3A_198 = arith.cmpf one, %squeeze3A, %ne3A_197 : f32
    %max3A_199 = arith.constant 1.000000e+00 : f32
    %max3A_200 = arith.maximumf %squeeze3A, %max3A_199 : f32
    %div3A_201 = arith.divf %squeeze3A_49, %max3A_200 : f32
    %jit3A_202 = arith.constant 0.000000e+00 : f32
    %select_n3A_203 = arith.select %ne3A_198, %div3A_201, %jit3A_202 : f32
    %add3A_204 = arith.addf %select_n3A_203, %select_n3A_196 : f32
    %slice3A_205 = vector.extract_strided_slice %slice3A {offsets = [2, 0], sizes = [1, 256], strides = [1, 1]} : vector<4x256xf32> to vector<1x256xf32>
    %slice3A_206 = vector.extract_strided_slice %slice3A {offsets = [3, 0], sizes = [1, 256], strides = [1, 1]} : vector<4x256xf32> to vector<1x256xf32>
    %slice3A_207 = vector.extract_strided_slice %dot_general3A_36 {offsets = [2, 0], sizes = [1, 256], strides = [1, 1]} : vector<4x256xf32> to vector<1x256xf32>
    %slice3A_208 = vector.extract_strided_slice %dot_general3A_36 {offsets = [3, 0], sizes = [1, 256], strides = [1, 1]} : vector<4x256xf32> to vector<1x256xf32>
    %reduce_max3A_209 = vector.shape_cast %slice3A_207 : vector<1x256xf32> to vector<1x1x256xf32>
    %reduce_max3A_210 = arith.constant dense<0xFF800000> : vector<1xf32>
    %reduce_max3A_211 = vector.multi_reduction <maximumf>, %reduce_max3A_209, %reduce_max3A_210 [1, 2] : vector<1x1x256xf32> to vector<1xf32>
    %reduce_max3A_212 = vector.shape_cast %reduce_max3A_211 : vector<1xf32> to vector<1x1x1xf32>
    %reduce_max3A_213 = vector.extract %reduce_max3A_212[0, 0, 0] : f32 from vector<1x1x1xf32>
    %slice3A_214 = vector.extract_strided_slice %mul3A_32 {offsets = [2, 256], sizes = [1, 1], strides = [1, 1]} : vector<4x273xf32> to vector<1x1xf32>
    %squeeze3A_215 = vector.extract %slice3A_214[0, 0] : f32 from vector<1x1xf32>
    %slice3A_216 = vector.extract_strided_slice %mul3A_32 {offsets = [3, 256], sizes = [1, 1], strides = [1, 1]} : vector<4x273xf32> to vector<1x1xf32>
    %squeeze3A_217 = vector.extract %slice3A_216[0, 0] : f32 from vector<1x1xf32>
    %ge3A_218 = vector.broadcast %get3A_1 : f32 to vector<1x256xf32>
    %ge3A_219 = arith.cmpf oge, %slice3A_207, %ge3A_218 : vector<1x256xf32>
    %jit3A_220 = arith.constant -1.000000e+00 : f32
    %broadcast_in_dim3A_221 = vector.broadcast %jit3A_220 : f32 to vector<1x256xf32>
    %select_n3A_222 = arith.select %ge3A_219, %convert_element_type3A_38, %broadcast_in_dim3A_221 : vector<1x256xi1>, vector<1x256xf32>
    %reduce_max3A_223 = vector.shape_cast %select_n3A_222 : vector<1x256xf32> to vector<1x1x256xf32>
    %reduce_max3A_224 = arith.constant dense<0xFF800000> : vector<1xf32>
    %reduce_max3A_225 = vector.multi_reduction <maximumf>, %reduce_max3A_223, %reduce_max3A_224 [1, 2] : vector<1x1x256xf32> to vector<1xf32>
    %reduce_max3A_226 = vector.shape_cast %reduce_max3A_225 : vector<1xf32> to vector<1x1x1xf32>
    %reduce_max3A_227 = vector.extract %reduce_max3A_226[0, 0, 0] : f32 from vector<1x1x1xf32>
    %eq3A_228 = vector.broadcast %reduce_max3A_227 : f32 to vector<1x256xf32>
    %eq3A_229 = arith.cmpf oeq, %convert_element_type3A_38, %eq3A_228 : vector<1x256xf32>
    %jit3A_230 = arith.constant 0.000000e+00 : f32
    %broadcast_in_dim3A_231 = vector.broadcast %jit3A_230 : f32 to vector<1x256xf32>
    %select_n3A_232 = arith.select %eq3A_229, %slice3A_205, %broadcast_in_dim3A_231 : vector<1x256xi1>, vector<1x256xf32>
    %reduce_sum3A_233 = vector.shape_cast %select_n3A_232 : vector<1x256xf32> to vector<1x1x256xf32>
    %reduce_sum3A_234 = arith.constant dense<0.000000e+00> : vector<1xf32>
    %reduce_sum3A_235 = vector.multi_reduction <add>, %reduce_sum3A_233, %reduce_sum3A_234 [1, 2] : vector<1x1x256xf32> to vector<1xf32>
    %reduce_sum3A_236 = vector.shape_cast %reduce_sum3A_235 : vector<1xf32> to vector<1x1x1xf32>
    %reduce_sum3A_237 = vector.extract %reduce_sum3A_236[0, 0, 0] : f32 from vector<1x1x1xf32>
    %jit3A_238 = arith.constant 0.000000e+00 : f32
    %broadcast_in_dim3A_239 = vector.broadcast %jit3A_238 : f32 to vector<1x256xf32>
    %select_n3A_240 = arith.select %eq3A_229, %slice3A_206, %broadcast_in_dim3A_239 : vector<1x256xi1>, vector<1x256xf32>
    %reduce_sum3A_241 = vector.shape_cast %select_n3A_240 : vector<1x256xf32> to vector<1x1x256xf32>
    %reduce_sum3A_242 = arith.constant dense<0.000000e+00> : vector<1xf32>
    %reduce_sum3A_243 = vector.multi_reduction <add>, %reduce_sum3A_241, %reduce_sum3A_242 [1, 2] : vector<1x1x256xf32> to vector<1xf32>
    %reduce_sum3A_244 = vector.shape_cast %reduce_sum3A_243 : vector<1xf32> to vector<1x1x1xf32>
    %reduce_sum3A_245 = vector.extract %reduce_sum3A_244[0, 0, 0] : f32 from vector<1x1x1xf32>
    %jit3A_246 = arith.constant 0.000000e+00 : f32
    %broadcast_in_dim3A_247 = vector.broadcast %jit3A_246 : f32 to vector<1x256xf32>
    %select_n3A_248 = arith.select %eq3A_229, %slice3A_207, %broadcast_in_dim3A_247 : vector<1x256xi1>, vector<1x256xf32>
    %reduce_sum3A_249 = vector.shape_cast %select_n3A_248 : vector<1x256xf32> to vector<1x1x256xf32>
    %reduce_sum3A_250 = arith.constant dense<0.000000e+00> : vector<1xf32>
    %reduce_sum3A_251 = vector.multi_reduction <add>, %reduce_sum3A_249, %reduce_sum3A_250 [1, 2] : vector<1x1x256xf32> to vector<1xf32>
    %reduce_sum3A_252 = vector.shape_cast %reduce_sum3A_251 : vector<1xf32> to vector<1x1x1xf32>
    %reduce_sum3A_253 = vector.extract %reduce_sum3A_252[0, 0, 0] : f32 from vector<1x1x1xf32>
    %jit3A_254 = arith.constant 0.000000e+00 : f32
    %broadcast_in_dim3A_255 = vector.broadcast %jit3A_254 : f32 to vector<1x256xf32>
    %select_n3A_256 = arith.select %eq3A_229, %slice3A_208, %broadcast_in_dim3A_255 : vector<1x256xi1>, vector<1x256xf32>
    %reduce_sum3A_257 = vector.shape_cast %select_n3A_256 : vector<1x256xf32> to vector<1x1x256xf32>
    %reduce_sum3A_258 = arith.constant dense<0.000000e+00> : vector<1xf32>
    %reduce_sum3A_259 = vector.multi_reduction <add>, %reduce_sum3A_257, %reduce_sum3A_258 [1, 2] : vector<1x1x256xf32> to vector<1xf32>
    %reduce_sum3A_260 = vector.shape_cast %reduce_sum3A_259 : vector<1xf32> to vector<1x1x1xf32>
    %reduce_sum3A_261 = vector.extract %reduce_sum3A_260[0, 0, 0] : f32 from vector<1x1x1xf32>
    %reduce_max3A_262 = vector.shape_cast %slice3A_207 : vector<1x256xf32> to vector<1x1x256xf32>
    %reduce_max3A_263 = arith.constant dense<0xFF800000> : vector<1xf32>
    %reduce_max3A_264 = vector.multi_reduction <maximumf>, %reduce_max3A_262, %reduce_max3A_263 [1, 2] : vector<1x1x256xf32> to vector<1xf32>
    %reduce_max3A_265 = vector.shape_cast %reduce_max3A_264 : vector<1xf32> to vector<1x1x1xf32>
    %reduce_max3A_266 = vector.extract %reduce_max3A_265[0, 0, 0] : f32 from vector<1x1x1xf32>
    %reduce_max3A_267 = vector.shape_cast %slice3A_208 : vector<1x256xf32> to vector<1x1x256xf32>
    %reduce_max3A_268 = arith.constant dense<0xFF800000> : vector<1xf32>
    %reduce_max3A_269 = vector.multi_reduction <maximumf>, %reduce_max3A_267, %reduce_max3A_268 [1, 2] : vector<1x1x256xf32> to vector<1xf32>
    %reduce_max3A_270 = vector.shape_cast %reduce_max3A_269 : vector<1xf32> to vector<1x1x1xf32>
    %reduce_max3A_271 = vector.extract %reduce_max3A_270[0, 0, 0] : f32 from vector<1x1x1xf32>
    %sub3A_272 = arith.subf %reduce_sum3A_253, %reduce_sum3A_237 : f32
    %sub3A_273 = arith.subf %get3A_1, %sub3A_272 : f32
    %sub3A_274 = arith.subf %reduce_sum3A_261, %reduce_sum3A_245 : f32
    %mul3A_275 = arith.mulf %sub3A_273, %reduce_sum3A_245 : f32
    %max3A_276 = arith.constant 1.000000e+00 : f32
    %max3A_277 = arith.maximumf %reduce_sum3A_237, %max3A_276 : f32
    %div3A_278 = arith.divf %mul3A_275, %max3A_277 : f32
    %add3A_279 = arith.addf %sub3A_274, %div3A_278 : f32
    %ge3A_280 = arith.cmpf oge, %get3A_1, %reduce_max3A_266 : f32
    %select_n3A_281 = arith.select %ge3A_280, %reduce_max3A_271, %add3A_279 : f32
    %le3A_282 = arith.constant 0.000000e+00 : f32
    %le3A_283 = arith.cmpf ole, %get3A_1, %le3A_282 : f32
    %jit3A_284 = arith.constant 0.000000e+00 : f32
    %select_n3A_285 = arith.select %le3A_283, %jit3A_284, %select_n3A_281 : f32
    %div3A_286 = arith.divf %select_n3A_285, %get3A_1 : f32
    %mul3A_287 = arith.mulf %get3A_4, %squeeze3A_215 : f32
    %floor3A_288 = math.floor %mul3A_287 : f32
    %gt3A_289 = arith.constant 0.000000e+00 : f32
    %gt3A_290 = arith.cmpf ogt, %squeeze3A_215, %gt3A_289 : f32
    %ge3A_291 = vector.broadcast %floor3A_288 : f32 to vector<1x256xf32>
    %ge3A_292 = arith.cmpf oge, %slice3A_207, %ge3A_291 : vector<1x256xf32>
    %jit3A_293 = arith.constant -1.000000e+00 : f32
    %broadcast_in_dim3A_294 = vector.broadcast %jit3A_293 : f32 to vector<1x256xf32>
    %select_n3A_295 = arith.select %ge3A_292, %convert_element_type3A_38, %broadcast_in_dim3A_294 : vector<1x256xi1>, vector<1x256xf32>
    %reduce_max3A_296 = vector.shape_cast %select_n3A_295 : vector<1x256xf32> to vector<1x1x256xf32>
    %reduce_max3A_297 = arith.constant dense<0xFF800000> : vector<1xf32>
    %reduce_max3A_298 = vector.multi_reduction <maximumf>, %reduce_max3A_296, %reduce_max3A_297 [1, 2] : vector<1x1x256xf32> to vector<1xf32>
    %reduce_max3A_299 = vector.shape_cast %reduce_max3A_298 : vector<1xf32> to vector<1x1x1xf32>
    %reduce_max3A_300 = vector.extract %reduce_max3A_299[0, 0, 0] : f32 from vector<1x1x1xf32>
    %eq3A_301 = vector.broadcast %reduce_max3A_300 : f32 to vector<1x256xf32>
    %eq3A_302 = arith.cmpf oeq, %convert_element_type3A_38, %eq3A_301 : vector<1x256xf32>
    %jit3A_303 = arith.constant 0.000000e+00 : f32
    %broadcast_in_dim3A_304 = vector.broadcast %jit3A_303 : f32 to vector<1x256xf32>
    %select_n3A_305 = arith.select %eq3A_302, %slice3A_205, %broadcast_in_dim3A_304 : vector<1x256xi1>, vector<1x256xf32>
    %reduce_sum3A_306 = vector.shape_cast %select_n3A_305 : vector<1x256xf32> to vector<1x1x256xf32>
    %reduce_sum3A_307 = arith.constant dense<0.000000e+00> : vector<1xf32>
    %reduce_sum3A_308 = vector.multi_reduction <add>, %reduce_sum3A_306, %reduce_sum3A_307 [1, 2] : vector<1x1x256xf32> to vector<1xf32>
    %reduce_sum3A_309 = vector.shape_cast %reduce_sum3A_308 : vector<1xf32> to vector<1x1x1xf32>
    %reduce_sum3A_310 = vector.extract %reduce_sum3A_309[0, 0, 0] : f32 from vector<1x1x1xf32>
    %jit3A_311 = arith.constant 0.000000e+00 : f32
    %broadcast_in_dim3A_312 = vector.broadcast %jit3A_311 : f32 to vector<1x256xf32>
    %select_n3A_313 = arith.select %eq3A_302, %slice3A_206, %broadcast_in_dim3A_312 : vector<1x256xi1>, vector<1x256xf32>
    %reduce_sum3A_314 = vector.shape_cast %select_n3A_313 : vector<1x256xf32> to vector<1x1x256xf32>
    %reduce_sum3A_315 = arith.constant dense<0.000000e+00> : vector<1xf32>
    %reduce_sum3A_316 = vector.multi_reduction <add>, %reduce_sum3A_314, %reduce_sum3A_315 [1, 2] : vector<1x1x256xf32> to vector<1xf32>
    %reduce_sum3A_317 = vector.shape_cast %reduce_sum3A_316 : vector<1xf32> to vector<1x1x1xf32>
    %reduce_sum3A_318 = vector.extract %reduce_sum3A_317[0, 0, 0] : f32 from vector<1x1x1xf32>
    %jit3A_319 = arith.constant 0.000000e+00 : f32
    %broadcast_in_dim3A_320 = vector.broadcast %jit3A_319 : f32 to vector<1x256xf32>
    %select_n3A_321 = arith.select %eq3A_302, %slice3A_207, %broadcast_in_dim3A_320 : vector<1x256xi1>, vector<1x256xf32>
    %reduce_sum3A_322 = vector.shape_cast %select_n3A_321 : vector<1x256xf32> to vector<1x1x256xf32>
    %reduce_sum3A_323 = arith.constant dense<0.000000e+00> : vector<1xf32>
    %reduce_sum3A_324 = vector.multi_reduction <add>, %reduce_sum3A_322, %reduce_sum3A_323 [1, 2] : vector<1x1x256xf32> to vector<1xf32>
    %reduce_sum3A_325 = vector.shape_cast %reduce_sum3A_324 : vector<1xf32> to vector<1x1x1xf32>
    %reduce_sum3A_326 = vector.extract %reduce_sum3A_325[0, 0, 0] : f32 from vector<1x1x1xf32>
    %jit3A_327 = arith.constant 0.000000e+00 : f32
    %broadcast_in_dim3A_328 = vector.broadcast %jit3A_327 : f32 to vector<1x256xf32>
    %select_n3A_329 = arith.select %eq3A_302, %slice3A_208, %broadcast_in_dim3A_328 : vector<1x256xi1>, vector<1x256xf32>
    %reduce_sum3A_330 = vector.shape_cast %select_n3A_329 : vector<1x256xf32> to vector<1x1x256xf32>
    %reduce_sum3A_331 = arith.constant dense<0.000000e+00> : vector<1xf32>
    %reduce_sum3A_332 = vector.multi_reduction <add>, %reduce_sum3A_330, %reduce_sum3A_331 [1, 2] : vector<1x1x256xf32> to vector<1xf32>
    %reduce_sum3A_333 = vector.shape_cast %reduce_sum3A_332 : vector<1xf32> to vector<1x1x1xf32>
    %reduce_sum3A_334 = vector.extract %reduce_sum3A_333[0, 0, 0] : f32 from vector<1x1x1xf32>
    %reduce_max3A_335 = vector.shape_cast %slice3A_207 : vector<1x256xf32> to vector<1x1x256xf32>
    %reduce_max3A_336 = arith.constant dense<0xFF800000> : vector<1xf32>
    %reduce_max3A_337 = vector.multi_reduction <maximumf>, %reduce_max3A_335, %reduce_max3A_336 [1, 2] : vector<1x1x256xf32> to vector<1xf32>
    %reduce_max3A_338 = vector.shape_cast %reduce_max3A_337 : vector<1xf32> to vector<1x1x1xf32>
    %reduce_max3A_339 = vector.extract %reduce_max3A_338[0, 0, 0] : f32 from vector<1x1x1xf32>
    %reduce_max3A_340 = vector.shape_cast %slice3A_208 : vector<1x256xf32> to vector<1x1x256xf32>
    %reduce_max3A_341 = arith.constant dense<0xFF800000> : vector<1xf32>
    %reduce_max3A_342 = vector.multi_reduction <maximumf>, %reduce_max3A_340, %reduce_max3A_341 [1, 2] : vector<1x1x256xf32> to vector<1xf32>
    %reduce_max3A_343 = vector.shape_cast %reduce_max3A_342 : vector<1xf32> to vector<1x1x1xf32>
    %reduce_max3A_344 = vector.extract %reduce_max3A_343[0, 0, 0] : f32 from vector<1x1x1xf32>
    %sub3A_345 = arith.subf %reduce_sum3A_326, %reduce_sum3A_310 : f32
    %sub3A_346 = arith.subf %floor3A_288, %sub3A_345 : f32
    %sub3A_347 = arith.subf %reduce_sum3A_334, %reduce_sum3A_318 : f32
    %mul3A_348 = arith.mulf %sub3A_346, %reduce_sum3A_318 : f32
    %max3A_349 = arith.constant 1.000000e+00 : f32
    %max3A_350 = arith.maximumf %reduce_sum3A_310, %max3A_349 : f32
    %div3A_351 = arith.divf %mul3A_348, %max3A_350 : f32
    %add3A_352 = arith.addf %sub3A_347, %div3A_351 : f32
    %ge3A_353 = arith.cmpf oge, %floor3A_288, %reduce_max3A_339 : f32
    %select_n3A_354 = arith.select %ge3A_353, %reduce_max3A_344, %add3A_352 : f32
    %le3A_355 = arith.constant 0.000000e+00 : f32
    %le3A_356 = arith.cmpf ole, %floor3A_288, %le3A_355 : f32
    %jit3A_357 = arith.constant 0.000000e+00 : f32
    %select_n3A_358 = arith.select %le3A_356, %jit3A_357, %select_n3A_354 : f32
    %mul3A_359 = arith.mulf %squeeze3A_215, %get3A_4 : f32
    %max3A_360 = arith.constant 1.000000e+00 : f32
    %max3A_361 = arith.maximumf %mul3A_359, %max3A_360 : f32
    %div3A_362 = arith.divf %select_n3A_358, %max3A_361 : f32
    %jit3A_363 = arith.constant 0.000000e+00 : f32
    %select_n3A_364 = arith.select %gt3A_290, %div3A_362, %jit3A_363 : f32
    %ne3A_365 = arith.constant 0.000000e+00 : f32
    %ne3A_366 = arith.cmpf one, %squeeze3A_215, %ne3A_365 : f32
    %mul3A_367 = arith.mulf %get3A_4, %squeeze3A_215 : f32
    %lt3A_368 = arith.cmpf olt, %reduce_max3A_213, %mul3A_367 : f32
    %select_n3A_369 = arith.select %lt3A_368, %div3A_286, %select_n3A_364 : f32
    %select_n3A_370 = arith.select %ne3A_366, %select_n3A_369, %div3A_286 : f32
    %ne3A_371 = arith.constant 0.000000e+00 : f32
    %ne3A_372 = arith.cmpf one, %squeeze3A_215, %ne3A_371 : f32
    %max3A_373 = arith.constant 1.000000e+00 : f32
    %max3A_374 = arith.maximumf %squeeze3A_215, %max3A_373 : f32
    %div3A_375 = arith.divf %squeeze3A_217, %max3A_374 : f32
    %jit3A_376 = arith.constant 0.000000e+00 : f32
    %select_n3A_377 = arith.select %ne3A_372, %div3A_375, %jit3A_376 : f32
    %add3A_378 = arith.addf %select_n3A_377, %select_n3A_370 : f32
    %add3A_379 = arith.addf %add3A_204, %add3A_378 : f32
    %reshape3A_380 = vector.broadcast %add3A_379 : f32 to vector<1x1xf32>
    %swap3A = arith.constant 0 : index
    %swap3A_381 = arith.constant 0 : index
    %swap3A_382 = vector.load %arg3[%swap3A, %swap3A_381] : memref<1x1xf32, #tpu.memory_space<vmem>>, vector<1x1xf32>
    tpu.vector_store %arg3[%swap3A, %swap3A_381], %reshape3A_380 {strides = array<i32>} : memref<1x1xf32, #tpu.memory_space<vmem>>, vector<1x1xf32>,
    return
  }
}

</mosaic_0001>

<sc_bundles>
// kernel: _maploss.4.cloned.1.call-start
scs
__scs_entry_jumppad:
0x0: {  	(pc) =	sbr.rel $0x88, $3  }
0x1: {  	(tag) =	ssettag $0x0;
	lr =	simm.s32 $0x1  }
0x2: {  	[smem:$0x3F9B] =	sst lr;
	_ =	strace $0xD0000000  }
0x3: {  	_ = 	snop  }
0x4: {  	_ = 	snop  }
0x5: {  	_ = 	snop  }
0x6: {  	_ = 	snop  }
0x7: {  	_ = 	snop  }
__scs_overlays_trampoline_lowered:
0x8: {  	[smem:$0x3FAA] =	sst s0  }
0x9: {  	[smem:$0x3FAB] =	sst s1  }
0xa: {  	[smem:$0x3FAC] =	sst s2  }
0xb: {  	[smem:$0x3FAD] =	sst s3  }
0xc: {  	[smem:$0x3FAE] =	sst s4  }
0xd: {  	[smem:$0x3FAF] =	sst s5  }
0xe: {  	[smem:$0x3FB0] =	sst s6  }
0xf: {  	[smem:$0x3FB1] =	sst s7  }
0x10: {  	[smem:$0x3FB2] =	sst s8  }
0x11: {  	[smem:$0x3FB3] =	sst s9;
	s0 =	simm.s32 @!p0 $0x0  }
0x12: {  	s1 =	sld [smem:$0x3F99];
	s0 =	simm.s32 @p0 $0x1  }
0x13: {  	[smem:$0x3FB4] =	sst s0;
	s0 =	simm.s32 @!p1 $0x0  }
0x14: {  	s2 =	sld [smem:$0x3F98];
	s0 =	simm.s32 @p1 $0x1  }
0x15: {  	[smem:$0x3FB5] =	sst s0;
	s0 =	simm.s32 @!p2 $0x0  }
0x16: {  	s3 =	sld [smem:$0x3FDB];
	s0 =	simm.s32 @p2 $0x1  }
0x17: {  	s4 =	simm.s32 $0x1BF5;
	[smem:$0x3FB7] =	sst s0  }
0x18: {  	s0 =	sld [smem:$0x3F9A];
	_ =	swait.ge [sflag:s4], $0x0  }
0x19: {  	s7 =	sld [smem:$0x3F9B]  }
0x1a: {  	s8 =	sadd.s32 $0xFFFFE003, lr  }
0x1b: {  	s9 =	sadd.s32 $0xFFFFFEF7, lr;
	s5 =	simm.s32 $0xFFFFFFFF;
	p2 =	slt.u32 s8, $0xFFFFF086  }
0x1c: {  	p1 =	slt.u32 s9, $0xF7A;
	s5 =	simm.s32 @!p2 $0x0  }
0x1d: {  	s5 =	simm.s32 @p1 $0x1;
	p0 =	seq.s32 s7, s2  }
0x1e: {  	s7 =	smul.u32 @!p0 $0xF7A, s2;
	p2 =	seq.s32 @!p0 s5, $0x0  }
0x1f: {  	s9 =	smul.u32 $0xF7A, s1;
	s8 =	simm.s32 @!p0 $0x1BF5;
	p2 =	por !p2, p0  }
0x20: {  	[sflag:s8] =	ssyncset.s32 @!p0 $0xFFFFF086;
	s6 =	sadd.s32 @!p0 s3, s7;
	s7 =	simm.s32 @!p0 $0x108  }
0x21: {  	s3 =	sadd.s32 s3, s9;
	s6 =	sadd.s32 @!p0 $0x88, s6;
	s7 =	simm.s32 @p2 $0x1082  }
0x22: {  	[simem:s7], [sflag:s8] =	dma.local @!p0 [hbm:s6], $0xF7A  }
0x23: {  	s9 =	sor.u32 $0xD0000000, s2;
	s6 =	simm.s32 $0x108;
	_ =	swait.ge @!p0 [sflag:s8], $0x0  }
0x24: {  	s3 =	sadd.s32 $0x88, s3;
	s6 =	simm.s32 @!p1 $0x1082;
	[sflag:s4] =	ssyncset.s32 $0xFFFFF086  }
0x25: {  	[simem:s6], [sflag:s4] =	dma.local [hbm:s3], $0xF7A  }
0x26: {  	[smem:$0x3F9B] =	sst s1;
	(tag) =	ssettag s2;
	_ =	strace s9  }
0x27: {  	s1 =	sld [smem:$0x3FAB]  }
0x28: {  	s2 =	sld [smem:$0x3FAC]  }
0x29: {  	s4 =	sld [smem:$0x3FAE]  }
0x2a: {  	p0 =	seq.s32 s5, $0x0;
	s5 =	sld [smem:$0x3FAF]  }
0x2b: {  	s6 =	sld [smem:$0x3FB0]  }
0x2c: {  	s7 =	sld [smem:$0x3FB1]  }
0x2d: {  	s3 =	simm.s32 $0x108;
	s8 =	sld [smem:$0x3FB2]  }
0x2e: {  	s3 =	simm.s32 @!p0 $0x1082;
	s9 =	sld [smem:$0x3FB3]  }
0x2f: {  	lr =	sadd.s32 s0, s3;
	s0 =	sld [smem:$0x3FAA]  }
0x30: {  	s3 =	sld [smem:$0x3FAD]  }
0x31: {  	[smem:$0x3FB6] =	sst s10  }
0x32: {  	s10 =	sld [smem:$0x3FB4];
	_ =	sdelay $0x3  }
0x33: {  	p0 =	seq.s32 s10, $0x1;
	s10 =	sld [smem:$0x3FB6];
	_ =	sdelay $0x3  }
0x34: {  	[smem:$0x3FB6] =	sst s10  }
0x35: {  	s10 =	sld [smem:$0x3FB5];
	_ =	sdelay $0x3  }
0x36: {  	p1 =	seq.s32 s10, $0x1;
	s10 =	sld [smem:$0x3FB6];
	_ =	sdelay $0x3  }
0x37: {  	[smem:$0x3FB6] =	sst s10  }
0x38: {  	s10 =	sld [smem:$0x3FB7]  }
0x39: {  	_ = 	snop;
	(pc) =	sbr.ind lr, $3  }
0x3a: {  	_ = 	snop  }
0x3b: {  	_ = 	snop  }
0x3c: {  	p2 =	seq.s32 s10, $0x1;
	s10 =	sld [smem:$0x3FB6]  }
0x3d: {  	_ =	shalt  }
0x3e: {  	_ =	shalt  }
0x3f: {  	_ =	shalt  }
0x40: {  	_ =	shalt  }
0x41: {  	_ =	shalt  }
0x42: {  	_ =	shalt  }
0x43: {  	_ =	shalt  }
0x44: {  	_ =	shalt  }
0x45: {  	_ =	shalt  }
0x46: {  	_ =	shalt  }
0x47: {  	_ =	shalt  }
0x48: {  	_ =	shalt  }
0x49: {  	_ =	shalt  }
0x4a: {  	_ =	shalt  }
0x4b: {  	_ =	shalt  }
0x4c: {  	_ =	shalt  }
0x4d: {  	_ =	shalt  }
0x4e: {  	_ =	shalt  }
0x4f: {  	_ =	shalt  }
0x50: {  	_ =	shalt  }
0x51: {  	_ =	shalt  }
0x52: {  	_ =	shalt  }
0x53: {  	_ =	shalt  }
0x54: {  	_ =	shalt  }
0x55: {  	_ =	shalt  }
0x56: {  	_ =	shalt  }
0x57: {  	_ =	shalt  }
0x58: {  	_ =	shalt  }
0x59: {  	_ =	shalt  }
0x5a: {  	_ =	shalt  }
0x5b: {  	_ =	shalt  }
0x5c: {  	_ =	shalt  }
0x5d: {  	_ =	shalt  }
0x5e: {  	_ =	shalt  }
0x5f: {  	_ =	shalt  }
0x60: {  	_ =	shalt  }
0x61: {  	_ =	shalt  }
0x62: {  	_ =	shalt  }
0x63: {  	_ =	shalt  }
0x64: {  	_ =	shalt  }
0x65: {  	_ =	shalt  }
0x66: {  	_ =	shalt  }
0x67: {  	_ =	shalt  }
0x68: {  	_ =	shalt  }
0x69: {  	_ =	shalt  }
0x6a: {  	_ =	shalt  }
0x6b: {  	_ =	shalt  }
0x6c: {  	_ =	shalt  }
0x6d: {  	_ =	shalt  }
0x6e: {  	_ =	shalt  }
0x6f: {  	_ =	shalt  }
0x70: {  	_ =	shalt  }
0x71: {  	_ =	shalt  }
0x72: {  	_ =	shalt  }
0x73: {  	_ =	shalt  }
0x74: {  	_ =	shalt  }
0x75: {  	_ =	shalt  }
0x76: {  	_ =	shalt  }
0x77: {  	_ =	shalt  }
0x78: {  	_ =	shalt  }
0x79: {  	_ =	shalt  }
0x7a: {  	_ =	shalt  }
0x7b: {  	_ =	shalt  }
0x7c: {  	_ =	shalt  }
0x7d: {  	_ =	shalt  }
0x7e: {  	_ =	shalt  }
0x7f: {  	_ =	shalt  }
0x80: {  	_ =	shalt  }
0x81: {  	_ =	shalt  }
0x82: {  	_ =	shalt  }
0x83: {  	_ =	shalt  }
0x84: {  	_ =	shalt  }
0x85: {  	_ =	shalt  }
0x86: {  	_ =	shalt  }
0x87: {  	_ =	shalt  }
.Lfunc_end0:
.L_simem_size_0:
called_computation_lowered:
.L_overlay_start_0:
0x88: {  	s2 =	sld [smem:$0x3FD9]  }
0x89: {  	s3 =	sld [smem:$0x3FFE];
	_ =	sdelay $0x1  }
0x8a: {  	s1 =	srdreg.scid  }
0x8b: {  	s0 =	sand.u32 $0x1, s1  }
0x8c: {  	s17 =	sshll.u32 s0, $0xA;
	s2 =	sadd.s32 s3, s2  }
0x8d: {  	s2 =	sadd.s32 s2, s17  }
0x8e: {  	[smem:$0x3FC2] =	sst s2  }
0x8f: {  	_ = 	snop  }
0x90: {  	s2 =	sld [smem:$0x3FC9]  }
0x91: {  	s18 =	sld [smem:$0x3FC8]  }
0x92: {  	s4 =	sld [smem:$0x3FC7]  }
0x93: {  	s5 =	sld [smem:$0x3FC6];
	(tm) =	ssettm $0x1  }
0x94: {  	s6 =	sld [smem:$0x3FFB];
	_ =	sdelay $0x3  }
0x95: {  	_ =	strace s6  }
0x96: {  	s6 =	sld [smem:$0x3FFC];
	_ =	sdelay $0x3  }
0x97: {  	_ =	strace s6  }
0x98: {  	s6 =	sld [smem:$0x3FFD];
	_ =	sdelay $0x3  }
0x99: {  	_ =	strace s6  }
0x9a: {  	_ =	strace $0x8FFFFFFF  }
0x9b: {  	s19 =	sld [smem:$0x3FDB];
	_ =	sdelay $0x1  }
0x9c: {  	s7 =	simm.s32 $_scs_section_size  }
0x9d: {  	s8 =	simm.s32 $_size__tile_overlayer_lowered;
	s9 =	simm.s32 $_tile_overlayer_lowered  }
0x9e: {  	s22 =	simm.s32 $0x1BFF;
	s21 =	sshll.u32 s9, $0x1;
	s6 =	sadd.s32 s7, s19  }
0x9f: {  	s10 =	simm.s32 $0x0;
	s20 =	sshll.u32 s8, $0x1;
	s8 =	sadd.s32 s21, s6  }
0xa0: {  	[timem:s10], [sflag:s22] =	dma.local [hbm:s8], s20  }
0xa1: {  	_ =	swait.ge [sflag:s22], s20  }
0xa2: {  	s7 =	ssub.s32 $0x0, s20;
	[sflag:s22] =	ssyncset.done $0x0  }
0xa3: {  	[sflag:s22] =	ssyncadd.s32 s7;
	_ =	sdelay $0x1  }
0xa4: {  	s23 =	simm.s32 $0x1B8B  }
0xa5: {  	_ =	swait.ge [sflag:s23], $0x1  }
0xa6: {  	[sflag:s23] =	ssyncset.done $0x0  }
0xa7: {  	s25 =	simm.s32 $0x1B8E;
	s24 =	sld [smem:$0x3FFE];
	[sflag:s23] =	ssyncadd.s32 $0xFFFFFFFF  }
0xa8: {  	s26 =	simm.s32 $execute0_lowered;
	[smem:$0x3FD2] =	sst s25  }
0xa9: {  	s8 =	sshll.u32 s26, $0x1;
	_ =	strace $0x80000046;
	[dreg:$0x1] =	wrdreg $0xFFFFFFFF  }
0xaa: {  	s28 =	simm.s32 $_size_execute0_lowered;
	s6 =	sadd.s32 s6, s8;
	[dreg:$0x0] =	wrdreg $0x0  }
0xab: {  	s8 =	sshll.u32 s28, $0x1;
	[dreg:$0x2] =	wrdreg s6  }
0xac: {  	[dreg:$0x3] =	wrdreg s8  }
0xad: {  	[dreg:$0x4] =	wrdreg $0xC0  }
0xae: {  	_ =	task [dreg:s10], $0x5FFFF  }
0xaf: {  	[dreg:$0x1] =	wrdreg $0xFFFFFFFF  }
0xb0: {  	[dreg:$0x0] =	wrdreg $0x60  }
0xb1: {  	[dreg:$0x2] =	wrdreg s2  }
0xb2: {  	[dreg:$0x3] =	wrdreg s18  }
0xb3: {  	[dreg:$0x4] =	wrdreg s4  }
0xb4: {  	[dreg:$0x5] =	wrdreg s5  }
0xb5: {  	[dreg:$0x6] =	wrdreg s24  }
0xb6: {  	[dreg:$0x7] =	wrdreg $0x9  }
0xb7: {  	_ =	task.clear_ibuf [dreg:s10], $0x8FFFF;
	_ =	strace $0x90000046  }
0xb8: {  	s29 =	simm.s32 $0x9;
	_ =	strace $0x80000048  }
0xb9: {  	_ =	swait.ge [sflag:s29], $0x1  }
0xba: {  	[sflag:s29] =	ssyncadd.s32 $0xFFFFFFFF  }
0xbb: {  	_ =	strace $0x90000048  }
0xbc: {  	_ =	sfence  }
0xbd: {  	s30 =	sld [smem:$0x0];
	_ =	sdelay $0x2  }
0xbe: {  	s31 =	sshll.u32 s1, $0xD;
	s1 =	sshrl.u32 s1, $0x2  }
0xbf: {  	s3 =	sand.u32 $0x4000, s31;
	s1 =	sadd.s32 s1, s30  }
0xc0: {  	s0 =	sor.u32 s3, s0;
	s1 =	sshll.u32 s1, $0x11  }
0xc1: {  	s0 =	sor.u32 s1, s0  }
0xc2: {  	s0 =	sadd.s32 $0x8F2B, s0  }
0xc3: {  	[sflag:s0] =	ssyncadd.remote.s32 $0x1  }
0xc4: {  	_ =	sfence.sel $0xFFFF  }
0xc5: {  	[dreg:$0x0] =	wrdreg $0xFFFFFFFF;
	(pc) =	sbr.abs _section_cstart, $3  }
0xc6: {  	[dreg:$0x1] =	wrdreg $0xFFFFFFFF  }
0xc7: {  	_ =	task.clear_ibuf [dreg:s10], $0x2FFFF;
	_ =	strace $0x9FFFFFFF  }
0xc8: {  	(tm) =	ssettm $0x7FFFFFFF  }
0xc9: {  	_ =	shalt  }
tec
execute0_lowered:
.L_overlay_start_1:
0x0: {  	(tag) =	ssettag $0x1  }
0x1: {  	s7 =	rddreg [dreg:$0x0]  }
0x2: {  	s8 =	rddreg [dreg:$0x1]  }
0x3: {  	s9 =	rddreg [dreg:$0x2]  }
0x4: {  	s0 =	srdreg.scid;
	s10 =	rddreg [dreg:$0x3]  }
0x5: {  	s3 =	stileid.u32;
	s2 =	rddreg [dreg:$0x4]  }
0x6: {  	s4 =	simm.s32 $0x0;
	s0 =	sand.u32 $0x1, s0;
	s1 =	sshll.u32 s3, $0x1  }
0x7: {  	s3 =	smul.u32 $0x8C00, s3;
	[smem:$0x7FF] =	sst s4;
	s1 =	sor.u32 s0, s1  }
0x8: {  	s16 =	sshll.u32 s0, $0x9;
	s0 =	ssub.s32 $0x2, s0;
	s1 =	smul.u32 $0xC0, s1  }
0x9: {  	_ =	strace $0x80000047;
	s3 =	sor.u32 s16, s3;
	s6 =	sshrl.u32 s0, $0x1  }
0xa: {  	s3 =	sshrl.u32 s3, $0x3;
	s0 =	ssub.s32 s0, s6;
	s25 =	sadd.s32 $0x40, s1  }
0xb: {  	s5 =	sshrl.u32 s1, $0x3;
	s1 =	sadd.s32 $0x60, s1;
	[dreg:$0xe] =	wrdreg s25  }
0xc: {  	s2 =	sadd.s32 s3, s2;
	s0 =	smax.u32 s0, $0x1;
	[dreg:$0xf] =	wrdreg s1  }
0xd: {  	s26 =	sadd.s32 $0x600, s2;
	[dreg:$0x14] =	wrdreg s0  }
0xe: {  	s28 =	sadd.s32 $0x610, s2;
	[dreg:$0x10] =	wrdreg s26  }
0xf: {  	s17 =	smul.u32 $0x180, s5;
	s29 =	sadd.s32 $0x620, s2;
	[dreg:$0x11] =	wrdreg s28  }
0x10: {  	s30 =	sadd.s32 $0x630, s2;
	[dreg:$0x12] =	wrdreg s29  }
0x11: {  	s5 =	smul.u32 $0xC00, s5;
	[dreg:$0x13] =	wrdreg s30;
	s18 =	sadd.s32 s7, s17  }
0x12: {  	s19 =	sadd.s32 s8, s17;
	[dreg:$0x6] =	wrdreg s18  }
0x13: {  	s20 =	sshrl.u32 s5, $0x3;
	s21 =	sadd.s32 s9, s17;
	[dreg:$0x7] =	wrdreg s19  }
0x14: {  	s4 =	sadd.s32 s10, s17;
	[dreg:$0x8] =	wrdreg s21;
	s3 =	sadd.s32 $0x600, s20  }
.Ltmp0:
0x15: {  	[dreg:$0x9] =	wrdreg s4;
	s22 =	sadd.s32 s7, s3;
	(pc) =	sbr.rel .LBB2_1-.Ltmp0, $4  }
0x16: {  	v0 =	vlaneseq.u32;
	s31 =	simm.s32 $0x18000;
	s23 =	sadd.s32 s8, s3;
	[dreg:$0xa] =	wrdreg s22  }
0x17: {  	v0 =	vmul.u32 $0x111, v0;
	s0 =	simm.s32 $0x1A300;
	s24 =	sadd.s32 s9, s3;
	[dreg:$0xb] =	wrdreg s23  }
0x18: {  	s2 =	simm.s32 $0x0;
	s3 =	sadd.s32 s10, s3;
	[dreg:$0xc] =	wrdreg s24  }
0x19: {  	v1 =	vimm.f32 $0.0e+00;
	v3 =	vimm.f32 $1.000000000e+00;
	v2 =	vadd.s32 $0x100, v0;
	s4 =	simm.s32 $0x19180;
	[dreg:$0xd] =	wrdreg s3;
	s22 =	simm.s32 $0x1B480  }
.LBB2_14:
0x1a: {  	s1 =	rddreg [dreg:$0x10]  }
0x1b: {  	s2 =	simm.s32 $0x80;
	s3 =	simm.s32 $0x400;
	s5 =	simm.s32 $0x2  }
0x1c: {  	[hbm4b:s1+s2] =	stream.strided.scatter [tilespmem:s31], [sflag:$0x2], $0x1180, s3, s2, $0x38;
	[tilespmem:$0x1C600] =	vst v63  }
0x1d: {  	_ =	swait.ge [sflag:s5], $0x1180  }
0x1e: {  	[sflag:s5] =	ssyncset.done $0x0  }
0x1f: {  	s25 =	rddreg [dreg:$0x11];
	[sflag:s5] =	ssyncadd.s32 $0xFFFFEE80  }
0x20: {  	[hbm4b:s25+s2] =	stream.strided.scatter [tilespmem:s4], [sflag:$0x2], $0x1180, s3, s2, $0x38;
	[tilespmem:$0x1C600] =	vst v63  }
0x21: {  	_ =	swait.ge [sflag:s5], $0x1180  }
0x22: {  	[sflag:s5] =	ssyncset.done $0x0  }
0x23: {  	s26 =	rddreg [dreg:$0x12];
	[sflag:s5] =	ssyncadd.s32 $0xFFFFEE80  }
0x24: {  	[hbm4b:s26+s2] =	stream.strided.scatter [tilespmem:s0], [sflag:$0x2], $0x1180, s3, s2, $0x38;
	[tilespmem:$0x1C600] =	vst v63  }
0x25: {  	_ =	swait.ge [sflag:s5], $0x1180  }
0x26: {  	[sflag:s5] =	ssyncset.done $0x0  }
0x27: {  	s28 =	rddreg [dreg:$0x13];
	[sflag:s5] =	ssyncadd.s32 $0xFFFFEE80  }
0x28: {  	[hbm4b:s28+s2] =	stream.strided.scatter [tilespmem:s22], [sflag:$0x2], $0x1180, s3, s2, $0x38;
	[tilespmem:$0x1C600] =	vst v63  }
0x29: {  	_ =	swait.ge [sflag:s5], $0x1180  }
0x2a: {  	s29 =	rddreg [dreg:$0x15]  }
0x2b: {  	s30 =	rddreg [dreg:$0x14];
	s2 =	sadd.s32 $0x1, s29  }
0x2c: {  	p0 =	sne.s32 s2, s30  }
.Ltmp1:
0x2d: {  	_ = 	snop;
	(pc) =	sbr.rel @!p0 .LBB2_15-.Ltmp1, $3  }
0x2e: {  	_ =	sdelay $0x1  }
0x2f: {  	[sflag:s5] =	ssyncset.done $0x0  }
0x30: {  	[sflag:s5] =	ssyncadd.s32 $0xFFFFEE80  }
.LBB2_1:
0x31: {  	[dreg:$0x15] =	wrdreg s2;
	s2 =	simm.s32 $0x40;
	s1 =	simm.s32 $0x0  }
.LBB2_2:
0x32: {  	p0 =	sne.s32 s2, $0x4400;
	[tilespmem:s1+$0x1B480] =	vst v1;
	s3 =	smov.u32 s2;
	s2 =	sadd.s32 $0x40, s2  }
.Ltmp2:
0x33: {  	[tilespmem:s1+$0x1A300] =	vst v1;
	(pc) =	sbr.rel @p0 .LBB2_2-.Ltmp2, $3  }
0x34: {  	[tilespmem:s1+$0x18000] =	vst v1  }
0x35: {  	[tilespmem:s1+$0x19180] =	vst v1;
	_ =	sdelay $0x1  }
0x36: {  	s1 =	sshra.s32 s3, $0x2  }
0x37: {  	[tilespmem:s1+$0x1B480] =	vst v1  }
0x38: {  	[tilespmem:s1+$0x1A300] =	vst v1  }
0x39: {  	[tilespmem:s1+$0x18000] =	vst v1;
	s15 =	rddreg [dreg:$0x6]  }
0x3a: {  	[tilespmem:s1+$0x19180] =	vst v1;
	s5 =	simm.s32 $0x0;
	s16 =	rddreg [dreg:$0x7]  }
0x3b: {  	[tilespmem:s5], [sflag:$0x1] =	stream.linear.gather [hbm4b:s15+s5], $0x3000, $0x38;
	[tilespmem:$0x1C600] =	vst v63  }
0x3c: {  	s2 =	simm.s32 $0x6000;
	s17 =	rddreg [dreg:$0x8]  }
0x3d: {  	[tilespmem:s2], [sflag:$0x1] =	stream.linear.gather [hbm4b:s16+s5], $0x3000, $0x38;
	[tilespmem:$0x1C600] =	vst v63  }
0x3e: {  	s18 =	simm.s32 $0xC000;
	s19 =	rddreg [dreg:$0x9]  }
0x3f: {  	[tilespmem:s18], [sflag:$0x1] =	stream.linear.gather [hbm4b:s17+s5], $0x3000, $0x38;
	[tilespmem:$0x1C600] =	vst v63  }
0x40: {  	s20 =	simm.s32 $0x12000;
	s21 =	rddreg [dreg:$0xa]  }
0x41: {  	[tilespmem:s20], [sflag:$0x1] =	stream.linear.gather [hbm4b:s19+s5], $0x3000, $0x38;
	[tilespmem:$0x1C600] =	vst v63  }
0x42: {  	s23 =	simm.s32 $0x3000;
	s24 =	rddreg [dreg:$0xb]  }
0x43: {  	[tilespmem:s23], [sflag:$0x1] =	stream.linear.gather [hbm4b:s21+s5], $0x3000, $0x38;
	[tilespmem:$0x1C600] =	vst v63  }
0x44: {  	s25 =	simm.s32 $0x9000;
	s26 =	rddreg [dreg:$0xc]  }
0x45: {  	[tilespmem:s25], [sflag:$0x1] =	stream.linear.gather [hbm4b:s24+s5], $0x3000, $0x38;
	[tilespmem:$0x1C600] =	vst v63  }
0x46: {  	s28 =	simm.s32 $0xF000;
	s29 =	rddreg [dreg:$0xd];
	s3 =	simm.s32 $0x0  }
0x47: {  	[tilespmem:s28], [sflag:$0x1] =	stream.linear.gather [hbm4b:s26+s5], $0x3000, $0x38;
	[tilespmem:$0x1C600] =	vst v63  }
0x48: {  	s30 =	simm.s32 $0x15000;
	[dreg:$0x16] =	wrdreg s3  }
0x49: {  	[tilespmem:s30], [sflag:$0x1] =	stream.linear.gather [hbm4b:s29+s5], $0x3000, $0x38;
	[tilespmem:$0x1C600] =	vst v63  }
.LBB2_4:
0x4a: {  	s1 =	simm.s32 $0x1  }
0x4b: {  	_ =	swait.ge [sflag:s1], $0x3000  }
0x4c: {  	[sflag:s1] =	ssyncset.done $0x0  }
0x4d: {  	[sflag:s1] =	ssyncadd.s32 $0xFFFFD000  }
0x4e: {  	_ =	swait.ge [sflag:s1], $0x3000  }
0x4f: {  	[sflag:s1] =	ssyncset.done $0x0  }
0x50: {  	[sflag:s1] =	ssyncadd.s32 $0xFFFFD000  }
0x51: {  	_ =	swait.ge [sflag:s1], $0x3000  }
0x52: {  	[sflag:s1] =	ssyncset.done $0x0  }
0x53: {  	[sflag:s1] =	ssyncadd.s32 $0xFFFFD000  }
0x54: {  	_ =	swait.ge [sflag:s1], $0x3000  }
0x55: {  	[sflag:s1] =	ssyncset.done $0x0  }
0x56: {  	s10 =	simm.s32 $0x0;
	[sflag:s1] =	ssyncadd.s32 $0xFFFFD000  }
.LBB2_5:
0x57: {  	s1 =	sshrl.u32 s10, $0x1;
	s8 =	sshll.u32 s10, $0x9  }
0x58: {  	s3 =	simm.s32 $0x0;
	s2 =	simm.s32 $0x0;
	s24 =	smul.u32 $0xC00, s1  }
0x59: {  	s25 =	sand.u32 $0x200, s8;
	s2 =	sand.u32 $0x70, s2;
	s9 =	sand.u32 $0xC00, s3  }
0x5a: {  	s11 =	sor.u32 s25, s2;
	s1 =	sadd.s32 s24, s9  }
0x5b: {  	s3 =	sor.u32 s1, s11  }
0x5c: {  	v4 =	vld [tilespmem:s3+$0x0]  }
0x5d: {  	v5 =	vld [tilespmem:s3+$0xC000];
	_ =	sdelay $0x4  }
0x5e: {  	v5 =	vsub.f32 v5, v4;
	_ =	sdelay $0x1  }
0x5f: {  	v5 =	vmul.f32 $1.600000000e+01, v5;
	_ =	sdelay $0x1  }
0x60: {  	v5 =	vmul.f32 v5, v5;
	_ =	sdelay $0x1  }
0x61: {  	v6 =	vmin.f32 v5, $2.550000000e+02  }
0x62: {  	v6 =	vtrunc.f32 v6  }
0x63: {  	v6 =	vcvt.f32.s32 v6;
	_ =	sdelay $0x1  }
0x64: {  	vm0 =	vle.f32 v4, $1.000000010e-01;
	v4 =	vadd.s32 v0, v6  }
0x65: {  	v4 =	vsel vm0, v4, v2;
	_ =	sdelay $0x4  }
0x66: {  	[tilespmem:v4+s31+$0x0] =	vst.idx.add.f32.msk $0xffff, v3  }
0x67: {  	[tilespmem:v4+s4+$0x0] =	vst.idx.add.f32.msk $0xffff, v5  }
0x68: {  	v4 =	vld [tilespmem:s3+$0x6000]  }
0x69: {  	s5 =	simm.s32 $0x10;
	s6 =	simm.s32 $0x80;
	v5 =	vld [tilespmem:s3+$0x12000]  }
0x6a: {  	s12 =	sand.u32 $0xC00, s6;
	s11 =	sand.u32 $0x70, s5  }
0x6b: {  	s12 =	sadd.s32 s24, s12;
	s13 =	sor.u32 s25, s11  }
0x6c: {  	s3 =	sor.u32 s12, s13  }
0x6d: {  	v6 =	vld [tilespmem:s3+$0x0]  }
0x6e: {  	v7 =	vld [tilespmem:s3+$0xC000];
	v5 =	vsub.f32 v5, v4;
	_ =	sdelay $0x1  }
0x6f: {  	v5 =	vmul.f32 $1.600000000e+01, v5;
	_ =	sdelay $0x1  }
0x70: {  	v5 =	vmul.f32 v5, v5  }
0x71: {  	v7 =	vsub.f32 v7, v6  }
0x72: {  	v8 =	vmin.f32 v5, $2.550000000e+02  }
0x73: {  	v7 =	vmul.f32 $1.600000000e+01, v7;
	v8 =	vtrunc.f32 v8  }
0x74: {  	v8 =	vcvt.f32.s32 v8  }
0x75: {  	v7 =	vmul.f32 v7, v7  }
0x76: {  	vm0 =	vle.f32 v4, $1.000000010e-01;
	v4 =	vadd.s32 v0, v8  }
0x77: {  	v8 =	vmin.f32 v7, $2.550000000e+02;
	v4 =	vsel vm0, v4, v2  }
0x78: {  	v8 =	vtrunc.f32 v8  }
0x79: {  	v8 =	vcvt.f32.s32 v8;
	_ =	sdelay $0x1  }
0x7a: {  	s28 =	sor.u32 $0x80, s25;
	vm0 =	vle.f32 v6, $1.000000010e-01;
	v6 =	vadd.s32 v0, v8  }
0x7b: {  	s14 =	sor.u32 s28, s2;
	v6 =	vsel vm0, v6, v2;
	[tilespmem:v4+s0+$0x0] =	vst.idx.add.f32.msk $0xffff, v3  }
0x7c: {  	s5 =	sor.u32 s1, s14;
	[tilespmem:v4+s22+$0x0] =	vst.idx.add.f32.msk $0xffff, v5  }
0x7d: {  	v4 =	vld [tilespmem:s5+$0x0]  }
0x7e: {  	v5 =	vld [tilespmem:s5+$0xC000];
	_ =	sdelay $0x1  }
0x7f: {  	[tilespmem:v6+s31+$0x0] =	vst.idx.add.f32.msk $0xffff, v3  }
0x80: {  	[tilespmem:v6+s4+$0x0] =	vst.idx.add.f32.msk $0xffff, v7  }
0x81: {  	v6 =	vld [tilespmem:s3+$0x6000]  }
0x82: {  	v7 =	vld [tilespmem:s3+$0x12000];
	v5 =	vsub.f32 v5, v4;
	_ =	sdelay $0x1  }
0x83: {  	v5 =	vmul.f32 $1.600000000e+01, v5;
	_ =	sdelay $0x1  }
0x84: {  	s15 =	simm.s32 $0x20;
	s16 =	simm.s32 $0x100;
	v5 =	vmul.f32 v5, v5  }
0x85: {  	s17 =	sand.u32 $0xC00, s16;
	s13 =	sand.u32 $0x70, s15;
	v7 =	vsub.f32 v7, v6  }
0x86: {  	s14 =	sadd.s32 s24, s17;
	s18 =	sor.u32 s25, s13;
	v8 =	vmin.f32 v5, $2.550000000e+02  }
0x87: {  	s3 =	sor.u32 s14, s18;
	v7 =	vmul.f32 $1.600000000e+01, v7;
	v8 =	vtrunc.f32 v8  }
0x88: {  	v9 =	vld [tilespmem:s3+$0x0];
	v8 =	vcvt.f32.s32 v8  }
0x89: {  	v10 =	vld [tilespmem:s3+$0xC000];
	v7 =	vmul.f32 v7, v7  }
0x8a: {  	vm0 =	vle.f32 v4, $1.000000010e-01;
	v4 =	vadd.s32 v0, v8  }
0x8b: {  	v8 =	vmin.f32 v7, $2.550000000e+02;
	v4 =	vsel vm0, v4, v2  }
0x8c: {  	v8 =	vtrunc.f32 v8  }
0x8d: {  	v8 =	vcvt.f32.s32 v8  }
0x8e: {  	v10 =	vsub.f32 v10, v9  }
0x8f: {  	vm0 =	vle.f32 v6, $1.000000010e-01;
	v6 =	vadd.s32 v0, v8  }
0x90: {  	v8 =	vmul.f32 $1.600000000e+01, v10;
	v6 =	vsel vm0, v6, v2;
	[tilespmem:v4+s31+$0x0] =	vst.idx.add.f32.msk $0xffff, v3  }
0x91: {  	[tilespmem:v4+s4+$0x0] =	vst.idx.add.f32.msk $0xffff, v5  }
0x92: {  	v5 =	vmul.f32 v8, v8;
	v4 =	vld [tilespmem:s5+$0x6000]  }
0x93: {  	v8 =	vld [tilespmem:s5+$0x12000]  }
0x94: {  	v10 =	vmin.f32 v5, $2.550000000e+02  }
0x95: {  	s19 =	sor.u32 s28, s11;
	[tilespmem:v6+s0+$0x0] =	vst.idx.add.f32.msk $0xffff, v3;
	v10 =	vtrunc.f32 v10  }
0x96: {  	s5 =	sor.u32 s12, s19;
	[tilespmem:v6+s22+$0x0] =	vst.idx.add.f32.msk $0xffff, v7;
	v6 =	vcvt.f32.s32 v10  }
0x97: {  	v7 =	vld [tilespmem:s5+$0x0]  }
0x98: {  	vm0 =	vle.f32 v9, $1.000000010e-01;
	v10 =	vld [tilespmem:s5+$0xC000];
	v8 =	vsub.f32 v8, v4;
	v6 =	vadd.s32 v0, v6  }
0x99: {  	v6 =	vsel vm0, v6, v2  }
0x9a: {  	v8 =	vmul.f32 $1.600000000e+01, v8;
	_ =	sdelay $0x1  }
0x9b: {  	v8 =	vmul.f32 v8, v8  }
0x9c: {  	v9 =	vsub.f32 v10, v7  }
0x9d: {  	v10 =	vmin.f32 v8, $2.550000000e+02;
	[tilespmem:v6+s31+$0x0] =	vst.idx.add.f32.msk $0xffff, v3  }
0x9e: {  	v9 =	vmul.f32 $1.600000000e+01, v9;
	v10 =	vtrunc.f32 v10;
	[tilespmem:v6+s4+$0x0] =	vst.idx.add.f32.msk $0xffff, v5  }
0x9f: {  	s20 =	simm.s32 $0x30;
	s7 =	simm.s32 $0x180;
	v5 =	vcvt.f32.s32 v10;
	v6 =	vld [tilespmem:s3+$0x6000]  }
0xa0: {  	s21 =	sand.u32 $0xC00, s7;
	s18 =	sand.u32 $0x70, s20;
	v9 =	vmul.f32 v9, v9;
	v10 =	vld [tilespmem:s3+$0x12000]  }
0xa1: {  	s17 =	sadd.s32 s24, s21;
	s23 =	sor.u32 s25, s18;
	vm0 =	vle.f32 v4, $1.000000010e-01;
	v4 =	vadd.s32 v0, v5  }
0xa2: {  	s26 =	sor.u32 s17, s23;
	v5 =	vmin.f32 v9, $2.550000000e+02;
	v4 =	vsel vm0, v4, v2  }
0xa3: {  	v11 =	vld [tilespmem:s26+$0x0];
	v5 =	vtrunc.f32 v5  }
0xa4: {  	v12 =	vld [tilespmem:s26+$0xC000];
	v5 =	vcvt.f32.s32 v5  }
0xa5: {  	v10 =	vsub.f32 v10, v6  }
0xa6: {  	s8 =	sor.u32 $0x100, s25;
	vm0 =	vle.f32 v7, $1.000000010e-01;
	v5 =	vadd.s32 v0, v5  }
0xa7: {  	s29 =	sor.u32 s8, s2;
	v5 =	vsel vm0, v5, v2;
	v7 =	vmul.f32 $1.600000000e+01, v10;
	[tilespmem:v4+s0+$0x0] =	vst.idx.add.f32.msk $0xffff, v3  }
0xa8: {  	s30 =	sor.u32 s1, s29;
	[tilespmem:v4+s22+$0x0] =	vst.idx.add.f32.msk $0xffff, v8  }
0xa9: {  	v8 =	vsub.f32 v12, v11;
	v7 =	vmul.f32 v7, v7;
	v4 =	vld [tilespmem:s30+$0x0]  }
0xaa: {  	v10 =	vld [tilespmem:s30+$0xC000]  }
0xab: {  	v8 =	vmul.f32 $1.600000000e+01, v8;
	v12 =	vmin.f32 v7, $2.550000000e+02  }
0xac: {  	[tilespmem:v5+s31+$0x0] =	vst.idx.add.f32.msk $0xffff, v3;
	v12 =	vtrunc.f32 v12  }
0xad: {  	[tilespmem:v5+s4+$0x0] =	vst.idx.add.f32.msk $0xffff, v9;
	v5 =	vmul.f32 v8, v8;
	v8 =	vcvt.f32.s32 v12  }
0xae: {  	vm0 =	vle.f32 v6, $1.000000010e-01;
	v9 =	vld [tilespmem:s5+$0x6000]  }
0xaf: {  	s9 =	simm.s32 $0x200;
	v12 =	vld [tilespmem:s5+$0x12000];
	s5 =	simm.s32 $0x40;
	v10 =	vsub.f32 v10, v4;
	v13 =	vmin.f32 v5, $2.550000000e+02;
	v6 =	vadd.s32 v0, v8  }
0xb0: {  	s15 =	sand.u32 $0xC00, s9;
	s19 =	sand.u32 $0x70, s5;
	v8 =	vtrunc.f32 v13;
	v6 =	vsel vm0, v6, v2  }
0xb1: {  	s20 =	sadd.s32 s24, s15;
	s16 =	sor.u32 s25, s19;
	v10 =	vmul.f32 $1.600000000e+01, v10;
	v8 =	vcvt.f32.s32 v8  }
0xb2: {  	s3 =	sor.u32 s20, s16  }
0xb3: {  	vm0 =	vle.f32 v11, $1.000000010e-01;
	v11 =	vld [tilespmem:s3+$0x0];
	v10 =	vmul.f32 v10, v10;
	v8 =	vadd.s32 v0, v8  }
0xb4: {  	v13 =	vld [tilespmem:s3+$0xC000];
	v12 =	vsub.f32 v12, v9;
	v8 =	vsel vm0, v8, v2  }
0xb5: {  	s21 =	sor.u32 s28, s13;
	v14 =	vmin.f32 v10, $2.550000000e+02;
	[tilespmem:v6+s0+$0x0] =	vst.idx.add.f32.msk $0xffff, v3  }
0xb6: {  	s5 =	sor.u32 s14, s21;
	v12 =	vmul.f32 $1.600000000e+01, v12;
	v14 =	vtrunc.f32 v14;
	[tilespmem:v6+s22+$0x0] =	vst.idx.add.f32.msk $0xffff, v7  }
0xb7: {  	v6 =	vcvt.f32.s32 v14;
	v7 =	vld [tilespmem:s5+$0x0]  }
0xb8: {  	v12 =	vmul.f32 v12, v12;
	v14 =	vld [tilespmem:s5+$0xC000]  }
0xb9: {  	vm0 =	vle.f32 v4, $1.000000010e-01;
	v4 =	vadd.s32 v0, v6;
	[tilespmem:v8+s31+$0x0] =	vst.idx.add.f32.msk $0xffff, v3  }
0xba: {  	v6 =	vmin.f32 v12, $2.550000000e+02;
	v4 =	vsel vm0, v4, v2;
	[tilespmem:v8+s4+$0x0] =	vst.idx.add.f32.msk $0xffff, v5;
	v5 =	vsub.f32 v13, v11  }
0xbb: {  	v6 =	vtrunc.f32 v6  }
0xbc: {  	v8 =	vld [tilespmem:s26+$0x6000];
	v6 =	vcvt.f32.s32 v6;
	v5 =	vmul.f32 $1.600000000e+01, v5  }
0xbd: {  	v13 =	vld [tilespmem:s26+$0x12000];
	v14 =	vsub.f32 v14, v7  }
0xbe: {  	vm0 =	vle.f32 v9, $1.000000010e-01;
	v6 =	vadd.s32 v0, v6;
	v5 =	vmul.f32 v5, v5  }
0xbf: {  	v6 =	vsel vm0, v6, v2;
	v9 =	vmul.f32 $1.600000000e+01, v14;
	[tilespmem:v4+s31+$0x0] =	vst.idx.add.f32.msk $0xffff, v3  }
0xc0: {  	[tilespmem:v4+s4+$0x0] =	vst.idx.add.f32.msk $0xffff, v10;
	v4 =	vmin.f32 v5, $2.550000000e+02  }
0xc1: {  	v9 =	vmul.f32 v9, v9;
	v10 =	vld [tilespmem:s30+$0x6000];
	v4 =	vtrunc.f32 v4  }
0xc2: {  	v13 =	vsub.f32 v13, v8;
	v14 =	vld [tilespmem:s30+$0x12000];
	v4 =	vcvt.f32.s32 v4  }
0xc3: {  	vm0 =	vle.f32 v11, $1.000000010e-01;
	v15 =	vmin.f32 v9, $2.550000000e+02  }
0xc4: {  	s15 =	simm.s32 $0x280;
	s23 =	sor.u32 s8, s11;
	s26 =	simm.s32 $0x50;
	v13 =	vmul.f32 $1.600000000e+01, v13;
	[tilespmem:v6+s0+$0x0] =	vst.idx.add.f32.msk $0xffff, v3;
	v11 =	vtrunc.f32 v15;
	v4 =	vadd.s32 v0, v4  }
0xc5: {  	s29 =	sand.u32 $0xC00, s15;
	s9 =	sor.u32 s12, s23;
	s21 =	sand.u32 $0x70, s26;
	[tilespmem:v6+s22+$0x0] =	vst.idx.add.f32.msk $0xffff, v12;
	v11 =	vcvt.f32.s32 v11;
	v4 =	vsel vm0, v4, v2  }
0xc6: {  	s23 =	sadd.s32 s24, s29;
	s30 =	sor.u32 s25, s21;
	v6 =	vmul.f32 v13, v13;
	v12 =	vld [tilespmem:s9+$0x0]  }
0xc7: {  	s6 =	sor.u32 s23, s30;
	vm0 =	vle.f32 v7, $1.000000010e-01;
	v13 =	vsub.f32 v14, v10;
	v14 =	vld [tilespmem:s9+$0xC000];
	v7 =	vadd.s32 v0, v11  }
0xc8: {  	v16 =	vld [tilespmem:s6+$0xC000];
	v15 =	vmin.f32 v6, $2.550000000e+02;
	v7 =	vsel vm0, v7, v2  }
0xc9: {  	v11 =	vld [tilespmem:s6+$0x0];
	v15 =	vtrunc.f32 v15  }
0xca: {  	v13 =	vmul.f32 $1.600000000e+01, v13;
	v15 =	vcvt.f32.s32 v15;
	[tilespmem:v4+s31+$0x0] =	vst.idx.add.f32.msk $0xffff, v3  }
0xcb: {  	vm0 =	vle.f32 v8, $1.000000010e-01;
	[tilespmem:v4+s4+$0x0] =	vst.idx.add.f32.msk $0xffff, v5  }
0xcc: {  	v13 =	vmul.f32 v13, v13;
	v8 =	vadd.s32 v0, v15;
	v4 =	vsub.f32 v14, v12;
	v14 =	vld [tilespmem:s3+$0x6000]  }
0xcd: {  	v5 =	vsel vm0, v8, v2;
	[tilespmem:v7+s31+$0x0] =	vst.idx.add.f32.msk $0xffff, v3  }
0xce: {  	v8 =	vmin.f32 v13, $2.550000000e+02;
	[tilespmem:v7+s4+$0x0] =	vst.idx.add.f32.msk $0xffff, v9  }
0xcf: {  	v8 =	vtrunc.f32 v8;
	v4 =	vmul.f32 $1.600000000e+01, v4;
	v9 =	vld [tilespmem:s5+$0x6000]  }
0xd0: {  	v7 =	vcvt.f32.s32 v8;
	v15 =	vld [tilespmem:s5+$0x12000]  }
0xd1: {  	v8 =	vsub.f32 v16, v11;
	v16 =	vld [tilespmem:s3+$0x12000];
	v4 =	vmul.f32 v4, v4  }
0xd2: {  	s7 =	sor.u32 s28, s18;
	vm0 =	vle.f32 v10, $1.000000010e-01;
	v7 =	vadd.s32 v0, v7;
	[tilespmem:v5+s0+$0x0] =	vst.idx.add.f32.msk $0xffff, v3  }
0xd3: {  	s29 =	sor.u32 s17, s7;
	v8 =	vmul.f32 $1.600000000e+01, v8;
	v7 =	vsel vm0, v7, v2;
	v10 =	vmin.f32 v4, $2.550000000e+02;
	[tilespmem:v5+s22+$0x0] =	vst.idx.add.f32.msk $0xffff, v6  }
0xd4: {  	v5 =	vtrunc.f32 v10;
	v6 =	vld [tilespmem:s29+$0x0]  }
0xd5: {  	v10 =	vmul.f32 v8, v8;
	v8 =	vld [tilespmem:s29+$0xC000];
	v5 =	vcvt.f32.s32 v5;
	_ =	sdelay $0x1  }
0xd6: {  	s7 =	sor.u32 $0x180, s25;
	vm0 =	vle.f32 v12, $1.000000010e-01;
	v15 =	vsub.f32 v15, v9;
	v5 =	vadd.s32 v0, v5  }
0xd7: {  	s2 =	sor.u32 s7, s2;
	[tilespmem:v7+s0+$0x0] =	vst.idx.add.f32.msk $0xffff, v3;
	v5 =	vsel vm0, v5, v2  }
0xd8: {  	s2 =	sor.u32 s1, s2;
	v12 =	vmin.f32 v10, $2.550000000e+02;
	v15 =	vmul.f32 $1.600000000e+01, v15;
	[tilespmem:v7+s22+$0x0] =	vst.idx.add.f32.msk $0xffff, v13  }
0xd9: {  	s3 =	simm.s32 $0x60;
	s5 =	simm.s32 $0x300;
	v16 =	vsub.f32 v16, v14;
	v7 =	vtrunc.f32 v12;
	v8 =	vsub.f32 v8, v6;
	v12 =	vld [tilespmem:s2+$0x0]  }
0xda: {  	s26 =	sand.u32 $0x70, s3;
	s15 =	sand.u32 $0xC00, s5;
	v13 =	vmul.f32 v15, v15;
	v7 =	vcvt.f32.s32 v7;
	v15 =	vld [tilespmem:s2+$0xC000]  }
0xdb: {  	s1 =	sadd.s32 s24, s15;
	s16 =	sor.u32 s25, s26;
	v16 =	vmul.f32 $1.600000000e+01, v16;
	v8 =	vmul.f32 $1.600000000e+01, v8  }
0xdc: {  	s15 =	sor.u32 s1, s16;
	vm0 =	vle.f32 v11, $1.000000010e-01;
	v11 =	vmin.f32 v13, $2.550000000e+02;
	v7 =	vadd.s32 v0, v7;
	[tilespmem:v5+s31+$0x0] =	vst.idx.add.f32.msk $0xffff, v3  }
0xdd: {  	v17 =	vsel vm0, v7, v2;
	v7 =	vtrunc.f32 v11;
	v11 =	vmul.f32 v8, v8;
	v8 =	vld [tilespmem:s15+$0x0]  }
0xde: {  	[tilespmem:v5+s4+$0x0] =	vst.idx.add.f32.msk $0xffff, v4;
	v4 =	vcvt.f32.s32 v7  }
0xdf: {  	v7 =	vmul.f32 v16, v16;
	v16 =	vld [tilespmem:s15+$0xC000];
	v15 =	vsub.f32 v15, v12  }
0xe0: {  	vm0 =	vle.f32 v9, $1.000000010e-01;
	v18 =	vld [tilespmem:s9+$0x6000];
	v9 =	vmin.f32 v11, $2.550000000e+02;
	v4 =	vadd.s32 v0, v4  }
0xe1: {  	v5 =	vld [tilespmem:s9+$0x12000];
	v9 =	vtrunc.f32 v9;
	v4 =	vsel vm0, v4, v2;
	v15 =	vmul.f32 $1.600000000e+01, v15  }
0xe2: {  	v9 =	vcvt.f32.s32 v9;
	[tilespmem:v17+s31+$0x0] =	vst.idx.add.f32.msk $0xffff, v3  }
0xe3: {  	v19 =	vmin.f32 v7, $2.550000000e+02;
	[tilespmem:v17+s4+$0x0] =	vst.idx.add.f32.msk $0xffff, v10;
	v20 =	vmul.f32 v15, v15  }
0xe4: {  	vm0 =	vle.f32 v6, $1.000000010e-01;
	v15 =	vtrunc.f32 v19;
	v6 =	vadd.s32 v0, v9;
	v10 =	vld [tilespmem:s6+$0x6000]  }
0xe5: {  	v9 =	vcvt.f32.s32 v15;
	v19 =	vld [tilespmem:s6+$0x12000];
	v15 =	vsel vm0, v6, v2;
	v6 =	vmin.f32 v20, $2.550000000e+02  }
0xe6: {  	s30 =	sor.u32 s8, s13;
	vm0 =	vle.f32 v14, $1.000000010e-01;
	[tilespmem:v4+s0+$0x0] =	vst.idx.add.f32.msk $0xffff, v3;
	v6 =	vtrunc.f32 v6  }
0xe7: {  	s16 =	sor.u32 s14, s30;
	v9 =	vadd.s32 v0, v9;
	[tilespmem:v4+s22+$0x0] =	vst.idx.add.f32.msk $0xffff, v13;
	v4 =	vsub.f32 v5, v18;
	v5 =	vcvt.f32.s32 v6  }
0xe8: {  	v13 =	vsel vm0, v9, v2;
	v6 =	vld [tilespmem:s16+$0x0]  }
0xe9: {  	vm0 =	vle.f32 v12, $1.000000010e-01;
	v12 =	vld [tilespmem:s16+$0xC000];
	v4 =	vmul.f32 $1.600000000e+01, v4;
	v5 =	vadd.s32 v0, v5  }
0xea: {  	v9 =	vsub.f32 v16, v8;
	[tilespmem:v15+s31+$0x0] =	vst.idx.add.f32.msk $0xffff, v3;
	v21 =	vsel vm0, v5, v2  }
0xeb: {  	[tilespmem:v15+s4+$0x0] =	vst.idx.add.f32.msk $0xffff, v11;
	v5 =	vmul.f32 v4, v4  }
0xec: {  	v16 =	vmul.f32 $1.600000000e+01, v9;
	v9 =	vld [tilespmem:s29+$0x6000]  }
0xed: {  	v14 =	vld [tilespmem:s29+$0x12000];
	v4 =	vmin.f32 v5, $2.550000000e+02  }
0xee: {  	v15 =	vmul.f32 v16, v16;
	[tilespmem:v13+s0+$0x0] =	vst.idx.add.f32.msk $0xffff, v3;
	v4 =	vtrunc.f32 v4  }
0xef: {  	v12 =	vsub.f32 v12, v6;
	v4 =	vcvt.f32.s32 v4;
	[tilespmem:v21+s31+$0x0] =	vst.idx.add.f32.msk $0xffff, v3  }
0xf0: {  	vm0 =	vle.f32 v18, $1.000000010e-01;
	v16 =	vsub.f32 v19, v10;
	v11 =	vmin.f32 v15, $2.550000000e+02;
	[tilespmem:v21+s4+$0x0] =	vst.idx.add.f32.msk $0xffff, v20  }
0xf1: {  	v17 =	vtrunc.f32 v11;
	v12 =	vmul.f32 $1.600000000e+01, v12;
	v11 =	vadd.s32 v0, v4;
	v4 =	vld [tilespmem:s2+$0x6000]  }
.LBB2_6:
0xf2: {  	s3 =	sadd.s32 $0x10, s3;
	v17 =	vcvt.f32.s32 v17;
	s5 =	sadd.s32 $0x80, s5;
	s6 =	sor.u32 s28, s19;
	v11 =	vsel vm0, v11, v2;
	v18 =	vld [tilespmem:s2+$0x12000]  }
0xf3: {  	v16 =	vmul.f32 $1.600000000e+01, v16;
	s29 =	sand.u32 $0x70, s3;
	s2 =	sand.u32 $0xC00, s5;
	[tilespmem:v13+s22+$0x0] =	vst.idx.add.f32.msk $0xffff, v7;
	s6 =	sor.u32 s20, s6;
	v12 =	vmul.f32 v12, v12  }
0xf4: {  	vm0 =	vle.f32 v8, $1.000000010e-01;
	v13 =	vsub.f32 v14, v9;
	s30 =	sadd.s32 s24, s2;
	s2 =	sor.u32 s25, s29;
	v19 =	vld [tilespmem:s6+$0x0]  }
0xf5: {  	p0 =	slt.u32 s3, $0x170;
	v14 =	vadd.s32 v0, v17;
	v7 =	vmul.f32 v16, v16;
	s9 =	sor.u32 s30, s2;
	v16 =	vld [tilespmem:s6+$0xC000];
	v17 =	vmin.f32 v12, $2.550000000e+02  }
0xf6: {  	v14 =	vsel vm0, v14, v2;
	v13 =	vmul.f32 $1.600000000e+01, v13;
	v8 =	vld [tilespmem:s9+$0x0];
	v17 =	vtrunc.f32 v17  }
0xf7: {  	s2 =	sor.u32 s7, s11;
	s11 =	smov.u32 s13;
	s13 =	smov.u32 s18;
	v20 =	vmin.f32 v7, $2.550000000e+02;
	v17 =	vcvt.f32.s32 v17;
	[tilespmem:v11+s0+$0x0] =	vst.idx.add.f32.msk $0xffff, v3;
	v18 =	vsub.f32 v18, v4  }
0xf8: {  	s18 =	smov.u32 s19;
	s19 =	smov.u32 s21;
	s2 =	sor.u32 s12, s2;
	v20 =	vtrunc.f32 v20;
	v21 =	vmul.f32 v13, v13;
	[tilespmem:v11+s22+$0x0] =	vst.idx.add.f32.msk $0xffff, v5  }
0xf9: {  	vm0 =	vle.f32 v6, $1.000000010e-01;
	s21 =	smov.u32 s26;
	s26 =	smov.u32 s29;
	s12 =	smov.u32 s14;
	v5 =	vadd.s32 v0, v17;
	v11 =	vld [tilespmem:s2+$0x0];
	v6 =	vmul.f32 $1.600000000e+01, v18  }
0xfa: {  	s14 =	smov.u32 s17;
	s17 =	smov.u32 s20;
	s20 =	smov.u32 s23;
	v13 =	vcvt.f32.s32 v20;
	v16 =	vsub.f32 v16, v19;
	v5 =	vsel vm0, v5, v2;
	v17 =	vld [tilespmem:s2+$0xC000]  }
0xfb: {  	s23 =	smov.u32 s1;
	s1 =	smov.u32 s30;
	vm0 =	vle.f32 v10, $1.000000010e-01;
	v10 =	vmin.f32 v21, $2.550000000e+02;
	v18 =	vld [tilespmem:s9+$0xC000];
	v6 =	vmul.f32 v6, v6  }
0xfc: {  	v13 =	vadd.s32 v0, v13;
	v10 =	vtrunc.f32 v10;
	[tilespmem:v14+s31+$0x0] =	vst.idx.add.f32.msk $0xffff, v3;
	v16 =	vmul.f32 $1.600000000e+01, v16  }
0xfd: {  	v13 =	vsel vm0, v13, v2;
	[tilespmem:v14+s4+$0x0] =	vst.idx.add.f32.msk $0xffff, v15;
	v14 =	vcvt.f32.s32 v10;
	v15 =	vmin.f32 v6, $2.550000000e+02  }
0xfe: {  	vm0 =	vle.f32 v9, $1.000000010e-01;
	v10 =	vld [tilespmem:s15+$0x6000];
	v16 =	vmul.f32 v16, v16;
	v9 =	vtrunc.f32 v15  }
0xff: {  	v14 =	vadd.s32 v0, v14;
	[tilespmem:v5+s31+$0x0] =	vst.idx.add.f32.msk $0xffff, v3;
	v15 =	vsub.f32 v17, v11;
	v9 =	vcvt.f32.s32 v9  }
0x100: {  	v17 =	vmin.f32 v16, $2.550000000e+02;
	v14 =	vsel vm0, v14, v2;
	[tilespmem:v5+s4+$0x0] =	vst.idx.add.f32.msk $0xffff, v12  }
0x101: {  	vm0 =	vle.f32 v4, $1.000000010e-01;
	v20 =	vld [tilespmem:s16+$0x6000];
	v5 =	vmul.f32 $1.600000000e+01, v15;
	v4 =	vadd.s32 v0, v9  }
0x102: {  	v9 =	vtrunc.f32 v17;
	v12 =	vld [tilespmem:s16+$0x12000];
	v4 =	vsel vm0, v4, v2  }
0x103: {  	v9 =	vcvt.f32.s32 v9;
	v22 =	vld [tilespmem:s15+$0x12000];
	v23 =	vmul.f32 v5, v5;
	s15 =	smov.u32 s9  }
0x104: {  	[tilespmem:v13+s0+$0x0] =	vst.idx.add.f32.msk $0xffff, v3  }
0x105: {  	vm0 =	vle.f32 v19, $1.000000010e-01;
	v5 =	vadd.s32 v0, v9;
	[tilespmem:v14+s0+$0x0] =	vst.idx.add.f32.msk $0xffff, v3;
	v9 =	vmin.f32 v23, $2.550000000e+02  }
0x106: {  	v15 =	vsel vm0, v5, v2;
	[tilespmem:v14+s22+$0x0] =	vst.idx.add.f32.msk $0xffff, v21;
	v5 =	vtrunc.f32 v9  }
0x107: {  	s9 =	sor.u32 s8, s13;
	v9 =	vsub.f32 v12, v20;
	v5 =	vcvt.f32.s32 v5;
	[tilespmem:v4+s0+$0x0] =	vst.idx.add.f32.msk $0xffff, v3  }
0x108: {  	s16 =	sor.u32 s14, s9;
	v12 =	vsub.f32 v18, v8;
	[tilespmem:v4+s22+$0x0] =	vst.idx.add.f32.msk $0xffff, v6  }
0x109: {  	vm0 =	vle.f32 v11, $1.000000010e-01;
	v6 =	vld [tilespmem:s16+$0x0];
	v4 =	vmul.f32 $1.600000000e+01, v9;
	v5 =	vadd.s32 v0, v5  }
0x10a: {  	v11 =	vld [tilespmem:s16+$0xC000];
	v18 =	vsel vm0, v5, v2  }
0x10b: {  	v9 =	vmul.f32 $1.600000000e+01, v12;
	[tilespmem:v15+s31+$0x0] =	vst.idx.add.f32.msk $0xffff, v3;
	v5 =	vmul.f32 v4, v4  }
0x10c: {  	[tilespmem:v15+s4+$0x0] =	vst.idx.add.f32.msk $0xffff, v16  }
.Ltmp3:
0x10d: {  	v15 =	vmul.f32 v9, v9;
	v9 =	vld [tilespmem:s6+$0x6000];
	v4 =	vmin.f32 v5, $2.550000000e+02;
	(pc) =	sbr.rel @p0 .LBB2_6-.Ltmp3, $4  }
0x10e: {  	v14 =	vld [tilespmem:s6+$0x12000];
	v4 =	vtrunc.f32 v4  }
0x10f: {  	v12 =	vmin.f32 v15, $2.550000000e+02;
	v11 =	vsub.f32 v11, v6;
	v4 =	vcvt.f32.s32 v4;
	[tilespmem:v18+s31+$0x0] =	vst.idx.add.f32.msk $0xffff, v3  }
0x110: {  	v16 =	vsub.f32 v22, v10;
	v17 =	vtrunc.f32 v12;
	[tilespmem:v18+s4+$0x0] =	vst.idx.add.f32.msk $0xffff, v23  }
0x111: {  	vm0 =	vle.f32 v20, $1.000000010e-01;
	v12 =	vmul.f32 $1.600000000e+01, v11;
	v11 =	vadd.s32 v0, v4;
	v4 =	vld [tilespmem:s2+$0x6000]  }
0x112: {  	v17 =	vcvt.f32.s32 v17;
	_ =	sdelay $0x1  }
0x113: {  	vm1 =	vle.f32 v8, $1.000000010e-01;
	v52 =	vadd.s32 v0, v17  }
0x114: {  	v8 =	vsel vm1, v52, v2;
	_ =	sdelay $0x4  }
0x115: {  	[tilespmem:v8+s31+$0x0] =	vst.idx.add.f32.msk $0xffff, v3  }
0x116: {  	[tilespmem:v8+s4+$0x0] =	vst.idx.add.f32.msk $0xffff, v15  }
0x117: {  	v8 =	vld [tilespmem:s15+$0x6000]  }
0x118: {  	v15 =	vld [tilespmem:s15+$0x12000];
	_ =	sdelay $0x2  }
0x119: {  	v16 =	vmul.f32 $1.600000000e+01, v16;
	_ =	sdelay $0x1  }
0x11a: {  	v16 =	vmul.f32 v16, v16;
	v15 =	vsub.f32 v15, v8;
	_ =	sdelay $0x1  }
0x11b: {  	v53 =	vmin.f32 v16, $2.550000000e+02;
	v15 =	vmul.f32 $1.600000000e+01, v15  }
0x11c: {  	v17 =	vtrunc.f32 v53  }
0x11d: {  	v17 =	vcvt.f32.s32 v17;
	v15 =	vmul.f32 v15, v15;
	_ =	sdelay $0x1  }
0x11e: {  	vm8 =	vle.f32 v10, $1.000000010e-01;
	v54 =	vadd.s32 v0, v17;
	v55 =	vmin.f32 v15, $2.550000000e+02  }
0x11f: {  	s3 =	sor.u32 s28, s19;
	v10 =	vsel vm8, v54, v2;
	v17 =	vtrunc.f32 v55  }
0x120: {  	[tilespmem:v13+s22+$0x0] =	vst.idx.add.f32.msk $0xffff, v7;
	s3 =	sor.u32 s20, s3;
	v17 =	vcvt.f32.s32 v17  }
0x121: {  	v7 =	vld [tilespmem:s3+$0x0]  }
0x122: {  	v13 =	vld [tilespmem:s3+$0xC000];
	vm9 =	vle.f32 v8, $1.000000010e-01;
	v56 =	vadd.s32 v0, v17  }
0x123: {  	v8 =	vsel vm9, v56, v2  }
0x124: {  	s5 =	sor.u32 s28, s21;
	[tilespmem:v10+s0+$0x0] =	vst.idx.add.f32.msk $0xffff, v3  }
0x125: {  	s5 =	sor.u32 s23, s5;
	[tilespmem:v10+s22+$0x0] =	vst.idx.add.f32.msk $0xffff, v16  }
0x126: {  	v10 =	vld [tilespmem:s5+$0x0]  }
0x127: {  	v13 =	vsub.f32 v13, v7;
	v16 =	vld [tilespmem:s5+$0xC000]  }
0x128: {  	s6 =	sor.u32 s28, s26;
	[tilespmem:v8+s0+$0x0] =	vst.idx.add.f32.msk $0xffff, v3  }
0x129: {  	s6 =	sor.u32 s1, s6;
	v57 =	vmul.f32 $1.600000000e+01, v13;
	[tilespmem:v8+s22+$0x0] =	vst.idx.add.f32.msk $0xffff, v15  }
0x12a: {  	v58 =	vld [tilespmem:s6+$0x0]  }
0x12b: {  	v8 =	vmul.f32 v57, v57;
	v15 =	vld [tilespmem:s6+$0xC000]  }
0x12c: {  	v16 =	vsub.f32 v16, v10  }
0x12d: {  	v59 =	vmin.f32 v8, $2.550000000e+02  }
0x12e: {  	v16 =	vmul.f32 $1.600000000e+01, v16;
	v17 =	vtrunc.f32 v59  }
0x12f: {  	v17 =	vcvt.f32.s32 v17  }
0x130: {  	v16 =	vmul.f32 v16, v16;
	v15 =	vsub.f32 v15, v58  }
0x131: {  	vm10 =	vle.f32 v7, $1.000000010e-01;
	v60 =	vadd.s32 v0, v17  }
0x132: {  	v61 =	vmin.f32 v16, $2.550000000e+02;
	v7 =	vsel vm10, v60, v2;
	v15 =	vmul.f32 $1.600000000e+01, v15  }
0x133: {  	v17 =	vtrunc.f32 v61  }
0x134: {  	v17 =	vcvt.f32.s32 v17;
	v15 =	vmul.f32 v15, v15;
	_ =	sdelay $0x1  }
0x135: {  	vm11 =	vle.f32 v10, $1.000000010e-01;
	v62 =	vadd.s32 v0, v17;
	v63 =	vmin.f32 v15, $2.550000000e+02  }
0x136: {  	v10 =	vsel vm11, v62, v2;
	[tilespmem:v7+s31+$0x0] =	vst.idx.add.f32.msk $0xffff, v3;
	v17 =	vtrunc.f32 v63  }
0x137: {  	[tilespmem:v7+s4+$0x0] =	vst.idx.add.f32.msk $0xffff, v8;
	v17 =	vcvt.f32.s32 v17  }
0x138: {  	v7 =	vld [tilespmem:s3+$0x6000]  }
0x139: {  	vm12 =	vle.f32 v58, $1.000000010e-01;
	v20 =	vld [tilespmem:s3+$0x12000];
	v19 =	vadd.s32 v0, v17  }
0x13a: {  	v14 =	vsub.f32 v14, v9;
	v8 =	vsel vm12, v19, v2  }
0x13b: {  	[tilespmem:v10+s31+$0x0] =	vst.idx.add.f32.msk $0xffff, v3  }
0x13c: {  	v21 =	vmul.f32 $1.600000000e+01, v14;
	[tilespmem:v10+s4+$0x0] =	vst.idx.add.f32.msk $0xffff, v16  }
0x13d: {  	v22 =	vld [tilespmem:s5+$0x6000]  }
0x13e: {  	v10 =	vmul.f32 v21, v21;
	v16 =	vld [tilespmem:s5+$0x12000];
	v13 =	vsub.f32 v20, v7  }
0x13f: {  	[tilespmem:v8+s31+$0x0] =	vst.idx.add.f32.msk $0xffff, v3  }
0x140: {  	v23 =	vmin.f32 v10, $2.550000000e+02;
	v13 =	vmul.f32 $1.600000000e+01, v13;
	[tilespmem:v8+s4+$0x0] =	vst.idx.add.f32.msk $0xffff, v15  }
0x141: {  	v8 =	vtrunc.f32 v23;
	v15 =	vld [tilespmem:s6+$0x6000]  }
0x142: {  	v13 =	vmul.f32 v13, v13;
	v24 =	vld [tilespmem:s6+$0x12000];
	v8 =	vcvt.f32.s32 v8  }
0x143: {  	v16 =	vsub.f32 v16, v22  }
0x144: {  	vm13 =	vle.f32 v9, $1.000000010e-01;
	v25 =	vmin.f32 v13, $2.550000000e+02;
	v8 =	vadd.s32 v0, v8  }
0x145: {  	v16 =	vmul.f32 $1.600000000e+01, v16;
	v9 =	vtrunc.f32 v25;
	v8 =	vsel vm13, v8, v2  }
0x146: {  	v9 =	vcvt.f32.s32 v9  }
0x147: {  	v16 =	vmul.f32 v16, v16;
	v17 =	vsub.f32 v24, v15  }
0x148: {  	vm14 =	vle.f32 v7, $1.000000010e-01;
	v26 =	vadd.s32 v0, v9  }
0x149: {  	v27 =	vmin.f32 v16, $2.550000000e+02;
	v7 =	vsel vm14, v26, v2;
	v17 =	vmul.f32 $1.600000000e+01, v17  }
0x14a: {  	s28 =	sor.u32 s8, s18;
	v9 =	vtrunc.f32 v27;
	[tilespmem:v8+s0+$0x0] =	vst.idx.add.f32.msk $0xffff, v3  }
0x14b: {  	s3 =	sor.u32 s17, s28;
	v9 =	vcvt.f32.s32 v9;
	v17 =	vmul.f32 v17, v17;
	[tilespmem:v8+s22+$0x0] =	vst.idx.add.f32.msk $0xffff, v10  }
0x14c: {  	v8 =	vld [tilespmem:s3+$0x0]  }
0x14d: {  	vm15 =	vle.f32 v22, $1.000000010e-01;
	v9 =	vadd.s32 v0, v9;
	v29 =	vld [tilespmem:s3+$0xC000];
	v28 =	vmin.f32 v17, $2.550000000e+02  }
0x14e: {  	s29 =	sor.u32 s8, s19;
	v9 =	vsel vm15, v9, v2;
	[tilespmem:v7+s0+$0x0] =	vst.idx.add.f32.msk $0xffff, v3;
	v10 =	vtrunc.f32 v28  }
0x14f: {  	s5 =	sor.u32 s20, s29;
	[tilespmem:v7+s22+$0x0] =	vst.idx.add.f32.msk $0xffff, v13;
	v10 =	vcvt.f32.s32 v10  }
0x150: {  	v7 =	vld [tilespmem:s5+$0x0]  }
0x151: {  	v12 =	vmul.f32 v12, v12;
	vm4 =	vle.f32 v15, $1.000000010e-01;
	v13 =	vld [tilespmem:s5+$0xC000];
	v10 =	vadd.s32 v0, v10  }
0x152: {  	v14 =	vsub.f32 v29, v8;
	v10 =	vsel vm4, v10, v2  }
0x153: {  	s30 =	sor.u32 s8, s21;
	v30 =	vmin.f32 v12, $2.550000000e+02;
	[tilespmem:v9+s0+$0x0] =	vst.idx.add.f32.msk $0xffff, v3  }
0x154: {  	s9 =	sor.u32 s23, s30;
	[tilespmem:v9+s22+$0x0] =	vst.idx.add.f32.msk $0xffff, v16;
	v9 =	vtrunc.f32 v30;
	v14 =	vmul.f32 $1.600000000e+01, v14  }
0x155: {  	v31 =	vld [tilespmem:s9+$0x0];
	v9 =	vcvt.f32.s32 v9  }
0x156: {  	v16 =	vld [tilespmem:s9+$0xC000];
	v13 =	vsub.f32 v13, v7;
	v14 =	vmul.f32 v14, v14  }
0x157: {  	s8 =	sor.u32 s8, s26;
	vm5 =	vle.f32 v6, $1.000000010e-01;
	v32 =	vadd.s32 v0, v9;
	[tilespmem:v10+s0+$0x0] =	vst.idx.add.f32.msk $0xffff, v3  }
0x158: {  	s6 =	sor.u32 s1, s8;
	v6 =	vsel vm5, v32, v2;
	v34 =	vmul.f32 $1.600000000e+01, v13;
	v33 =	vmin.f32 v14, $2.550000000e+02;
	[tilespmem:v10+s22+$0x0] =	vst.idx.add.f32.msk $0xffff, v17  }
0x159: {  	v9 =	vtrunc.f32 v33;
	v35 =	vld [tilespmem:s6+$0x0]  }
0x15a: {  	v10 =	vmul.f32 v34, v34;
	v17 =	vld [tilespmem:s6+$0xC000];
	v9 =	vcvt.f32.s32 v9  }
0x15b: {  	v11 =	vsel vm0, v11, v2;
	v16 =	vsub.f32 v16, v31  }
0x15c: {  	v18 =	vld [tilespmem:s2+$0x12000];
	vm6 =	vle.f32 v8, $1.000000010e-01;
	v37 =	vmin.f32 v10, $2.550000000e+02;
	v36 =	vadd.s32 v0, v9  }
0x15d: {  	v16 =	vmul.f32 $1.600000000e+01, v16;
	[tilespmem:v6+s31+$0x0] =	vst.idx.add.f32.msk $0xffff, v3;
	v9 =	vtrunc.f32 v37;
	v8 =	vsel vm6, v36, v2  }
0x15e: {  	[tilespmem:v6+s4+$0x0] =	vst.idx.add.f32.msk $0xffff, v12;
	v9 =	vcvt.f32.s32 v9  }
0x15f: {  	v16 =	vmul.f32 v16, v16;
	v6 =	vld [tilespmem:s16+$0x6000];
	v17 =	vsub.f32 v17, v35  }
0x160: {  	vm7 =	vle.f32 v7, $1.000000010e-01;
	v41 =	vld [tilespmem:s16+$0x12000];
	v38 =	vadd.s32 v0, v9  }
0x161: {  	[tilespmem:v11+s0+$0x0] =	vst.idx.add.f32.msk $0xffff, v3;
	v39 =	vmin.f32 v16, $2.550000000e+02;
	v7 =	vsel vm7, v38, v2;
	v40 =	vmul.f32 $1.600000000e+01, v17  }
0x162: {  	v9 =	vtrunc.f32 v39;
	[tilespmem:v8+s31+$0x0] =	vst.idx.add.f32.msk $0xffff, v3  }
0x163: {  	v9 =	vcvt.f32.s32 v9;
	v12 =	vmul.f32 v40, v40;
	[tilespmem:v8+s4+$0x0] =	vst.idx.add.f32.msk $0xffff, v14  }
0x164: {  	vm8 =	vle.f32 v31, $1.000000010e-01;
	v8 =	vld [tilespmem:s3+$0x6000]  }
0x165: {  	v9 =	vadd.s32 v0, v9;
	v17 =	vsub.f32 v41, v6;
	v43 =	vld [tilespmem:s3+$0x12000];
	v42 =	vmin.f32 v12, $2.550000000e+02  }
0x166: {  	v9 =	vsel vm8, v9, v2;
	[tilespmem:v7+s31+$0x0] =	vst.idx.add.f32.msk $0xffff, v3;
	v14 =	vtrunc.f32 v42  }
0x167: {  	v44 =	vmul.f32 $1.600000000e+01, v17;
	[tilespmem:v7+s4+$0x0] =	vst.idx.add.f32.msk $0xffff, v10;
	v14 =	vcvt.f32.s32 v14  }
0x168: {  	v10 =	vld [tilespmem:s5+$0x6000]  }
0x169: {  	vm9 =	vle.f32 v35, $1.000000010e-01;
	v7 =	vmul.f32 v44, v44;
	v46 =	vld [tilespmem:s5+$0x12000];
	v45 =	vadd.s32 v0, v14  }
0x16a: {  	[tilespmem:v11+s22+$0x0] =	vst.idx.add.f32.msk $0xffff, v5;
	v15 =	vsub.f32 v43, v8;
	v13 =	vsel vm9, v45, v2  }
0x16b: {  	[tilespmem:v9+s31+$0x0] =	vst.idx.add.f32.msk $0xffff, v3;
	v47 =	vmin.f32 v7, $2.550000000e+02  }
0x16c: {  	[tilespmem:v9+s4+$0x0] =	vst.idx.add.f32.msk $0xffff, v16;
	v9 =	vtrunc.f32 v47;
	v15 =	vmul.f32 $1.600000000e+01, v15  }
0x16d: {  	v16 =	vld [tilespmem:s9+$0x6000];
	v9 =	vcvt.f32.s32 v9  }
0x16e: {  	v48 =	vld [tilespmem:s9+$0x12000];
	v14 =	vsub.f32 v46, v10;
	v15 =	vmul.f32 v15, v15  }
0x16f: {  	vm10 =	vle.f32 v6, $1.000000010e-01;
	v49 =	vadd.s32 v0, v9;
	[tilespmem:v13+s31+$0x0] =	vst.idx.add.f32.msk $0xffff, v3  }
0x170: {  	v6 =	vsel vm10, v49, v2;
	v51 =	vmul.f32 $1.600000000e+01, v14;
	v50 =	vmin.f32 v15, $2.550000000e+02;
	[tilespmem:v13+s4+$0x0] =	vst.idx.add.f32.msk $0xffff, v12  }
0x171: {  	s15 =	sor.u32 s7, s11;
	v9 =	vtrunc.f32 v50;
	v13 =	vld [tilespmem:s6+$0x6000]  }
0x172: {  	s3 =	sor.u32 s12, s15;
	v53 =	vmul.f32 v51, v51;
	v52 =	vld [tilespmem:s6+$0x12000];
	v5 =	vcvt.f32.s32 v9  }
0x173: {  	v55 =	vld [tilespmem:s3+$0x0];
	v54 =	vsub.f32 v48, v16  }
0x174: {  	v56 =	vld [tilespmem:s3+$0xC000];
	vm11 =	vle.f32 v8, $1.000000010e-01;
	v57 =	vmin.f32 v53, $2.550000000e+02;
	v5 =	vadd.s32 v0, v5  }
0x175: {  	s16 =	sor.u32 s7, s13;
	v11 =	vmul.f32 $1.600000000e+01, v54;
	[tilespmem:v6+s0+$0x0] =	vst.idx.add.f32.msk $0xffff, v3;
	v17 =	vtrunc.f32 v57;
	v5 =	vsel vm11, v5, v2  }
0x176: {  	s2 =	sor.u32 s14, s16;
	[tilespmem:v6+s22+$0x0] =	vst.idx.add.f32.msk $0xffff, v7;
	v17 =	vcvt.f32.s32 v17  }
0x177: {  	v11 =	vmul.f32 v11, v11;
	v6 =	vld [tilespmem:s2+$0x0];
	v14 =	vsub.f32 v52, v13  }
0x178: {  	vm12 =	vle.f32 v10, $1.000000010e-01;
	v60 =	vld [tilespmem:s2+$0xC000];
	v58 =	vadd.s32 v0, v17  }
0x179: {  	v59 =	vmin.f32 v11, $2.550000000e+02;
	v7 =	vsel vm12, v58, v2;
	v14 =	vmul.f32 $1.600000000e+01, v14  }
0x17a: {  	s24 =	sor.u32 s7, s18;
	v8 =	vsub.f32 v56, v55;
	v10 =	vtrunc.f32 v59;
	[tilespmem:v5+s0+$0x0] =	vst.idx.add.f32.msk $0xffff, v3  }
0x17b: {  	s5 =	sor.u32 s17, s24;
	v10 =	vcvt.f32.s32 v10;
	v14 =	vmul.f32 v14, v14;
	[tilespmem:v5+s22+$0x0] =	vst.idx.add.f32.msk $0xffff, v15  }
0x17c: {  	v8 =	vmul.f32 $1.600000000e+01, v8;
	vm13 =	vle.f32 v16, $1.000000010e-01;
	v5 =	vld [tilespmem:s5+$0x0]  }
0x17d: {  	v10 =	vadd.s32 v0, v10;
	v17 =	vsub.f32 v60, v6;
	v62 =	vld [tilespmem:s5+$0xC000];
	v61 =	vmin.f32 v14, $2.550000000e+02  }
0x17e: {  	s25 =	sor.u32 s7, s19;
	v8 =	vmul.f32 v8, v8;
	v10 =	vsel vm13, v10, v2;
	[tilespmem:v7+s0+$0x0] =	vst.idx.add.f32.msk $0xffff, v3;
	v15 =	vtrunc.f32 v61  }
0x17f: {  	s6 =	sor.u32 s20, s25;
	v63 =	vmul.f32 $1.600000000e+01, v17;
	[tilespmem:v7+s22+$0x0] =	vst.idx.add.f32.msk $0xffff, v53;
	v15 =	vcvt.f32.s32 v15  }
0x180: {  	v19 =	vmin.f32 v8, $2.550000000e+02;
	v9 =	vld [tilespmem:s6+$0x0]  }
0x181: {  	vm14 =	vle.f32 v13, $1.000000010e-01;
	v7 =	vmul.f32 v63, v63;
	v22 =	vld [tilespmem:s6+$0xC000];
	v20 =	vadd.s32 v0, v15  }
0x182: {  	v21 =	vtrunc.f32 v19;
	v13 =	vsel vm14, v20, v2  }
0x183: {  	s28 =	sor.u32 s7, s21;
	[tilespmem:v10+s0+$0x0] =	vst.idx.add.f32.msk $0xffff, v3;
	v24 =	vmin.f32 v7, $2.550000000e+02;
	v15 =	vcvt.f32.s32 v21;
	v16 =	vsub.f32 v62, v5  }
0x184: {  	s8 =	sor.u32 s23, s28;
	vm15 =	vle.f32 v55, $1.000000010e-01;
	[tilespmem:v10+s22+$0x0] =	vst.idx.add.f32.msk $0xffff, v11;
	v11 =	vtrunc.f32 v24  }
0x185: {  	v26 =	vld [tilespmem:s8+$0x0];
	v11 =	vcvt.f32.s32 v11;
	v23 =	vadd.s32 v0, v15;
	v25 =	vmul.f32 $1.600000000e+01, v16  }
0x186: {  	v27 =	vld [tilespmem:s8+$0xC000];
	v10 =	vsel vm15, v23, v2;
	v17 =	vsub.f32 v22, v9  }
0x187: {  	s29 =	sor.u32 s7, s26;
	vm4 =	vle.f32 v6, $1.000000010e-01;
	v28 =	vadd.s32 v0, v11;
	v12 =	vmul.f32 v25, v25;
	[tilespmem:v13+s0+$0x0] =	vst.idx.add.f32.msk $0xffff, v3  }
0x188: {  	s30 =	sor.u32 s1, s29;
	v6 =	vsel vm4, v28, v2;
	[tilespmem:v13+s22+$0x0] =	vst.idx.add.f32.msk $0xffff, v14  }
0x189: {  	v30 =	vmul.f32 $1.600000000e+01, v17;
	v29 =	vmin.f32 v12, $2.550000000e+02;
	v14 =	vld [tilespmem:s30+$0x0]  }
0x18a: {  	v11 =	vtrunc.f32 v29;
	v31 =	vld [tilespmem:s30+$0xC000]  }
0x18b: {  	v16 =	vsub.f32 v27, v26;
	v13 =	vmul.f32 v30, v30;
	[tilespmem:v10+s31+$0x0] =	vst.idx.add.f32.msk $0xffff, v3;
	v11 =	vcvt.f32.s32 v11  }
0x18c: {  	vm5 =	vle.f32 v5, $1.000000010e-01;
	[tilespmem:v10+s4+$0x0] =	vst.idx.add.f32.msk $0xffff, v8  }
0x18d: {  	v34 =	vmul.f32 $1.600000000e+01, v16;
	v33 =	vmin.f32 v13, $2.550000000e+02;
	[tilespmem:v6+s31+$0x0] =	vst.idx.add.f32.msk $0xffff, v3;
	v32 =	vadd.s32 v0, v11  }
0x18e: {  	v5 =	vld [tilespmem:s3+$0x6000];
	v10 =	vtrunc.f32 v33;
	v8 =	vsel vm5, v32, v2  }
0x18f: {  	v35 =	vld [tilespmem:s3+$0x12000];
	v11 =	vmul.f32 v34, v34;
	v10 =	vcvt.f32.s32 v10;
	v17 =	vsub.f32 v31, v14  }
0x190: {  	vm6 =	vle.f32 v9, $1.000000010e-01;
	[tilespmem:v6+s4+$0x0] =	vst.idx.add.f32.msk $0xffff, v7  }
0x191: {  	v6 =	vld [tilespmem:s2+$0x6000];
	v37 =	vmin.f32 v11, $2.550000000e+02;
	v36 =	vadd.s32 v0, v10;
	v38 =	vmul.f32 $1.600000000e+01, v17  }
0x192: {  	v39 =	vld [tilespmem:s2+$0x12000];
	v9 =	vtrunc.f32 v37;
	v7 =	vsel vm6, v36, v2  }
0x193: {  	v9 =	vcvt.f32.s32 v9;
	[tilespmem:v8+s31+$0x0] =	vst.idx.add.f32.msk $0xffff, v3;
	v10 =	vmul.f32 v38, v38  }
0x194: {  	[tilespmem:v8+s4+$0x0] =	vst.idx.add.f32.msk $0xffff, v12  }
0x195: {  	vm7 =	vle.f32 v26, $1.000000010e-01;
	v9 =	vadd.s32 v0, v9;
	v8 =	vld [tilespmem:s5+$0x6000];
	v40 =	vmin.f32 v10, $2.550000000e+02  }
0x196: {  	v9 =	vsel vm7, v9, v2;
	v42 =	vld [tilespmem:s5+$0x12000];
	v12 =	vtrunc.f32 v40  }
0x197: {  	[tilespmem:v7+s31+$0x0] =	vst.idx.add.f32.msk $0xffff, v3;
	v12 =	vcvt.f32.s32 v12  }
0x198: {  	v41 =	vsub.f32 v18, v4;
	[tilespmem:v7+s4+$0x0] =	vst.idx.add.f32.msk $0xffff, v13  }
0x199: {  	vm8 =	vle.f32 v14, $1.000000010e-01;
	v7 =	vld [tilespmem:s6+$0x6000];
	v12 =	vadd.s32 v0, v12  }
0x19a: {  	v15 =	vmul.f32 $1.600000000e+01, v41;
	v44 =	vsub.f32 v35, v5;
	v45 =	vld [tilespmem:s6+$0x12000];
	v12 =	vsel vm8, v12, v2  }
0x19b: {  	[tilespmem:v9+s31+$0x0] =	vst.idx.add.f32.msk $0xffff, v3  }
0x19c: {  	v43 =	vmul.f32 v15, v15;
	v17 =	vsub.f32 v39, v6;
	v14 =	vmul.f32 $1.600000000e+01, v44;
	[tilespmem:v9+s4+$0x0] =	vst.idx.add.f32.msk $0xffff, v11  }
0x19d: {  	vm9 =	vle.f32 v4, $1.000000010e-01;
	v11 =	vld [tilespmem:s8+$0x6000]  }
0x19e: {  	v46 =	vmin.f32 v43, $2.550000000e+02;
	v48 =	vmul.f32 $1.600000000e+01, v17;
	v14 =	vmul.f32 v14, v14;
	v49 =	vld [tilespmem:s8+$0x12000]  }
0x19f: {  	v47 =	vtrunc.f32 v46;
	vm10 =	vle.f32 v5, $1.000000010e-01;
	vm11 =	vle.f32 v6, $1.000000010e-01;
	[tilespmem:v12+s31+$0x0] =	vst.idx.add.f32.msk $0xffff, v3  }
0x1a0: {  	v16 =	vmul.f32 v48, v48;
	v4 =	vmin.f32 v14, $2.550000000e+02;
	v18 =	vsub.f32 v42, v8;
	[tilespmem:v12+s4+$0x0] =	vst.idx.add.f32.msk $0xffff, v10  }
0x1a1: {  	v4 =	vtrunc.f32 v4;
	v9 =	vcvt.f32.s32 v47;
	v15 =	vsub.f32 v45, v7;
	v12 =	vld [tilespmem:s30+$0x6000]  }
0x1a2: {  	v51 =	vmin.f32 v16, $2.550000000e+02;
	v4 =	vcvt.f32.s32 v4;
	v50 =	vmul.f32 $1.600000000e+01, v18;
	v52 =	vld [tilespmem:s30+$0x12000]  }
0x1a3: {  	v9 =	vadd.s32 v0, v9;
	v18 =	vtrunc.f32 v51;
	v15 =	vmul.f32 $1.600000000e+01, v15  }
0x1a4: {  	v4 =	vadd.s32 v0, v4;
	v17 =	vsub.f32 v49, v11;
	v10 =	vmul.f32 v50, v50  }
0x1a5: {  	v9 =	vsel vm9, v9, v2;
	v5 =	vcvt.f32.s32 v18;
	v15 =	vmul.f32 v15, v15  }
0x1a6: {  	v4 =	vsel vm10, v4, v2;
	v17 =	vmul.f32 $1.600000000e+01, v17;
	v53 =	vmin.f32 v10, $2.550000000e+02  }
0x1a7: {  	v56 =	vmin.f32 v15, $2.550000000e+02;
	v54 =	vtrunc.f32 v53;
	v55 =	vsub.f32 v52, v12  }
0x1a8: {  	vm12 =	vle.f32 v8, $1.000000010e-01;
	v17 =	vmul.f32 v17, v17;
	v57 =	vtrunc.f32 v56  }
0x1a9: {  	v5 =	vadd.s32 v0, v5;
	v6 =	vcvt.f32.s32 v54;
	v18 =	vmul.f32 $1.600000000e+01, v55  }
0x1aa: {  	vm13 =	vle.f32 v7, $1.000000010e-01;
	v5 =	vsel vm11, v5, v2;
	v8 =	vcvt.f32.s32 v57  }
0x1ab: {  	[tilespmem:v9+s0+$0x0] =	vst.idx.add.f32.msk $0xffff, v3;
	v58 =	vmin.f32 v17, $2.550000000e+02;
	v6 =	vadd.s32 v0, v6;
	v18 =	vmul.f32 v18, v18  }
0x1ac: {  	[tilespmem:v4+s0+$0x0] =	vst.idx.add.f32.msk $0xffff, v3;
	v59 =	vtrunc.f32 v58;
	v8 =	vadd.s32 v0, v8;
	v6 =	vsel vm12, v6, v2  }
0x1ad: {  	[tilespmem:v4+s22+$0x0] =	vst.idx.add.f32.msk $0xffff, v14;
	v7 =	vcvt.f32.s32 v59;
	v4 =	vsel vm13, v8, v2;
	v60 =	vmin.f32 v18, $2.550000000e+02  }
0x1ae: {  	[tilespmem:v9+s22+$0x0] =	vst.idx.add.f32.msk $0xffff, v43;
	v61 =	vtrunc.f32 v60  }
0x1af: {  	vm14 =	vle.f32 v11, $1.000000010e-01;
	[tilespmem:v5+s0+$0x0] =	vst.idx.add.f32.msk $0xffff, v3;
	v7 =	vadd.s32 v0, v7;
	v8 =	vcvt.f32.s32 v61  }
0x1b0: {  	[tilespmem:v5+s22+$0x0] =	vst.idx.add.f32.msk $0xffff, v16;
	v5 =	vsel vm14, v7, v2  }
0x1b1: {  	vm15 =	vle.f32 v12, $1.000000010e-01;
	[tilespmem:v6+s0+$0x0] =	vst.idx.add.f32.msk $0xffff, v3;
	v62 =	vadd.s32 v0, v8  }
0x1b2: {  	s10 =	sadd.s32 $0x1, s10;
	[tilespmem:v4+s0+$0x0] =	vst.idx.add.f32.msk $0xffff, v3;
	v63 =	vsel vm15, v62, v2  }
0x1b3: {  	p0 =	sne.s32 s10, $0x8;
	[tilespmem:v6+s22+$0x0] =	vst.idx.add.f32.msk $0xffff, v10  }
.Ltmp4:
0x1b4: {  	[tilespmem:v4+s22+$0x0] =	vst.idx.add.f32.msk $0xffff, v15;
	(pc) =	sbr.rel @p0 .LBB2_5-.Ltmp4, $4  }
0x1b5: {  	[tilespmem:v5+s0+$0x0] =	vst.idx.add.f32.msk $0xffff, v3  }
0x1b6: {  	[tilespmem:v5+s22+$0x0] =	vst.idx.add.f32.msk $0xffff, v17  }
0x1b7: {  	[tilespmem:v63+s0+$0x0] =	vst.idx.add.f32.msk $0xffff, v3  }
0x1b8: {  	[tilespmem:v63+s22+$0x0] =	vst.idx.add.f32.msk $0xffff, v18  }
0x1b9: {  	s1 =	rddreg [dreg:$0x16]  }
0x1ba: {  	s2 =	sshll.u32 s1, $0x6;
	p0 =	seq.s32 s1, $0x2;
	s1 =	rddreg [dreg:$0xe]  }
0x1bb: {  	s1 =	sadd.s32 @!p0 s2, s1  }
0x1bc: {  	s1 =	sshrl.u32 @!p0 s1, $0x3  }
0x1bd: {  	[dreg:$0x17] =	wrdreg s2;
	s1 =	smul.u32 @!p0 $0x180, s1  }
0x1be: {  	s2 =	rddreg [dreg:$0x0]  }
0x1bf: {  	s3 =	simm.s32 @!p0 $0x0;
	s2 =	sadd.s32 @!p0 s2, s1  }
0x1c0: {  	[tilespmem:s3], [sflag:$0x1] =	stream.linear.gather @!p0 [hbm4b:s2+s3], $0x3000, $0x38;
	[tilespmem:$0x1C600] =	vst v63  }
0x1c1: {  	s2 =	rddreg [dreg:$0x1]  }
0x1c2: {  	s5 =	simm.s32 @!p0 $0x6000;
	s2 =	sadd.s32 @!p0 s2, s1  }
0x1c3: {  	[tilespmem:s5], [sflag:$0x1] =	stream.linear.gather @!p0 [hbm4b:s2+s3], $0x3000, $0x38;
	[tilespmem:$0x1C600] =	vst v63  }
0x1c4: {  	s2 =	rddreg [dreg:$0x2]  }
0x1c5: {  	s5 =	simm.s32 @!p0 $0xC000;
	s2 =	sadd.s32 @!p0 s2, s1  }
0x1c6: {  	[tilespmem:s5], [sflag:$0x1] =	stream.linear.gather @!p0 [hbm4b:s2+s3], $0x3000, $0x38;
	[tilespmem:$0x1C600] =	vst v63  }
0x1c7: {  	s2 =	rddreg [dreg:$0x3]  }
0x1c8: {  	s30 =	simm.s32 $0x1;
	s1 =	sadd.s32 @!p0 s2, s1;
	s2 =	simm.s32 @!p0 $0x12000  }
0x1c9: {  	[tilespmem:s2], [sflag:$0x1] =	stream.linear.gather @!p0 [hbm4b:s1+s3], $0x3000, $0x38;
	[tilespmem:$0x1C600] =	vst v63  }
0x1ca: {  	_ =	swait.ge [sflag:s30], $0x3000  }
0x1cb: {  	[sflag:s30] =	ssyncset.done $0x0  }
0x1cc: {  	[sflag:s30] =	ssyncadd.s32 $0xFFFFD000  }
0x1cd: {  	_ =	swait.ge [sflag:s30], $0x3000  }
0x1ce: {  	[sflag:s30] =	ssyncset.done $0x0  }
0x1cf: {  	[sflag:s30] =	ssyncadd.s32 $0xFFFFD000  }
0x1d0: {  	_ =	swait.ge [sflag:s30], $0x3000  }
0x1d1: {  	[sflag:s30] =	ssyncset.done $0x0  }
0x1d2: {  	[sflag:s30] =	ssyncadd.s32 $0xFFFFD000  }
0x1d3: {  	_ =	swait.ge [sflag:s30], $0x3000  }
0x1d4: {  	[sflag:s30] =	ssyncset.done $0x0  }
0x1d5: {  	s12 =	simm.s32 $0x0;
	[sflag:s30] =	ssyncadd.s32 $0xFFFFD000  }
.LBB2_9:
0x1d6: {  	s1 =	sshrl.u32 s12, $0x1  }
0x1d7: {  	s13 =	sshll.u32 s12, $0x9;
	s1 =	smul.u32 $0xC00, s1  }
0x1d8: {  	s2 =	simm.s32 $0x0;
	s14 =	simm.s32 $0x0;
	s28 =	sand.u32 $0x200, s13  }
0x1d9: {  	s3 =	sand.u32 $0x70, s2;
	s26 =	sadd.s32 $0x3000, s1;
	s1 =	sand.u32 $0xC00, s14  }
0x1da: {  	s15 =	sor.u32 s28, s3;
	s2 =	sadd.s32 s1, s26  }
0x1db: {  	s1 =	sor.u32 s2, s15  }
0x1dc: {  	v4 =	vld [tilespmem:s1+$0x0]  }
0x1dd: {  	v5 =	vld [tilespmem:s1+$0xC000];
	_ =	sdelay $0x4  }
0x1de: {  	v5 =	vsub.f32 v5, v4;
	_ =	sdelay $0x1  }
0x1df: {  	v5 =	vmul.f32 $1.600000000e+01, v5;
	_ =	sdelay $0x1  }
0x1e0: {  	v5 =	vmul.f32 v5, v5;
	_ =	sdelay $0x1  }
0x1e1: {  	v6 =	vmin.f32 v5, $2.550000000e+02  }
0x1e2: {  	v6 =	vtrunc.f32 v6  }
0x1e3: {  	v6 =	vcvt.f32.s32 v6;
	_ =	sdelay $0x1  }
0x1e4: {  	vm0 =	vle.f32 v4, $1.000000010e-01;
	v4 =	vadd.s32 v0, v6  }
0x1e5: {  	v4 =	vsel vm0, v4, v2;
	_ =	sdelay $0x4  }
0x1e6: {  	[tilespmem:v4+s31+$0x0] =	vst.idx.add.f32.msk $0xffff, v3  }
0x1e7: {  	[tilespmem:v4+s4+$0x0] =	vst.idx.add.f32.msk $0xffff, v5  }
0x1e8: {  	v4 =	vld [tilespmem:s1+$0x6000]  }
0x1e9: {  	s5 =	simm.s32 $0x10;
	s6 =	simm.s32 $0x80;
	v5 =	vld [tilespmem:s1+$0x12000]  }
0x1ea: {  	s13 =	sand.u32 $0x70, s5;
	s16 =	sand.u32 $0xC00, s6  }
0x1eb: {  	s17 =	sor.u32 s28, s13;
	s14 =	sadd.s32 s16, s26  }
0x1ec: {  	s18 =	sor.u32 s14, s17  }
0x1ed: {  	v7 =	vld [tilespmem:s18+$0xC000]  }
0x1ee: {  	v6 =	vld [tilespmem:s18+$0x0];
	v5 =	vsub.f32 v5, v4;
	_ =	sdelay $0x1  }
0x1ef: {  	v5 =	vmul.f32 $1.600000000e+01, v5;
	_ =	sdelay $0x1  }
0x1f0: {  	v5 =	vmul.f32 v5, v5  }
0x1f1: {  	v7 =	vsub.f32 v7, v6  }
0x1f2: {  	v8 =	vmin.f32 v5, $2.550000000e+02  }
0x1f3: {  	v7 =	vmul.f32 $1.600000000e+01, v7;
	v8 =	vtrunc.f32 v8  }
0x1f4: {  	v8 =	vcvt.f32.s32 v8  }
0x1f5: {  	v7 =	vmul.f32 v7, v7  }
0x1f6: {  	vm0 =	vle.f32 v4, $1.000000010e-01;
	v4 =	vadd.s32 v0, v8  }
0x1f7: {  	v8 =	vmin.f32 v7, $2.550000000e+02;
	v4 =	vsel vm0, v4, v2  }
0x1f8: {  	v8 =	vtrunc.f32 v8  }
0x1f9: {  	v8 =	vcvt.f32.s32 v8;
	_ =	sdelay $0x1  }
0x1fa: {  	s1 =	sor.u32 $0x80, s28;
	vm0 =	vle.f32 v6, $1.000000010e-01;
	v6 =	vadd.s32 v0, v8  }
0x1fb: {  	s19 =	sor.u32 s1, s3;
	v6 =	vsel vm0, v6, v2;
	[tilespmem:v4+s0+$0x0] =	vst.idx.add.f32.msk $0xffff, v3  }
0x1fc: {  	s6 =	sor.u32 s2, s19;
	[tilespmem:v4+s22+$0x0] =	vst.idx.add.f32.msk $0xffff, v5  }
0x1fd: {  	v4 =	vld [tilespmem:s6+$0x0]  }
0x1fe: {  	v5 =	vld [tilespmem:s6+$0xC000];
	_ =	sdelay $0x1  }
0x1ff: {  	[tilespmem:v6+s31+$0x0] =	vst.idx.add.f32.msk $0xffff, v3  }
0x200: {  	[tilespmem:v6+s4+$0x0] =	vst.idx.add.f32.msk $0xffff, v7  }
0x201: {  	v6 =	vld [tilespmem:s18+$0x6000]  }
0x202: {  	v7 =	vld [tilespmem:s18+$0x12000];
	v5 =	vsub.f32 v5, v4;
	_ =	sdelay $0x1  }
0x203: {  	v5 =	vmul.f32 $1.600000000e+01, v5;
	_ =	sdelay $0x1  }
0x204: {  	v5 =	vmul.f32 v5, v5  }
0x205: {  	s20 =	simm.s32 $0x20;
	s7 =	simm.s32 $0x100;
	v7 =	vsub.f32 v7, v6  }
0x206: {  	s21 =	sand.u32 $0xC00, s7;
	s17 =	sand.u32 $0x70, s20;
	v8 =	vmin.f32 v5, $2.550000000e+02  }
0x207: {  	s23 =	sor.u32 s28, s17;
	s18 =	sadd.s32 s21, s26;
	v7 =	vmul.f32 $1.600000000e+01, v7;
	v8 =	vtrunc.f32 v8  }
0x208: {  	s5 =	sor.u32 s18, s23;
	v8 =	vcvt.f32.s32 v8  }
0x209: {  	v9 =	vld [tilespmem:s5+$0x0];
	v7 =	vmul.f32 v7, v7  }
0x20a: {  	vm0 =	vle.f32 v4, $1.000000010e-01;
	v10 =	vld [tilespmem:s5+$0xC000];
	v4 =	vadd.s32 v0, v8  }
0x20b: {  	v8 =	vmin.f32 v7, $2.550000000e+02;
	v4 =	vsel vm0, v4, v2  }
0x20c: {  	v8 =	vtrunc.f32 v8  }
0x20d: {  	v8 =	vcvt.f32.s32 v8;
	_ =	sdelay $0x1  }
0x20e: {  	v10 =	vsub.f32 v10, v9;
	vm0 =	vle.f32 v6, $1.000000010e-01;
	v6 =	vadd.s32 v0, v8  }
0x20f: {  	v6 =	vsel vm0, v6, v2;
	[tilespmem:v4+s31+$0x0] =	vst.idx.add.f32.msk $0xffff, v3  }
0x210: {  	v8 =	vmul.f32 $1.600000000e+01, v10;
	[tilespmem:v4+s4+$0x0] =	vst.idx.add.f32.msk $0xffff, v5  }
0x211: {  	v4 =	vld [tilespmem:s6+$0x6000]  }
0x212: {  	v5 =	vmul.f32 v8, v8;
	v8 =	vld [tilespmem:s6+$0x12000];
	_ =	sdelay $0x1  }
0x213: {  	s24 =	sor.u32 s1, s13;
	v10 =	vmin.f32 v5, $2.550000000e+02;
	[tilespmem:v6+s0+$0x0] =	vst.idx.add.f32.msk $0xffff, v3  }
0x214: {  	s8 =	sor.u32 s14, s24;
	v10 =	vtrunc.f32 v10;
	[tilespmem:v6+s22+$0x0] =	vst.idx.add.f32.msk $0xffff, v7  }
0x215: {  	v6 =	vcvt.f32.s32 v10;
	v7 =	vld [tilespmem:s8+$0x0]  }
0x216: {  	v10 =	vld [tilespmem:s8+$0xC000];
	v8 =	vsub.f32 v8, v4  }
0x217: {  	vm0 =	vle.f32 v9, $1.000000010e-01;
	v6 =	vadd.s32 v0, v6  }
0x218: {  	v6 =	vsel vm0, v6, v2;
	v8 =	vmul.f32 $1.600000000e+01, v8;
	_ =	sdelay $0x1  }
0x219: {  	v8 =	vmul.f32 v8, v8  }
0x21a: {  	v9 =	vsub.f32 v10, v7  }
0x21b: {  	v10 =	vmin.f32 v8, $2.550000000e+02  }
0x21c: {  	[tilespmem:v6+s31+$0x0] =	vst.idx.add.f32.msk $0xffff, v3;
	v9 =	vmul.f32 $1.600000000e+01, v9;
	v10 =	vtrunc.f32 v10  }
0x21d: {  	[tilespmem:v6+s4+$0x0] =	vst.idx.add.f32.msk $0xffff, v5;
	v5 =	vcvt.f32.s32 v10  }
0x21e: {  	s25 =	simm.s32 $0x30;
	s30 =	simm.s32 $0x180;
	v6 =	vld [tilespmem:s5+$0x6000];
	v9 =	vmul.f32 v9, v9  }
0x21f: {  	s9 =	sand.u32 $0xC00, s30;
	s20 =	sand.u32 $0x70, s25;
	vm0 =	vle.f32 v4, $1.000000010e-01;
	v10 =	vld [tilespmem:s5+$0x12000];
	v4 =	vadd.s32 v0, v5  }
0x220: {  	s10 =	sor.u32 s28, s20;
	s19 =	sadd.s32 s9, s26;
	v5 =	vmin.f32 v9, $2.550000000e+02;
	v4 =	vsel vm0, v4, v2  }
0x221: {  	s11 =	sor.u32 s19, s10;
	v5 =	vtrunc.f32 v5  }
0x222: {  	v11 =	vld [tilespmem:s11+$0x0];
	v5 =	vcvt.f32.s32 v5  }
0x223: {  	v12 =	vld [tilespmem:s11+$0xC000]  }
0x224: {  	s25 =	sor.u32 $0x100, s28;
	vm0 =	vle.f32 v7, $1.000000010e-01;
	v10 =	vsub.f32 v10, v6;
	v5 =	vadd.s32 v0, v5  }
0x225: {  	s15 =	sor.u32 s25, s3;
	v5 =	vsel vm0, v5, v2;
	[tilespmem:v4+s0+$0x0] =	vst.idx.add.f32.msk $0xffff, v3  }
0x226: {  	s16 =	sor.u32 s2, s15;
	v7 =	vmul.f32 $1.600000000e+01, v10;
	[tilespmem:v4+s22+$0x0] =	vst.idx.add.f32.msk $0xffff, v8  }
0x227: {  	v4 =	vld [tilespmem:s16+$0x0]  }
0x228: {  	v8 =	vsub.f32 v12, v11;
	v7 =	vmul.f32 v7, v7;
	v10 =	vld [tilespmem:s16+$0xC000];
	_ =	sdelay $0x1  }
0x229: {  	v8 =	vmul.f32 $1.600000000e+01, v8;
	v12 =	vmin.f32 v7, $2.550000000e+02;
	[tilespmem:v5+s31+$0x0] =	vst.idx.add.f32.msk $0xffff, v3  }
0x22a: {  	v12 =	vtrunc.f32 v12;
	[tilespmem:v5+s4+$0x0] =	vst.idx.add.f32.msk $0xffff, v9  }
0x22b: {  	v5 =	vmul.f32 v8, v8;
	v8 =	vcvt.f32.s32 v12;
	v9 =	vld [tilespmem:s8+$0x6000]  }
0x22c: {  	v12 =	vld [tilespmem:s8+$0x12000];
	v10 =	vsub.f32 v10, v4  }
0x22d: {  	s24 =	simm.s32 $0x200;
	s23 =	simm.s32 $0x40;
	vm0 =	vle.f32 v6, $1.000000010e-01;
	v13 =	vmin.f32 v5, $2.550000000e+02;
	v6 =	vadd.s32 v0, v8  }
0x22e: {  	s30 =	sand.u32 $0xC00, s24;
	s21 =	sand.u32 $0x70, s23;
	v8 =	vtrunc.f32 v13;
	v6 =	vsel vm0, v6, v2;
	v10 =	vmul.f32 $1.600000000e+01, v10  }
0x22f: {  	s23 =	sadd.s32 s30, s26;
	s8 =	sor.u32 s28, s21;
	v8 =	vcvt.f32.s32 v8  }
0x230: {  	s5 =	sor.u32 s23, s8;
	v10 =	vmul.f32 v10, v10  }
0x231: {  	vm0 =	vle.f32 v11, $1.000000010e-01;
	v11 =	vld [tilespmem:s5+$0x0];
	v8 =	vadd.s32 v0, v8;
	v12 =	vsub.f32 v12, v9  }
0x232: {  	v13 =	vld [tilespmem:s5+$0xC000];
	v8 =	vsel vm0, v8, v2;
	v14 =	vmin.f32 v10, $2.550000000e+02  }
0x233: {  	s9 =	sor.u32 s1, s17;
	[tilespmem:v6+s0+$0x0] =	vst.idx.add.f32.msk $0xffff, v3;
	v12 =	vmul.f32 $1.600000000e+01, v12;
	v14 =	vtrunc.f32 v14  }
0x234: {  	s8 =	sor.u32 s18, s9;
	[tilespmem:v6+s22+$0x0] =	vst.idx.add.f32.msk $0xffff, v7;
	v6 =	vcvt.f32.s32 v14  }
0x235: {  	v7 =	vld [tilespmem:s8+$0x0];
	v12 =	vmul.f32 v12, v12  }
0x236: {  	vm0 =	vle.f32 v4, $1.000000010e-01;
	v14 =	vld [tilespmem:s8+$0xC000];
	v4 =	vadd.s32 v0, v6  }
0x237: {  	[tilespmem:v8+s31+$0x0] =	vst.idx.add.f32.msk $0xffff, v3;
	v6 =	vmin.f32 v12, $2.550000000e+02;
	v4 =	vsel vm0, v4, v2  }
0x238: {  	[tilespmem:v8+s4+$0x0] =	vst.idx.add.f32.msk $0xffff, v5;
	v5 =	vsub.f32 v13, v11;
	v6 =	vtrunc.f32 v6  }
0x239: {  	v8 =	vld [tilespmem:s11+$0x6000];
	v6 =	vcvt.f32.s32 v6  }
0x23a: {  	v13 =	vld [tilespmem:s11+$0x12000];
	v5 =	vmul.f32 $1.600000000e+01, v5  }
0x23b: {  	vm0 =	vle.f32 v9, $1.000000010e-01;
	v14 =	vsub.f32 v14, v7;
	v6 =	vadd.s32 v0, v6  }
0x23c: {  	v5 =	vmul.f32 v5, v5;
	v6 =	vsel vm0, v6, v2;
	[tilespmem:v4+s31+$0x0] =	vst.idx.add.f32.msk $0xffff, v3  }
0x23d: {  	v9 =	vmul.f32 $1.600000000e+01, v14;
	[tilespmem:v4+s4+$0x0] =	vst.idx.add.f32.msk $0xffff, v10  }
0x23e: {  	v4 =	vmin.f32 v5, $2.550000000e+02;
	v10 =	vld [tilespmem:s16+$0x6000]  }
0x23f: {  	v13 =	vsub.f32 v13, v8;
	v9 =	vmul.f32 v9, v9;
	v4 =	vtrunc.f32 v4;
	v14 =	vld [tilespmem:s16+$0x12000]  }
0x240: {  	v4 =	vcvt.f32.s32 v4  }
0x241: {  	s10 =	sor.u32 s25, s13;
	v13 =	vmul.f32 $1.600000000e+01, v13;
	v15 =	vmin.f32 v9, $2.550000000e+02;
	[tilespmem:v6+s0+$0x0] =	vst.idx.add.f32.msk $0xffff, v3  }
0x242: {  	s6 =	sor.u32 s14, s10;
	s9 =	simm.s32 $0x280;
	s11 =	simm.s32 $0x50;
	vm0 =	vle.f32 v11, $1.000000010e-01;
	v11 =	vtrunc.f32 v15;
	v4 =	vadd.s32 v0, v4;
	[tilespmem:v6+s22+$0x0] =	vst.idx.add.f32.msk $0xffff, v12  }
0x243: {  	s15 =	sand.u32 $0xC00, s9;
	s24 =	sand.u32 $0x70, s11;
	v6 =	vmul.f32 v13, v13;
	v11 =	vcvt.f32.s32 v11;
	v4 =	vsel vm0, v4, v2;
	v12 =	vld [tilespmem:s6+$0x0]  }
0x244: {  	s7 =	sadd.s32 s15, s26;
	s16 =	sor.u32 s28, s24;
	v13 =	vsub.f32 v14, v10;
	v14 =	vld [tilespmem:s6+$0xC000]  }
0x245: {  	s9 =	sor.u32 s7, s16;
	vm0 =	vle.f32 v7, $1.000000010e-01;
	v15 =	vmin.f32 v6, $2.550000000e+02;
	v7 =	vadd.s32 v0, v11  }
0x246: {  	v16 =	vld [tilespmem:s9+$0xC000];
	v15 =	vtrunc.f32 v15;
	v7 =	vsel vm0, v7, v2;
	v13 =	vmul.f32 $1.600000000e+01, v13  }
0x247: {  	v11 =	vld [tilespmem:s9+$0x0];
	v15 =	vcvt.f32.s32 v15  }
0x248: {  	[tilespmem:v4+s31+$0x0] =	vst.idx.add.f32.msk $0xffff, v3;
	v13 =	vmul.f32 v13, v13  }
0x249: {  	vm0 =	vle.f32 v8, $1.000000010e-01;
	v8 =	vadd.s32 v0, v15;
	[tilespmem:v4+s4+$0x0] =	vst.idx.add.f32.msk $0xffff, v5;
	v4 =	vsub.f32 v14, v12  }
0x24a: {  	v5 =	vsel vm0, v8, v2;
	v14 =	vld [tilespmem:s5+$0x6000];
	v8 =	vmin.f32 v13, $2.550000000e+02  }
0x24b: {  	[tilespmem:v7+s31+$0x0] =	vst.idx.add.f32.msk $0xffff, v3;
	v8 =	vtrunc.f32 v8;
	v4 =	vmul.f32 $1.600000000e+01, v4  }
0x24c: {  	[tilespmem:v7+s4+$0x0] =	vst.idx.add.f32.msk $0xffff, v9;
	v7 =	vcvt.f32.s32 v8  }
0x24d: {  	v9 =	vld [tilespmem:s8+$0x6000];
	v4 =	vmul.f32 v4, v4  }
0x24e: {  	vm0 =	vle.f32 v10, $1.000000010e-01;
	v8 =	vsub.f32 v16, v11;
	v15 =	vld [tilespmem:s8+$0x12000];
	v7 =	vadd.s32 v0, v7  }
0x24f: {  	s30 =	sor.u32 s1, s20;
	[tilespmem:v5+s0+$0x0] =	vst.idx.add.f32.msk $0xffff, v3;
	v7 =	vsel vm0, v7, v2;
	v10 =	vmin.f32 v4, $2.550000000e+02  }
0x250: {  	s10 =	sor.u32 s19, s30;
	v8 =	vmul.f32 $1.600000000e+01, v8;
	[tilespmem:v5+s22+$0x0] =	vst.idx.add.f32.msk $0xffff, v6;
	v5 =	vtrunc.f32 v10  }
0x251: {  	v6 =	vld [tilespmem:s10+$0x0];
	v5 =	vcvt.f32.s32 v5  }
0x252: {  	v10 =	vmul.f32 v8, v8;
	v8 =	vld [tilespmem:s10+$0xC000]  }
0x253: {  	s8 =	sor.u32 $0x180, s28;
	v16 =	vld [tilespmem:s5+$0x12000];
	vm0 =	vle.f32 v12, $1.000000010e-01;
	v15 =	vsub.f32 v15, v9;
	v5 =	vadd.s32 v0, v5  }
0x254: {  	s3 =	sor.u32 s8, s3;
	[tilespmem:v7+s0+$0x0] =	vst.idx.add.f32.msk $0xffff, v3;
	v5 =	vsel vm0, v5, v2  }
0x255: {  	s16 =	sor.u32 s2, s3;
	v12 =	vmin.f32 v10, $2.550000000e+02;
	v15 =	vmul.f32 $1.600000000e+01, v15;
	[tilespmem:v7+s22+$0x0] =	vst.idx.add.f32.msk $0xffff, v13  }
0x256: {  	v7 =	vtrunc.f32 v12;
	v12 =	vld [tilespmem:s16+$0x0]  }
0x257: {  	v13 =	vmul.f32 v15, v15;
	v8 =	vsub.f32 v8, v6;
	v7 =	vcvt.f32.s32 v7;
	v15 =	vld [tilespmem:s16+$0xC000]  }
0x258: {  	v16 =	vsub.f32 v16, v14;
	vm0 =	vle.f32 v11, $1.000000010e-01  }
0x259: {  	s15 =	simm.s32 $0x300;
	s5 =	simm.s32 $0x60;
	v11 =	vmin.f32 v13, $2.550000000e+02;
	v8 =	vmul.f32 $1.600000000e+01, v8;
	v7 =	vadd.s32 v0, v7;
	[tilespmem:v5+s31+$0x0] =	vst.idx.add.f32.msk $0xffff, v3  }
0x25a: {  	s29 =	sand.u32 $0x70, s5;
	s3 =	sand.u32 $0xC00, s15;
	v16 =	vmul.f32 $1.600000000e+01, v16;
	v17 =	vsel vm0, v7, v2;
	v7 =	vtrunc.f32 v11;
	[tilespmem:v5+s4+$0x0] =	vst.idx.add.f32.msk $0xffff, v4  }
0x25b: {  	s11 =	sor.u32 s28, s29;
	s2 =	sadd.s32 s3, s26;
	v11 =	vmul.f32 v8, v8;
	v4 =	vcvt.f32.s32 v7;
	v18 =	vld [tilespmem:s6+$0x6000]  }
0x25c: {  	vm0 =	vle.f32 v9, $1.000000010e-01;
	v5 =	vld [tilespmem:s6+$0x12000];
	s6 =	sor.u32 s2, s11;
	v15 =	vsub.f32 v15, v12  }
0x25d: {  	v7 =	vmul.f32 v16, v16;
	v9 =	vmin.f32 v11, $2.550000000e+02;
	v8 =	vld [tilespmem:s6+$0x0];
	v4 =	vadd.s32 v0, v4  }
0x25e: {  	v16 =	vld [tilespmem:s6+$0xC000];
	v9 =	vtrunc.f32 v9;
	v4 =	vsel vm0, v4, v2;
	v15 =	vmul.f32 $1.600000000e+01, v15  }
0x25f: {  	v9 =	vcvt.f32.s32 v9;
	[tilespmem:v17+s31+$0x0] =	vst.idx.add.f32.msk $0xffff, v3  }
0x260: {  	v19 =	vmin.f32 v7, $2.550000000e+02;
	[tilespmem:v17+s4+$0x0] =	vst.idx.add.f32.msk $0xffff, v10;
	v20 =	vmul.f32 v15, v15  }
0x261: {  	vm0 =	vle.f32 v6, $1.000000010e-01;
	v15 =	vtrunc.f32 v19;
	v6 =	vadd.s32 v0, v9;
	v10 =	vld [tilespmem:s9+$0x6000]  }
0x262: {  	v9 =	vcvt.f32.s32 v15;
	v19 =	vld [tilespmem:s9+$0x12000];
	v15 =	vsel vm0, v6, v2;
	v6 =	vmin.f32 v20, $2.550000000e+02  }
0x263: {  	s30 =	sor.u32 s25, s17;
	vm0 =	vle.f32 v14, $1.000000010e-01;
	[tilespmem:v4+s0+$0x0] =	vst.idx.add.f32.msk $0xffff, v3;
	v6 =	vtrunc.f32 v6  }
0x264: {  	s3 =	sor.u32 s18, s30;
	v9 =	vadd.s32 v0, v9;
	[tilespmem:v4+s22+$0x0] =	vst.idx.add.f32.msk $0xffff, v13;
	v4 =	vsub.f32 v5, v18;
	v5 =	vcvt.f32.s32 v6  }
0x265: {  	v13 =	vsel vm0, v9, v2;
	v6 =	vld [tilespmem:s3+$0x0]  }
0x266: {  	vm0 =	vle.f32 v12, $1.000000010e-01;
	v12 =	vld [tilespmem:s3+$0xC000];
	v4 =	vmul.f32 $1.600000000e+01, v4;
	v5 =	vadd.s32 v0, v5  }
0x267: {  	v9 =	vsub.f32 v16, v8;
	[tilespmem:v15+s31+$0x0] =	vst.idx.add.f32.msk $0xffff, v3;
	v21 =	vsel vm0, v5, v2  }
0x268: {  	[tilespmem:v15+s4+$0x0] =	vst.idx.add.f32.msk $0xffff, v11;
	v5 =	vmul.f32 v4, v4  }
0x269: {  	v16 =	vmul.f32 $1.600000000e+01, v9;
	v9 =	vld [tilespmem:s10+$0x6000]  }
0x26a: {  	v14 =	vld [tilespmem:s10+$0x12000];
	v4 =	vmin.f32 v5, $2.550000000e+02  }
0x26b: {  	v15 =	vmul.f32 v16, v16;
	[tilespmem:v13+s0+$0x0] =	vst.idx.add.f32.msk $0xffff, v3;
	v4 =	vtrunc.f32 v4  }
0x26c: {  	v12 =	vsub.f32 v12, v6;
	v4 =	vcvt.f32.s32 v4;
	[tilespmem:v21+s31+$0x0] =	vst.idx.add.f32.msk $0xffff, v3  }
0x26d: {  	vm0 =	vle.f32 v18, $1.000000010e-01;
	v16 =	vsub.f32 v19, v10;
	v11 =	vmin.f32 v15, $2.550000000e+02;
	[tilespmem:v21+s4+$0x0] =	vst.idx.add.f32.msk $0xffff, v20  }
0x26e: {  	v17 =	vtrunc.f32 v11;
	v12 =	vmul.f32 $1.600000000e+01, v12;
	v11 =	vadd.s32 v0, v4;
	v4 =	vld [tilespmem:s16+$0x6000]  }
.LBB2_10:
0x26f: {  	s5 =	sadd.s32 $0x10, s5;
	v17 =	vcvt.f32.s32 v17;
	s15 =	sadd.s32 $0x80, s15;
	s9 =	sor.u32 s1, s21;
	v11 =	vsel vm0, v11, v2;
	v18 =	vld [tilespmem:s16+$0x12000]  }
0x270: {  	v16 =	vmul.f32 $1.600000000e+01, v16;
	s30 =	sand.u32 $0x70, s5;
	s10 =	sand.u32 $0xC00, s15;
	[tilespmem:v13+s22+$0x0] =	vst.idx.add.f32.msk $0xffff, v7;
	s9 =	sor.u32 s23, s9;
	v12 =	vmul.f32 v12, v12  }
0x271: {  	vm0 =	vle.f32 v8, $1.000000010e-01;
	v13 =	vsub.f32 v14, v9;
	s11 =	sadd.s32 s10, s26;
	s10 =	sor.u32 s28, s30;
	v19 =	vld [tilespmem:s9+$0x0]  }
0x272: {  	p1 =	slt.u32 s5, $0x170;
	v14 =	vadd.s32 v0, v17;
	v7 =	vmul.f32 v16, v16;
	s10 =	sor.u32 s11, s10;
	v16 =	vld [tilespmem:s9+$0xC000];
	v17 =	vmin.f32 v12, $2.550000000e+02  }
0x273: {  	v14 =	vsel vm0, v14, v2;
	v13 =	vmul.f32 $1.600000000e+01, v13;
	v8 =	vld [tilespmem:s10+$0x0];
	v17 =	vtrunc.f32 v17  }
0x274: {  	s16 =	sor.u32 s8, s13;
	s13 =	smov.u32 s17;
	s17 =	smov.u32 s20;
	v20 =	vmin.f32 v7, $2.550000000e+02;
	v17 =	vcvt.f32.s32 v17;
	[tilespmem:v11+s0+$0x0] =	vst.idx.add.f32.msk $0xffff, v3;
	v18 =	vsub.f32 v18, v4  }
0x275: {  	s20 =	smov.u32 s21;
	s21 =	smov.u32 s24;
	s16 =	sor.u32 s14, s16;
	v20 =	vtrunc.f32 v20;
	v21 =	vmul.f32 v13, v13;
	[tilespmem:v11+s22+$0x0] =	vst.idx.add.f32.msk $0xffff, v5  }
0x276: {  	s24 =	smov.u32 s29;
	s14 =	smov.u32 s18;
	s29 =	smov.u32 s30;
	vm0 =	vle.f32 v6, $1.000000010e-01;
	v5 =	vadd.s32 v0, v17;
	v11 =	vld [tilespmem:s16+$0x0];
	v6 =	vmul.f32 $1.600000000e+01, v18  }
0x277: {  	s18 =	smov.u32 s19;
	s19 =	smov.u32 s23;
	s23 =	smov.u32 s7;
	v13 =	vcvt.f32.s32 v20;
	v16 =	vsub.f32 v16, v19;
	v5 =	vsel vm0, v5, v2;
	v17 =	vld [tilespmem:s16+$0xC000]  }
0x278: {  	s7 =	smov.u32 s2;
	s2 =	smov.u32 s11;
	vm0 =	vle.f32 v10, $1.000000010e-01;
	v10 =	vmin.f32 v21, $2.550000000e+02;
	v18 =	vld [tilespmem:s10+$0xC000];
	v6 =	vmul.f32 v6, v6  }
0x279: {  	v13 =	vadd.s32 v0, v13;
	v10 =	vtrunc.f32 v10;
	[tilespmem:v14+s31+$0x0] =	vst.idx.add.f32.msk $0xffff, v3;
	v16 =	vmul.f32 $1.600000000e+01, v16  }
0x27a: {  	v13 =	vsel vm0, v13, v2;
	[tilespmem:v14+s4+$0x0] =	vst.idx.add.f32.msk $0xffff, v15;
	v14 =	vcvt.f32.s32 v10;
	v15 =	vmin.f32 v6, $2.550000000e+02  }
0x27b: {  	vm0 =	vle.f32 v9, $1.000000010e-01;
	v10 =	vld [tilespmem:s6+$0x6000];
	v16 =	vmul.f32 v16, v16;
	v9 =	vtrunc.f32 v15  }
0x27c: {  	v14 =	vadd.s32 v0, v14;
	[tilespmem:v5+s31+$0x0] =	vst.idx.add.f32.msk $0xffff, v3;
	v15 =	vsub.f32 v17, v11;
	v9 =	vcvt.f32.s32 v9  }
0x27d: {  	v17 =	vmin.f32 v16, $2.550000000e+02;
	v14 =	vsel vm0, v14, v2;
	[tilespmem:v5+s4+$0x0] =	vst.idx.add.f32.msk $0xffff, v12  }
0x27e: {  	vm0 =	vle.f32 v4, $1.000000010e-01;
	v20 =	vld [tilespmem:s3+$0x6000];
	v5 =	vmul.f32 $1.600000000e+01, v15;
	v4 =	vadd.s32 v0, v9  }
0x27f: {  	v9 =	vtrunc.f32 v17;
	v12 =	vld [tilespmem:s3+$0x12000];
	v4 =	vsel vm0, v4, v2  }
0x280: {  	v9 =	vcvt.f32.s32 v9;
	v22 =	vld [tilespmem:s6+$0x12000];
	v23 =	vmul.f32 v5, v5;
	s6 =	smov.u32 s10  }
0x281: {  	[tilespmem:v13+s0+$0x0] =	vst.idx.add.f32.msk $0xffff, v3  }
0x282: {  	vm0 =	vle.f32 v19, $1.000000010e-01;
	v5 =	vadd.s32 v0, v9;
	[tilespmem:v14+s0+$0x0] =	vst.idx.add.f32.msk $0xffff, v3;
	v9 =	vmin.f32 v23, $2.550000000e+02  }
0x283: {  	v15 =	vsel vm0, v5, v2;
	[tilespmem:v14+s22+$0x0] =	vst.idx.add.f32.msk $0xffff, v21;
	v5 =	vtrunc.f32 v9  }
0x284: {  	s3 =	sor.u32 s25, s17;
	v9 =	vsub.f32 v12, v20;
	v5 =	vcvt.f32.s32 v5;
	[tilespmem:v4+s0+$0x0] =	vst.idx.add.f32.msk $0xffff, v3  }
0x285: {  	s3 =	sor.u32 s18, s3;
	v12 =	vsub.f32 v18, v8;
	[tilespmem:v4+s22+$0x0] =	vst.idx.add.f32.msk $0xffff, v6  }
0x286: {  	vm0 =	vle.f32 v11, $1.000000010e-01;
	v6 =	vld [tilespmem:s3+$0x0];
	v4 =	vmul.f32 $1.600000000e+01, v9;
	v5 =	vadd.s32 v0, v5  }
0x287: {  	v11 =	vld [tilespmem:s3+$0xC000];
	v18 =	vsel vm0, v5, v2  }
0x288: {  	v9 =	vmul.f32 $1.600000000e+01, v12;
	[tilespmem:v15+s31+$0x0] =	vst.idx.add.f32.msk $0xffff, v3;
	v5 =	vmul.f32 v4, v4  }
0x289: {  	[tilespmem:v15+s4+$0x0] =	vst.idx.add.f32.msk $0xffff, v16  }
.Ltmp5:
0x28a: {  	v15 =	vmul.f32 v9, v9;
	v9 =	vld [tilespmem:s9+$0x6000];
	v4 =	vmin.f32 v5, $2.550000000e+02;
	(pc) =	sbr.rel @p1 .LBB2_10-.Ltmp5, $4  }
0x28b: {  	v14 =	vld [tilespmem:s9+$0x12000];
	v4 =	vtrunc.f32 v4  }
0x28c: {  	v12 =	vmin.f32 v15, $2.550000000e+02;
	v11 =	vsub.f32 v11, v6;
	v4 =	vcvt.f32.s32 v4;
	[tilespmem:v18+s31+$0x0] =	vst.idx.add.f32.msk $0xffff, v3  }
0x28d: {  	v16 =	vsub.f32 v22, v10;
	v17 =	vtrunc.f32 v12;
	[tilespmem:v18+s4+$0x0] =	vst.idx.add.f32.msk $0xffff, v23  }
0x28e: {  	vm0 =	vle.f32 v20, $1.000000010e-01;
	v12 =	vmul.f32 $1.600000000e+01, v11;
	v11 =	vadd.s32 v0, v4;
	v4 =	vld [tilespmem:s16+$0x6000]  }
0x28f: {  	v17 =	vcvt.f32.s32 v17;
	_ =	sdelay $0x1  }
0x290: {  	vm1 =	vle.f32 v8, $1.000000010e-01;
	v52 =	vadd.s32 v0, v17  }
0x291: {  	v8 =	vsel vm1, v52, v2;
	_ =	sdelay $0x4  }
0x292: {  	[tilespmem:v8+s31+$0x0] =	vst.idx.add.f32.msk $0xffff, v3  }
0x293: {  	[tilespmem:v8+s4+$0x0] =	vst.idx.add.f32.msk $0xffff, v15  }
0x294: {  	v8 =	vld [tilespmem:s6+$0x6000]  }
0x295: {  	v15 =	vld [tilespmem:s6+$0x12000];
	_ =	sdelay $0x2  }
0x296: {  	v16 =	vmul.f32 $1.600000000e+01, v16;
	_ =	sdelay $0x1  }
0x297: {  	v16 =	vmul.f32 v16, v16;
	v15 =	vsub.f32 v15, v8;
	_ =	sdelay $0x1  }
0x298: {  	v53 =	vmin.f32 v16, $2.550000000e+02;
	v15 =	vmul.f32 $1.600000000e+01, v15  }
0x299: {  	v17 =	vtrunc.f32 v53  }
0x29a: {  	v17 =	vcvt.f32.s32 v17;
	v15 =	vmul.f32 v15, v15;
	_ =	sdelay $0x1  }
0x29b: {  	vm8 =	vle.f32 v10, $1.000000010e-01;
	v54 =	vadd.s32 v0, v17;
	v55 =	vmin.f32 v15, $2.550000000e+02  }
0x29c: {  	s5 =	sor.u32 s1, s21;
	v10 =	vsel vm8, v54, v2;
	v17 =	vtrunc.f32 v55  }
0x29d: {  	[tilespmem:v13+s22+$0x0] =	vst.idx.add.f32.msk $0xffff, v7;
	s5 =	sor.u32 s23, s5;
	v17 =	vcvt.f32.s32 v17  }
0x29e: {  	v7 =	vld [tilespmem:s5+$0x0]  }
0x29f: {  	v13 =	vld [tilespmem:s5+$0xC000];
	vm9 =	vle.f32 v8, $1.000000010e-01;
	v56 =	vadd.s32 v0, v17  }
0x2a0: {  	v8 =	vsel vm9, v56, v2  }
0x2a1: {  	s28 =	sor.u32 s1, s24;
	[tilespmem:v10+s0+$0x0] =	vst.idx.add.f32.msk $0xffff, v3  }
0x2a2: {  	s6 =	sor.u32 s7, s28;
	[tilespmem:v10+s22+$0x0] =	vst.idx.add.f32.msk $0xffff, v16  }
0x2a3: {  	v10 =	vld [tilespmem:s6+$0x0]  }
0x2a4: {  	v13 =	vsub.f32 v13, v7;
	v16 =	vld [tilespmem:s6+$0xC000]  }
0x2a5: {  	s30 =	sor.u32 s1, s29;
	[tilespmem:v8+s0+$0x0] =	vst.idx.add.f32.msk $0xffff, v3  }
0x2a6: {  	s1 =	sor.u32 s2, s30;
	v57 =	vmul.f32 $1.600000000e+01, v13;
	[tilespmem:v8+s22+$0x0] =	vst.idx.add.f32.msk $0xffff, v15  }
0x2a7: {  	v58 =	vld [tilespmem:s1+$0x0]  }
0x2a8: {  	v8 =	vmul.f32 v57, v57;
	v15 =	vld [tilespmem:s1+$0xC000]  }
0x2a9: {  	v16 =	vsub.f32 v16, v10  }
0x2aa: {  	v59 =	vmin.f32 v8, $2.550000000e+02  }
0x2ab: {  	v16 =	vmul.f32 $1.600000000e+01, v16;
	v17 =	vtrunc.f32 v59  }
0x2ac: {  	v17 =	vcvt.f32.s32 v17  }
0x2ad: {  	v16 =	vmul.f32 v16, v16;
	v15 =	vsub.f32 v15, v58  }
0x2ae: {  	vm10 =	vle.f32 v7, $1.000000010e-01;
	v60 =	vadd.s32 v0, v17  }
0x2af: {  	v61 =	vmin.f32 v16, $2.550000000e+02;
	v7 =	vsel vm10, v60, v2;
	v15 =	vmul.f32 $1.600000000e+01, v15  }
0x2b0: {  	v17 =	vtrunc.f32 v61  }
0x2b1: {  	v17 =	vcvt.f32.s32 v17;
	v15 =	vmul.f32 v15, v15;
	_ =	sdelay $0x1  }
0x2b2: {  	vm11 =	vle.f32 v10, $1.000000010e-01;
	v62 =	vadd.s32 v0, v17;
	v63 =	vmin.f32 v15, $2.550000000e+02  }
0x2b3: {  	v10 =	vsel vm11, v62, v2;
	[tilespmem:v7+s31+$0x0] =	vst.idx.add.f32.msk $0xffff, v3;
	v17 =	vtrunc.f32 v63  }
0x2b4: {  	[tilespmem:v7+s4+$0x0] =	vst.idx.add.f32.msk $0xffff, v8;
	v17 =	vcvt.f32.s32 v17  }
0x2b5: {  	v7 =	vld [tilespmem:s5+$0x6000]  }
0x2b6: {  	vm12 =	vle.f32 v58, $1.000000010e-01;
	v20 =	vld [tilespmem:s5+$0x12000];
	v19 =	vadd.s32 v0, v17  }
0x2b7: {  	v14 =	vsub.f32 v14, v9;
	v8 =	vsel vm12, v19, v2  }
0x2b8: {  	[tilespmem:v10+s31+$0x0] =	vst.idx.add.f32.msk $0xffff, v3  }
0x2b9: {  	v21 =	vmul.f32 $1.600000000e+01, v14;
	[tilespmem:v10+s4+$0x0] =	vst.idx.add.f32.msk $0xffff, v16  }
0x2ba: {  	v22 =	vld [tilespmem:s6+$0x6000]  }
0x2bb: {  	v10 =	vmul.f32 v21, v21;
	v16 =	vld [tilespmem:s6+$0x12000];
	v13 =	vsub.f32 v20, v7  }
0x2bc: {  	[tilespmem:v8+s31+$0x0] =	vst.idx.add.f32.msk $0xffff, v3  }
0x2bd: {  	v23 =	vmin.f32 v10, $2.550000000e+02;
	v13 =	vmul.f32 $1.600000000e+01, v13;
	[tilespmem:v8+s4+$0x0] =	vst.idx.add.f32.msk $0xffff, v15  }
0x2be: {  	v8 =	vtrunc.f32 v23;
	v15 =	vld [tilespmem:s1+$0x6000]  }
0x2bf: {  	v13 =	vmul.f32 v13, v13;
	v24 =	vld [tilespmem:s1+$0x12000];
	v8 =	vcvt.f32.s32 v8  }
0x2c0: {  	v16 =	vsub.f32 v16, v22  }
0x2c1: {  	vm13 =	vle.f32 v9, $1.000000010e-01;
	v25 =	vmin.f32 v13, $2.550000000e+02;
	v8 =	vadd.s32 v0, v8  }
0x2c2: {  	v16 =	vmul.f32 $1.600000000e+01, v16;
	v9 =	vtrunc.f32 v25;
	v8 =	vsel vm13, v8, v2  }
0x2c3: {  	v9 =	vcvt.f32.s32 v9  }
0x2c4: {  	v16 =	vmul.f32 v16, v16;
	v17 =	vsub.f32 v24, v15  }
0x2c5: {  	vm14 =	vle.f32 v7, $1.000000010e-01;
	v26 =	vadd.s32 v0, v9  }
0x2c6: {  	v27 =	vmin.f32 v16, $2.550000000e+02;
	v7 =	vsel vm14, v26, v2;
	v17 =	vmul.f32 $1.600000000e+01, v17  }
0x2c7: {  	s6 =	sor.u32 s25, s20;
	v9 =	vtrunc.f32 v27;
	[tilespmem:v8+s0+$0x0] =	vst.idx.add.f32.msk $0xffff, v3  }
0x2c8: {  	s1 =	sor.u32 s19, s6;
	v9 =	vcvt.f32.s32 v9;
	v17 =	vmul.f32 v17, v17;
	[tilespmem:v8+s22+$0x0] =	vst.idx.add.f32.msk $0xffff, v10  }
0x2c9: {  	v8 =	vld [tilespmem:s1+$0x0]  }
0x2ca: {  	vm15 =	vle.f32 v22, $1.000000010e-01;
	v9 =	vadd.s32 v0, v9;
	v29 =	vld [tilespmem:s1+$0xC000];
	v28 =	vmin.f32 v17, $2.550000000e+02  }
0x2cb: {  	s9 =	sor.u32 s25, s21;
	v9 =	vsel vm15, v9, v2;
	[tilespmem:v7+s0+$0x0] =	vst.idx.add.f32.msk $0xffff, v3;
	v10 =	vtrunc.f32 v28  }
0x2cc: {  	s5 =	sor.u32 s23, s9;
	[tilespmem:v7+s22+$0x0] =	vst.idx.add.f32.msk $0xffff, v13;
	v10 =	vcvt.f32.s32 v10  }
0x2cd: {  	v7 =	vld [tilespmem:s5+$0x0]  }
0x2ce: {  	v12 =	vmul.f32 v12, v12;
	vm4 =	vle.f32 v15, $1.000000010e-01;
	v13 =	vld [tilespmem:s5+$0xC000];
	v10 =	vadd.s32 v0, v10  }
0x2cf: {  	v14 =	vsub.f32 v29, v8;
	v10 =	vsel vm4, v10, v2  }
0x2d0: {  	s10 =	sor.u32 s25, s24;
	v30 =	vmin.f32 v12, $2.550000000e+02;
	[tilespmem:v9+s0+$0x0] =	vst.idx.add.f32.msk $0xffff, v3  }
0x2d1: {  	s9 =	sor.u32 s7, s10;
	[tilespmem:v9+s22+$0x0] =	vst.idx.add.f32.msk $0xffff, v16;
	v9 =	vtrunc.f32 v30;
	v14 =	vmul.f32 $1.600000000e+01, v14  }
0x2d2: {  	v31 =	vld [tilespmem:s9+$0x0];
	v9 =	vcvt.f32.s32 v9  }
0x2d3: {  	v16 =	vld [tilespmem:s9+$0xC000];
	v13 =	vsub.f32 v13, v7;
	v14 =	vmul.f32 v14, v14  }
0x2d4: {  	s11 =	sor.u32 s25, s29;
	vm5 =	vle.f32 v6, $1.000000010e-01;
	v32 =	vadd.s32 v0, v9;
	[tilespmem:v10+s0+$0x0] =	vst.idx.add.f32.msk $0xffff, v3  }
0x2d5: {  	s6 =	sor.u32 s2, s11;
	v6 =	vsel vm5, v32, v2;
	v34 =	vmul.f32 $1.600000000e+01, v13;
	v33 =	vmin.f32 v14, $2.550000000e+02;
	[tilespmem:v10+s22+$0x0] =	vst.idx.add.f32.msk $0xffff, v17  }
0x2d6: {  	v9 =	vtrunc.f32 v33;
	v35 =	vld [tilespmem:s6+$0x0]  }
0x2d7: {  	v10 =	vmul.f32 v34, v34;
	v17 =	vld [tilespmem:s6+$0xC000];
	v9 =	vcvt.f32.s32 v9  }
0x2d8: {  	v11 =	vsel vm0, v11, v2;
	v16 =	vsub.f32 v16, v31  }
0x2d9: {  	vm6 =	vle.f32 v8, $1.000000010e-01;
	v37 =	vmin.f32 v10, $2.550000000e+02;
	v36 =	vadd.s32 v0, v9  }
0x2da: {  	v16 =	vmul.f32 $1.600000000e+01, v16;
	[tilespmem:v6+s31+$0x0] =	vst.idx.add.f32.msk $0xffff, v3;
	v9 =	vtrunc.f32 v37;
	v8 =	vsel vm6, v36, v2  }
0x2db: {  	[tilespmem:v6+s4+$0x0] =	vst.idx.add.f32.msk $0xffff, v12;
	v9 =	vcvt.f32.s32 v9  }
0x2dc: {  	v16 =	vmul.f32 v16, v16;
	v6 =	vld [tilespmem:s3+$0x6000];
	v17 =	vsub.f32 v17, v35  }
0x2dd: {  	vm7 =	vle.f32 v7, $1.000000010e-01;
	v41 =	vld [tilespmem:s3+$0x12000];
	v38 =	vadd.s32 v0, v9  }
0x2de: {  	[tilespmem:v11+s0+$0x0] =	vst.idx.add.f32.msk $0xffff, v3;
	v39 =	vmin.f32 v16, $2.550000000e+02;
	v7 =	vsel vm7, v38, v2;
	v40 =	vmul.f32 $1.600000000e+01, v17  }
0x2df: {  	v9 =	vtrunc.f32 v39;
	[tilespmem:v8+s31+$0x0] =	vst.idx.add.f32.msk $0xffff, v3  }
0x2e0: {  	v9 =	vcvt.f32.s32 v9;
	v12 =	vmul.f32 v40, v40;
	[tilespmem:v8+s4+$0x0] =	vst.idx.add.f32.msk $0xffff, v14  }
0x2e1: {  	vm8 =	vle.f32 v31, $1.000000010e-01;
	v8 =	vld [tilespmem:s1+$0x6000]  }
0x2e2: {  	v9 =	vadd.s32 v0, v9;
	v17 =	vsub.f32 v41, v6;
	v43 =	vld [tilespmem:s1+$0x12000];
	v42 =	vmin.f32 v12, $2.550000000e+02  }
0x2e3: {  	v9 =	vsel vm8, v9, v2;
	[tilespmem:v7+s31+$0x0] =	vst.idx.add.f32.msk $0xffff, v3;
	v14 =	vtrunc.f32 v42  }
0x2e4: {  	v44 =	vmul.f32 $1.600000000e+01, v17;
	[tilespmem:v7+s4+$0x0] =	vst.idx.add.f32.msk $0xffff, v10;
	v14 =	vcvt.f32.s32 v14  }
0x2e5: {  	v10 =	vld [tilespmem:s5+$0x6000]  }
0x2e6: {  	vm9 =	vle.f32 v35, $1.000000010e-01;
	v7 =	vmul.f32 v44, v44;
	v46 =	vld [tilespmem:s5+$0x12000];
	v45 =	vadd.s32 v0, v14  }
0x2e7: {  	[tilespmem:v11+s22+$0x0] =	vst.idx.add.f32.msk $0xffff, v5;
	v15 =	vsub.f32 v43, v8;
	v13 =	vsel vm9, v45, v2  }
0x2e8: {  	[tilespmem:v9+s31+$0x0] =	vst.idx.add.f32.msk $0xffff, v3;
	v47 =	vmin.f32 v7, $2.550000000e+02  }
0x2e9: {  	[tilespmem:v9+s4+$0x0] =	vst.idx.add.f32.msk $0xffff, v16;
	v9 =	vtrunc.f32 v47;
	v15 =	vmul.f32 $1.600000000e+01, v15  }
0x2ea: {  	v16 =	vld [tilespmem:s9+$0x6000];
	v9 =	vcvt.f32.s32 v9  }
0x2eb: {  	v48 =	vld [tilespmem:s9+$0x12000];
	v14 =	vsub.f32 v46, v10;
	v15 =	vmul.f32 v15, v15  }
0x2ec: {  	vm10 =	vle.f32 v6, $1.000000010e-01;
	v49 =	vadd.s32 v0, v9;
	[tilespmem:v13+s31+$0x0] =	vst.idx.add.f32.msk $0xffff, v3  }
0x2ed: {  	v6 =	vsel vm10, v49, v2;
	v51 =	vmul.f32 $1.600000000e+01, v14;
	v50 =	vmin.f32 v15, $2.550000000e+02;
	[tilespmem:v13+s4+$0x0] =	vst.idx.add.f32.msk $0xffff, v12  }
0x2ee: {  	s15 =	sor.u32 s8, s13;
	v9 =	vtrunc.f32 v50;
	v13 =	vld [tilespmem:s6+$0x6000]  }
0x2ef: {  	s1 =	sor.u32 s14, s15;
	v53 =	vmul.f32 v51, v51;
	v52 =	vld [tilespmem:s6+$0x12000];
	v5 =	vcvt.f32.s32 v9  }
0x2f0: {  	v55 =	vld [tilespmem:s1+$0x0];
	v54 =	vsub.f32 v48, v16  }
0x2f1: {  	v56 =	vld [tilespmem:s1+$0xC000];
	vm11 =	vle.f32 v8, $1.000000010e-01;
	v57 =	vmin.f32 v53, $2.550000000e+02;
	v5 =	vadd.s32 v0, v5  }
0x2f2: {  	s17 =	sor.u32 s8, s17;
	v11 =	vmul.f32 $1.600000000e+01, v54;
	[tilespmem:v6+s0+$0x0] =	vst.idx.add.f32.msk $0xffff, v3;
	v17 =	vtrunc.f32 v57;
	v5 =	vsel vm11, v5, v2  }
0x2f3: {  	s3 =	sor.u32 s18, s17;
	[tilespmem:v6+s22+$0x0] =	vst.idx.add.f32.msk $0xffff, v7;
	v17 =	vcvt.f32.s32 v17  }
0x2f4: {  	v11 =	vmul.f32 v11, v11;
	v6 =	vld [tilespmem:s3+$0x0];
	v14 =	vsub.f32 v52, v13  }
0x2f5: {  	vm12 =	vle.f32 v10, $1.000000010e-01;
	v60 =	vld [tilespmem:s3+$0xC000];
	v58 =	vadd.s32 v0, v17  }
0x2f6: {  	v59 =	vmin.f32 v11, $2.550000000e+02;
	v7 =	vsel vm12, v58, v2;
	v14 =	vmul.f32 $1.600000000e+01, v14  }
0x2f7: {  	s20 =	sor.u32 s8, s20;
	v8 =	vsub.f32 v56, v55;
	v10 =	vtrunc.f32 v59;
	[tilespmem:v5+s0+$0x0] =	vst.idx.add.f32.msk $0xffff, v3  }
0x2f8: {  	s5 =	sor.u32 s19, s20;
	v10 =	vcvt.f32.s32 v10;
	v14 =	vmul.f32 v14, v14;
	[tilespmem:v5+s22+$0x0] =	vst.idx.add.f32.msk $0xffff, v15  }
0x2f9: {  	v8 =	vmul.f32 $1.600000000e+01, v8;
	vm13 =	vle.f32 v16, $1.000000010e-01;
	v5 =	vld [tilespmem:s5+$0x0]  }
0x2fa: {  	v10 =	vadd.s32 v0, v10;
	v17 =	vsub.f32 v60, v6;
	v62 =	vld [tilespmem:s5+$0xC000];
	v61 =	vmin.f32 v14, $2.550000000e+02  }
0x2fb: {  	s25 =	sor.u32 s8, s21;
	v8 =	vmul.f32 v8, v8;
	v10 =	vsel vm13, v10, v2;
	[tilespmem:v7+s0+$0x0] =	vst.idx.add.f32.msk $0xffff, v3;
	v15 =	vtrunc.f32 v61  }
0x2fc: {  	s6 =	sor.u32 s23, s25;
	v63 =	vmul.f32 $1.600000000e+01, v17;
	[tilespmem:v7+s22+$0x0] =	vst.idx.add.f32.msk $0xffff, v53;
	v15 =	vcvt.f32.s32 v15  }
0x2fd: {  	v19 =	vmin.f32 v8, $2.550000000e+02;
	v9 =	vld [tilespmem:s6+$0x0]  }
0x2fe: {  	vm14 =	vle.f32 v13, $1.000000010e-01;
	v7 =	vmul.f32 v63, v63;
	v22 =	vld [tilespmem:s6+$0xC000];
	v20 =	vadd.s32 v0, v15  }
0x2ff: {  	v18 =	vld [tilespmem:s16+$0x12000];
	v21 =	vtrunc.f32 v19;
	v13 =	vsel vm14, v20, v2  }
0x300: {  	s26 =	sor.u32 s8, s24;
	[tilespmem:v10+s0+$0x0] =	vst.idx.add.f32.msk $0xffff, v3;
	v24 =	vmin.f32 v7, $2.550000000e+02;
	v15 =	vcvt.f32.s32 v21;
	v16 =	vsub.f32 v62, v5  }
0x301: {  	s28 =	sor.u32 s7, s26;
	vm15 =	vle.f32 v55, $1.000000010e-01;
	[tilespmem:v10+s22+$0x0] =	vst.idx.add.f32.msk $0xffff, v11;
	v11 =	vtrunc.f32 v24  }
0x302: {  	v26 =	vld [tilespmem:s28+$0x0];
	v11 =	vcvt.f32.s32 v11;
	v23 =	vadd.s32 v0, v15;
	v25 =	vmul.f32 $1.600000000e+01, v16  }
0x303: {  	v27 =	vld [tilespmem:s28+$0xC000];
	v10 =	vsel vm15, v23, v2;
	v17 =	vsub.f32 v22, v9  }
0x304: {  	s29 =	sor.u32 s8, s29;
	vm4 =	vle.f32 v6, $1.000000010e-01;
	v28 =	vadd.s32 v0, v11;
	v12 =	vmul.f32 v25, v25;
	[tilespmem:v13+s0+$0x0] =	vst.idx.add.f32.msk $0xffff, v3  }
0x305: {  	s30 =	sor.u32 s2, s29;
	v6 =	vsel vm4, v28, v2;
	[tilespmem:v13+s22+$0x0] =	vst.idx.add.f32.msk $0xffff, v14  }
0x306: {  	v30 =	vmul.f32 $1.600000000e+01, v17;
	v29 =	vmin.f32 v12, $2.550000000e+02;
	v14 =	vld [tilespmem:s30+$0x0]  }
0x307: {  	v11 =	vtrunc.f32 v29;
	v31 =	vld [tilespmem:s30+$0xC000]  }
0x308: {  	v16 =	vsub.f32 v27, v26;
	v13 =	vmul.f32 v30, v30;
	[tilespmem:v10+s31+$0x0] =	vst.idx.add.f32.msk $0xffff, v3;
	v11 =	vcvt.f32.s32 v11  }
0x309: {  	vm5 =	vle.f32 v5, $1.000000010e-01;
	[tilespmem:v10+s4+$0x0] =	vst.idx.add.f32.msk $0xffff, v8  }
0x30a: {  	v34 =	vmul.f32 $1.600000000e+01, v16;
	v33 =	vmin.f32 v13, $2.550000000e+02;
	[tilespmem:v6+s31+$0x0] =	vst.idx.add.f32.msk $0xffff, v3;
	v32 =	vadd.s32 v0, v11  }
0x30b: {  	v5 =	vld [tilespmem:s1+$0x6000];
	v10 =	vtrunc.f32 v33;
	v8 =	vsel vm5, v32, v2  }
0x30c: {  	v35 =	vld [tilespmem:s1+$0x12000];
	v11 =	vmul.f32 v34, v34;
	v10 =	vcvt.f32.s32 v10;
	v17 =	vsub.f32 v31, v14  }
0x30d: {  	vm6 =	vle.f32 v9, $1.000000010e-01;
	[tilespmem:v6+s4+$0x0] =	vst.idx.add.f32.msk $0xffff, v7  }
0x30e: {  	v6 =	vld [tilespmem:s3+$0x6000];
	v37 =	vmin.f32 v11, $2.550000000e+02;
	v36 =	vadd.s32 v0, v10;
	v38 =	vmul.f32 $1.600000000e+01, v17  }
0x30f: {  	v39 =	vld [tilespmem:s3+$0x12000];
	v9 =	vtrunc.f32 v37;
	v7 =	vsel vm6, v36, v2  }
0x310: {  	v9 =	vcvt.f32.s32 v9;
	[tilespmem:v8+s31+$0x0] =	vst.idx.add.f32.msk $0xffff, v3;
	v10 =	vmul.f32 v38, v38  }
0x311: {  	[tilespmem:v8+s4+$0x0] =	vst.idx.add.f32.msk $0xffff, v12  }
0x312: {  	vm7 =	vle.f32 v26, $1.000000010e-01;
	v9 =	vadd.s32 v0, v9;
	v8 =	vld [tilespmem:s5+$0x6000];
	v40 =	vmin.f32 v10, $2.550000000e+02  }
0x313: {  	v9 =	vsel vm7, v9, v2;
	v42 =	vld [tilespmem:s5+$0x12000];
	v12 =	vtrunc.f32 v40  }
0x314: {  	[tilespmem:v7+s31+$0x0] =	vst.idx.add.f32.msk $0xffff, v3;
	v12 =	vcvt.f32.s32 v12  }
0x315: {  	v41 =	vsub.f32 v18, v4;
	[tilespmem:v7+s4+$0x0] =	vst.idx.add.f32.msk $0xffff, v13  }
0x316: {  	vm8 =	vle.f32 v14, $1.000000010e-01;
	v7 =	vld [tilespmem:s6+$0x6000];
	v12 =	vadd.s32 v0, v12  }
0x317: {  	v15 =	vmul.f32 $1.600000000e+01, v41;
	v44 =	vsub.f32 v35, v5;
	v45 =	vld [tilespmem:s6+$0x12000];
	v12 =	vsel vm8, v12, v2  }
0x318: {  	[tilespmem:v9+s31+$0x0] =	vst.idx.add.f32.msk $0xffff, v3  }
0x319: {  	v43 =	vmul.f32 v15, v15;
	v17 =	vsub.f32 v39, v6;
	v14 =	vmul.f32 $1.600000000e+01, v44;
	[tilespmem:v9+s4+$0x0] =	vst.idx.add.f32.msk $0xffff, v11  }
0x31a: {  	vm9 =	vle.f32 v4, $1.000000010e-01;
	v11 =	vld [tilespmem:s28+$0x6000]  }
0x31b: {  	v46 =	vmin.f32 v43, $2.550000000e+02;
	v48 =	vmul.f32 $1.600000000e+01, v17;
	v14 =	vmul.f32 v14, v14;
	v49 =	vld [tilespmem:s28+$0x12000]  }
0x31c: {  	v47 =	vtrunc.f32 v46;
	vm10 =	vle.f32 v5, $1.000000010e-01;
	vm11 =	vle.f32 v6, $1.000000010e-01;
	[tilespmem:v12+s31+$0x0] =	vst.idx.add.f32.msk $0xffff, v3  }
0x31d: {  	v16 =	vmul.f32 v48, v48;
	v4 =	vmin.f32 v14, $2.550000000e+02;
	v18 =	vsub.f32 v42, v8;
	[tilespmem:v12+s4+$0x0] =	vst.idx.add.f32.msk $0xffff, v10  }
0x31e: {  	v4 =	vtrunc.f32 v4;
	v9 =	vcvt.f32.s32 v47;
	v15 =	vsub.f32 v45, v7;
	v12 =	vld [tilespmem:s30+$0x6000]  }
0x31f: {  	v51 =	vmin.f32 v16, $2.550000000e+02;
	v4 =	vcvt.f32.s32 v4;
	v50 =	vmul.f32 $1.600000000e+01, v18;
	v52 =	vld [tilespmem:s30+$0x12000]  }
0x320: {  	v9 =	vadd.s32 v0, v9;
	v18 =	vtrunc.f32 v51;
	v15 =	vmul.f32 $1.600000000e+01, v15  }
0x321: {  	v4 =	vadd.s32 v0, v4;
	v17 =	vsub.f32 v49, v11;
	v10 =	vmul.f32 v50, v50  }
0x322: {  	v9 =	vsel vm9, v9, v2;
	v5 =	vcvt.f32.s32 v18;
	v15 =	vmul.f32 v15, v15  }
0x323: {  	v4 =	vsel vm10, v4, v2;
	v17 =	vmul.f32 $1.600000000e+01, v17;
	v53 =	vmin.f32 v10, $2.550000000e+02  }
0x324: {  	v56 =	vmin.f32 v15, $2.550000000e+02;
	v54 =	vtrunc.f32 v53;
	v55 =	vsub.f32 v52, v12  }
0x325: {  	vm12 =	vle.f32 v8, $1.000000010e-01;
	v17 =	vmul.f32 v17, v17;
	v57 =	vtrunc.f32 v56  }
0x326: {  	v5 =	vadd.s32 v0, v5;
	v6 =	vcvt.f32.s32 v54;
	v18 =	vmul.f32 $1.600000000e+01, v55  }
0x327: {  	vm13 =	vle.f32 v7, $1.000000010e-01;
	v5 =	vsel vm11, v5, v2;
	v8 =	vcvt.f32.s32 v57  }
0x328: {  	[tilespmem:v9+s0+$0x0] =	vst.idx.add.f32.msk $0xffff, v3;
	v58 =	vmin.f32 v17, $2.550000000e+02;
	v6 =	vadd.s32 v0, v6;
	v18 =	vmul.f32 v18, v18  }
0x329: {  	[tilespmem:v4+s0+$0x0] =	vst.idx.add.f32.msk $0xffff, v3;
	v59 =	vtrunc.f32 v58;
	v8 =	vadd.s32 v0, v8;
	v6 =	vsel vm12, v6, v2  }
0x32a: {  	[tilespmem:v4+s22+$0x0] =	vst.idx.add.f32.msk $0xffff, v14;
	v7 =	vcvt.f32.s32 v59;
	v4 =	vsel vm13, v8, v2;
	v60 =	vmin.f32 v18, $2.550000000e+02  }
0x32b: {  	[tilespmem:v9+s22+$0x0] =	vst.idx.add.f32.msk $0xffff, v43;
	v61 =	vtrunc.f32 v60  }
0x32c: {  	vm14 =	vle.f32 v11, $1.000000010e-01;
	[tilespmem:v5+s0+$0x0] =	vst.idx.add.f32.msk $0xffff, v3;
	v7 =	vadd.s32 v0, v7;
	v8 =	vcvt.f32.s32 v61  }
0x32d: {  	[tilespmem:v5+s22+$0x0] =	vst.idx.add.f32.msk $0xffff, v16;
	v5 =	vsel vm14, v7, v2  }
0x32e: {  	vm15 =	vle.f32 v12, $1.000000010e-01;
	[tilespmem:v6+s0+$0x0] =	vst.idx.add.f32.msk $0xffff, v3;
	v62 =	vadd.s32 v0, v8  }
0x32f: {  	s12 =	sadd.s32 $0x1, s12;
	[tilespmem:v4+s0+$0x0] =	vst.idx.add.f32.msk $0xffff, v3;
	v63 =	vsel vm15, v62, v2  }
0x330: {  	p1 =	sne.s32 s12, $0x8;
	[tilespmem:v6+s22+$0x0] =	vst.idx.add.f32.msk $0xffff, v10  }
.Ltmp6:
0x331: {  	[tilespmem:v4+s22+$0x0] =	vst.idx.add.f32.msk $0xffff, v15;
	(pc) =	sbr.rel @p1 .LBB2_9-.Ltmp6, $4  }
0x332: {  	[tilespmem:v5+s0+$0x0] =	vst.idx.add.f32.msk $0xffff, v3  }
0x333: {  	[tilespmem:v5+s22+$0x0] =	vst.idx.add.f32.msk $0xffff, v17  }
0x334: {  	[tilespmem:v63+s0+$0x0] =	vst.idx.add.f32.msk $0xffff, v3  }
0x335: {  	[tilespmem:v63+s22+$0x0] =	vst.idx.add.f32.msk $0xffff, v18  }
.Ltmp7:
0x336: {  	(pc) =	sbr.rel @p0 .LBB2_14-.Ltmp7, $1  }
0x337: {  	_ =	sdelay $0x3  }
0x338: {  	s1 =	rddreg [dreg:$0xf]  }
0x339: {  	s2 =	rddreg [dreg:$0x17]  }
0x33a: {  	s1 =	sadd.s32 s2, s1  }
0x33b: {  	s1 =	sshrl.u32 s1, $0x3  }
0x33c: {  	s1 =	smul.u32 $0x180, s1  }
0x33d: {  	s21 =	rddreg [dreg:$0x0];
	s3 =	simm.s32 $0x0  }
0x33e: {  	s5 =	simm.s32 $0x3000;
	s23 =	rddreg [dreg:$0x1];
	s2 =	sadd.s32 s21, s1  }
0x33f: {  	[tilespmem:s5], [sflag:$0x1] =	stream.linear.gather [hbm4b:s2+s3], $0x3000, $0x38;
	[tilespmem:$0x1C600] =	vst v63  }
0x340: {  	s24 =	simm.s32 $0x9000;
	s25 =	rddreg [dreg:$0x2];
	s2 =	sadd.s32 s23, s1  }
0x341: {  	[tilespmem:s24], [sflag:$0x1] =	stream.linear.gather [hbm4b:s2+s3], $0x3000, $0x38;
	[tilespmem:$0x1C600] =	vst v63  }
0x342: {  	s26 =	simm.s32 $0xF000;
	s2 =	sadd.s32 s25, s1  }
0x343: {  	[tilespmem:s26], [sflag:$0x1] =	stream.linear.gather [hbm4b:s2+s3], $0x3000, $0x38;
	[tilespmem:$0x1C600] =	vst v63  }
.Ltmp8:
0x344: {  	s28 =	rddreg [dreg:$0x3];
	(pc) =	sbr.rel .LBB2_4-.Ltmp8, $4  }
0x345: {  	s29 =	simm.s32 $0x15000;
	s30 =	rddreg [dreg:$0x16];
	s1 =	sadd.s32 s28, s1  }
0x346: {  	[tilespmem:s29], [sflag:$0x1] =	stream.linear.gather [hbm4b:s1+s3], $0x3000, $0x38;
	[tilespmem:$0x1C600] =	vst v63  }
0x347: {  	s1 =	sadd.s32 $0x1, s30  }
0x348: {  	[dreg:$0x16] =	wrdreg s1  }
.LBB2_15:
0x349: {  	_ =	sfence.sel $0x180000  }
0x34a: {  	[bflag:$0x0] =	sbarrier.arrive $0xFFFF  }
0x34b: {  	_ =	strace $0x90000047  }
0x34c: {  	s0 =	stileid.u32;
	[bflag:$0x2] =	sbarrier.arrive $0xFFFF  }
0x34d: {  	p0 =	sne.s32 s0, $0x0;
	s0 =	rddreg [dreg:$0x5]  }
0x34e: {  	s0 =	sadd.s32 @!p0 $0x100000, s0  }
0x34f: {  	[sflag:s0] =	ssyncadd.tile.s32 @!p0 $0x1;
	_ =	shalt  }
.Lfunc_end2:
_tile_overlayer_lowered:
.L_overlay_start_2:
0x350: {  	(tag) =	ssettag $0x2  }
0x351: {  	s0 =	rddreg [dreg:$0x0];
	s2 =	stileid.u32  }
0x352: {  	s1 =	rddreg [dreg:$0x1];
	p0 =	sne.s32 s2, $0x0  }
0x353: {  	s3 =	rddreg [dreg:$0x2];
	[bflag:$0x3] =	sbarrier.arrive $0xFFFF;
	s2 =	simm.s32 @!p0 $0x1C02  }
0x354: {  	[timem:s3], [sflag:s2] =	dma.local @!p0 [hbm:s0], s1  }
0x355: {  	s0 =	simm.s32 @!p0 $0x2  }
0x356: {  	_ =	swait.ge @!p0 [sflag:s0], s1  }
0x357: {  	s1 =	ssub.s32 @!p0 $0x0, s1;
	[sflag:s0] =	ssyncset.done @!p0 $0x0  }
0x358: {  	[sflag:s0] =	ssyncadd.s32 @!p0 s1  }
0x359: {  	[bflag:$0x3] =	sbarrier.arrive $0xFFFF  }
0x35a: {  	_ =	shalt  }

</sc_bundles>
